<compile_context>
chip_gen: v7x
topology: tpu7x:2x2x1
jax: 0.10.2.dev20260603
libtpu: 0.0.44.dev20260713+nightly
codegen_flags: <defaults>
</compile_context>

<pallas_src>
import functools

import jax
import jax.numpy as jnp
from jax import lax
from jax.experimental import pallas as pl
from jax.experimental.pallas import tpu as pltpu
from jax.experimental.pallas import tpu_sc as plsc

_NUM_CLASSES = 21
_NEGPOS_RATIO = 3
_VAR0, _VAR1 = 0.1, 0.2
_OVERLAP = 0.5
_P = 8732
_RS, _LS = 72, 128
_PP = _RS * _LS
_O = 16
_B = 32
_NEG_INF = float("-inf")
_NC = 2
_CH = _PP // 16


def _smooth_l1(d):
    ad = jnp.abs(d)
    return jnp.where(ad < 1.0, 0.5 * d * d, ad - 0.5)


def _key_of(bits):
    return jnp.where(bits >= 0, bits, bits ^ jnp.int32(0x7FFFFFFF))


def _mbl_body(tgt_ref, conf_ref, loc_ref, pri_ref, out_l, out_c, out_n,
              key_out, kv_out):
    b = pl.program_id(0)

    ridx = lax.broadcasted_iota(jnp.int32, (_RS, _LS), 0)
    lidx = lax.broadcasted_iota(jnp.int32, (_RS, _LS), 1)
    pidx = ridx * _LS + lidx
    valid = pidx < _P

    cx = pri_ref[0]
    cy = pri_ref[1]
    w = pri_ref[2]
    h = pri_ref[3]
    px0 = cx - w * 0.5
    py0 = cy - h * 0.5
    px1 = cx + w * 0.5
    py1 = cy + h * 0.5
    areas_b = (px1 - px0) * (py1 - py0)

    tx0 = [tgt_ref[0, t, 0] for t in range(_O)]
    ty0 = [tgt_ref[0, t, 1] for t in range(_O)]
    tx1 = [tgt_ref[0, t, 2] for t in range(_O)]
    ty1 = [tgt_ref[0, t, 3] for t in range(_O)]
    tlab = [tgt_ref[0, t, 4] for t in range(_O)]

    bto = jnp.zeros((_RS, _LS), jnp.float32)
    bti = jnp.zeros((_RS, _LS), jnp.int32)
    ovl = []
    for t in range(_O):
        iw = jnp.clip(jnp.minimum(tx1[t], px1) - jnp.maximum(tx0[t], px0), 0.0, None)
        ih = jnp.clip(jnp.minimum(ty1[t], py1) - jnp.maximum(ty0[t], py0), 0.0, None)
        inter = iw * ih
        area_a = (tx1[t] - tx0[t]) * (ty1[t] - ty0[t])
        ov = inter / (area_a + areas_b - inter)
        upd = ov > bto
        bti = jnp.where(upd, t, bti)
        bto = jnp.where(upd, ov, bto)
        ovl.append(ov)

    ovs = jnp.stack(ovl)
    m16 = jnp.max(jnp.max(ovs, axis=2), axis=1)
    cand = jnp.where(ovs == m16[:, None, None], pidx[None], _PP)
    bpi16 = jnp.min(jnp.min(cand, axis=2), axis=1)

    tno = lax.broadcasted_iota(jnp.int32, (_O, _RS, _LS), 0)
    win = jnp.max(jnp.where(pidx[None] == bpi16[:, None, None], tno, -1),
                  axis=0)
    forced = win >= 0
    bto = jnp.where(forced, 2.0, bto)
    bti = jnp.where(forced, win, bti)

    mx0 = jnp.zeros((_RS, _LS), jnp.float32)
    my0 = jnp.zeros((_RS, _LS), jnp.float32)
    mx1 = jnp.zeros((_RS, _LS), jnp.float32)
    my1 = jnp.zeros((_RS, _LS), jnp.float32)
    mlab = jnp.zeros((_RS, _LS), jnp.float32)
    for t in range(_O):
        sel = bti == t
        mx0 = jnp.where(sel, tx0[t], mx0)
        my0 = jnp.where(sel, ty0[t], my0)
        mx1 = jnp.where(sel, tx1[t], mx1)
        my1 = jnp.where(sel, ty1[t], my1)
        mlab = jnp.where(sel, tlab[t], mlab)

    conf_t = jnp.where(bto < _OVERLAP, 0, mlab.astype(jnp.int32))
    pos = conf_t > 0
    posf = pos.astype(jnp.float32)
    npos = jnp.sum(conf_t > 0, dtype=jnp.int32)

    g_cx = ((mx0 + mx1) * 0.5 - cx) / (_VAR0 * w)
    g_cy = ((my0 + my1) * 0.5 - cy) / (_VAR0 * h)
    g_w = jnp.log((mx1 - mx0) / w) * (1.0 / _VAR1)
    g_h = jnp.log((my1 - my0) / h) * (1.0 / _VAR1)
    sl = (_smooth_l1(loc_ref[0, 0] - g_cx) + _smooth_l1(loc_ref[0, 1] - g_cy)
          + _smooth_l1(loc_ref[0, 2] - g_w) + _smooth_l1(loc_ref[0, 3] - g_h))
    loss_l_img = jnp.sum(sl * posf)

    cls = [conf_ref[0, c] for c in range(_NUM_CLASSES)]
    rmax = functools.reduce(jnp.maximum, cls)
    ssum = jnp.zeros((_RS, _LS), jnp.float32)
    for c in range(_NUM_CLASSES):
        ssum = ssum + jnp.exp(cls[c] - rmax)
    lse = jnp.log(ssum) + rmax
    tgt = cls[0]
    for c in range(1, _NUM_CLASSES):
        tgt = jnp.where(conf_t == c, cls[c], tgt)
    ce = lse - tgt
    loss_c_pos = jnp.sum(ce * posf)

    v = jnp.where(valid, jnp.where(pos, 0.0, ce), _NEG_INF)
    k = jnp.minimum(_NEGPOS_RATIO * npos, _P - 1)

    key_out[0] = _key_of(lax.bitcast_convert_type(v, jnp.int32))
    kv_out[0, 0] = jnp.full((_LS,), k, jnp.int32)

    @pl.when(b == 0)
    def _():
        out_l[0, 0] = 0.0
        out_c[0, 0] = 0.0
        out_n[0, 0] = 0.0

    out_l[0, 0] += loss_l_img
    out_c[0, 0] += loss_c_pos
    out_n[0, 0] += npos.astype(jnp.float32)


_GDN = lax.GatherDimensionNumbers(offset_dims=(), collapsed_slice_dims=(0,),
                                  start_index_map=(0,))


def _xlane(op, x):
    for sh in (8, 4, 2, 1):
        idx = (lax.iota(jnp.int32, 16) + sh) & 15
        perm = lax.gather(x, idx[:, None], dimension_numbers=_GDN,
                          slice_sizes=(1,),
                          mode=lax.GatherScatterMode.PROMISE_IN_BOUNDS)
        x = op(x, perm)
    return x


def _sc_mine_body(keys_hbm, kv_hbm, out_hbm, keybuf, kbuf, obuf):
    wid = lax.axis_index("s") * _NC + lax.axis_index("c")
    pltpu.sync_copy(keys_hbm.at[wid], keybuf)
    pltpu.sync_copy(kv_hbm.at[wid], kbuf)
    kvec = kbuf[pl.ds(0, 16)]

    def count_gt(mid):
        def body(j, c):
            kc = keybuf[pl.ds(j * 16, 16)]
            return c + jnp.where(kc > mid, 1, 0)
        cv = lax.fori_loop(0, _CH, body, jnp.zeros((16,), jnp.int32),
                           unroll=8)
        return _xlane(jnp.add, cv)

    def bs(i, lh):
        lo, hi = lh
        mid = (lo >> 1) + (hi >> 1) + (lo & hi & 1)
        cnt = count_gt(mid)
        big = cnt >= kvec
        live = lo < hi
        lo2 = jnp.where(live, jnp.where(big, mid + 1, lo), lo)
        hi2 = jnp.where(live, jnp.where(big, hi, mid), hi)
        return (lo2, hi2)

    kth, _ = lax.fori_loop(
        0, 32, bs,
        (jnp.full((16,), -(2 ** 31), jnp.int32),
         jnp.full((16,), 2 ** 31 - 1, jnp.int32)))

    def fin(j, carry):
        cg, sg, tv = carry
        kc = keybuf[pl.ds(j * 16, 16)]
        vb = lax.bitcast_convert_type(
            jnp.where(kc >= 0, kc, kc ^ jnp.int32(0x7FFFFFFF)), jnp.float32)
        gt = kc > kth
        cg = cg + jnp.where(gt, 1, 0)
        sg = sg + jnp.where(gt, vb, 0.0)
        tv = jnp.maximum(tv, jnp.where(gt, _NEG_INF, vb))
        return (cg, sg, tv)

    cg, sg, tv = lax.fori_loop(
        0, _CH, fin,
        (jnp.zeros((16,), jnp.int32), jnp.zeros((16,), jnp.float32),
         jnp.full((16,), _NEG_INF, jnp.float32)), unroll=8)
    cnt_gt = _xlane(jnp.add, cg)
    sum_gt = _xlane(jnp.add, sg)
    tval = _xlane(jnp.maximum, tv)
    adjf = (kvec - cnt_gt).astype(jnp.float32)
    topk = sum_gt + adjf * tval
    obuf[...] = jnp.where(kvec > 0, topk, 0.0)
    pltpu.sync_copy(obuf, out_hbm.at[wid])


def _make_sc_mine():
    return functools.partial(
        pl.kernel,
        mesh=plsc.VectorSubcoreMesh(core_axis_name="c", subcore_axis_name="s"),
        out_type=jax.ShapeDtypeStruct((_B, 16), jnp.float32),
        scratch_types=[
            pltpu.VMEM((_PP,), jnp.int32),
            pltpu.VMEM((_LS,), jnp.int32),
            pltpu.VMEM((16,), jnp.float32),
        ],
    )(_sc_mine_body)


def kernel(loc_data, conf_data, dummy_a, dummy_b, priors, targets):
    del dummy_a, dummy_b
    B = loc_data.shape[0]
    C = conf_data.shape[2]

    conf_p = jnp.transpose(conf_data, (0, 2, 1))
    conf_p = jnp.pad(conf_p, ((0, 0), (0, 0), (0, _PP - _P)))
    conf_p = conf_p.reshape(B, C, _RS, _LS)

    loc_p = jnp.transpose(loc_data, (0, 2, 1))
    loc_p = jnp.pad(loc_p, ((0, 0), (0, 0), (0, _PP - _P)))
    loc_p = loc_p.reshape(B, 4, _RS, _LS)

    fill = jnp.broadcast_to(jnp.array([10.0, 10.0, 1.0, 1.0], jnp.float32),
                            (_PP - _P, 4))
    pri_p = jnp.concatenate([priors[:_P], fill], axis=0)
    pri_p = jnp.transpose(pri_p).reshape(4, _RS, _LS)

    grid = (B,)
    out_l, out_c, out_n, keys, kv = pl.pallas_call(
        _mbl_body,
        grid=grid,
        in_specs=[
            pl.BlockSpec((1, _O, 5), lambda b: (b, 0, 0),
                         memory_space=pltpu.SMEM),
            pl.BlockSpec((1, C, _RS, _LS), lambda b: (b, 0, 0, 0)),
            pl.BlockSpec((1, 4, _RS, _LS), lambda b: (b, 0, 0, 0)),
            pl.BlockSpec((4, _RS, _LS), lambda b: (0, 0, 0)),
        ],
        out_specs=[
            pl.BlockSpec((1, 1), lambda b: (0, 0), memory_space=pltpu.SMEM),
            pl.BlockSpec((1, 1), lambda b: (0, 0), memory_space=pltpu.SMEM),
            pl.BlockSpec((1, 1), lambda b: (0, 0), memory_space=pltpu.SMEM),
            pl.BlockSpec((1, _RS, _LS), lambda b: (b, 0, 0)),
            pl.BlockSpec((1, 1, _LS), lambda b: (b, 0, 0)),
        ],
        out_shape=[
            jax.ShapeDtypeStruct((1, 1), jnp.float32),
            jax.ShapeDtypeStruct((1, 1), jnp.float32),
            jax.ShapeDtypeStruct((1, 1), jnp.float32),
            jax.ShapeDtypeStruct((B, _RS, _LS), jnp.int32),
            jax.ShapeDtypeStruct((B, 1, _LS), jnp.int32),
        ],
        compiler_params=pltpu.CompilerParams(
            dimension_semantics=("arbitrary",)),
    )(targets, conf_p, loc_p, pri_p)

    topk = _make_sc_mine()(keys.reshape(B, _PP), kv.reshape(B, _LS))

    total_pos = out_n[0, 0]
    N = jnp.where(total_pos > 0, total_pos, jnp.float32(B))
    loss_c = out_c[0, 0] + jnp.sum(topk[:, 0])
    return out_l[0, 0] / N, loss_c / N

# --- scband reference (transcript-rebuilt; emitter-appended) ---
"""Pipeline reference for scband-multi-box-loss-35304631173474 (READ-ONLY COPY).

The authoritative reference and input builder live on the scoring server;
editing this copy changes nothing except your own understanding.
"""

import jax, jax.numpy as jnp
import numpy as np

NUM_CLASSES = 21
NEGPOS_RATIO = 3
VARIANCE = (0.1, 0.2)
OVERLAP_THRESH = 0.5


def point_form(priors):
    return jnp.concatenate([priors[:, :2] - priors[:, 2:] / 2.0,
                            priors[:, :2] + priors[:, 2:] / 2.0], axis=1)


def jaccard(box_a, box_b):
    max_xy = jnp.minimum(box_a[:, None, 2:], box_b[None, :, 2:])
    min_xy = jnp.maximum(box_a[:, None, :2], box_b[None, :, :2])
    inter = jnp.prod(jnp.clip(max_xy - min_xy, 0.0, None), axis=2)
    area_a = ((box_a[:, 2] - box_a[:, 0]) * (box_a[:, 3] - box_a[:, 1]))[:, None]
    area_b = ((box_b[:, 2] - box_b[:, 0]) * (box_b[:, 3] - box_b[:, 1]))[None, :]
    return inter / (area_a + area_b - inter)


def encode(matched, priors, variances):
    g_cxcy = (matched[:, :2] + matched[:, 2:]) / 2.0 - priors[:, :2]
    g_cxcy = g_cxcy / (variances[0] * priors[:, 2:])
    g_wh = (matched[:, 2:] - matched[:, :2]) / priors[:, 2:]
    g_wh = jnp.log(g_wh) / variances[1]
    return jnp.concatenate([g_cxcy, g_wh], axis=1)


def match_one(truths, labels, priors):
    overlaps = jaccard(truths, point_form(priors))
    best_prior_idx = jnp.argmax(overlaps, axis=1)
    best_truth_overlap = jnp.max(overlaps, axis=0)
    best_truth_idx = jnp.argmax(overlaps, axis=0)
    best_truth_overlap = best_truth_overlap.at[best_prior_idx].set(2.0)
    best_truth_idx = best_truth_idx.at[best_prior_idx].set(jnp.arange(truths.shape[0]))
    matches = truths[best_truth_idx]
    conf = labels[best_truth_idx].astype(jnp.int32)
    conf = jnp.where(best_truth_overlap < OVERLAP_THRESH, 0, conf)
    loc = encode(matches, priors, VARIANCE)
    return loc, conf


def log_sum_exp(x):
    x_max = jnp.max(x)
    return jnp.log(jnp.sum(jnp.exp(x - x_max), axis=1, keepdims=True)) + x_max


def smooth_l1(d):
    ad = jnp.abs(d)
    return jnp.where(ad < 1.0, 0.5 * d * d, ad - 0.5)


def multibox_loss(loc_data, conf_data, priors, targets):
    num = loc_data.shape[0]
    priors = priors[:loc_data.shape[1], :]
    num_priors = priors.shape[0]
    truths = targets[:, :, :4]
    labels = targets[:, :, 4]
    loc_t, conf_t = jax.vmap(lambda t, l: match_one(t, l, priors))(truths, labels)
    loc_t = jax.lax.stop_gradient(loc_t)
    conf_t = jax.lax.stop_gradient(conf_t)
    pos = conf_t > 0
    diff = loc_data - loc_t
    loss_l = jnp.sum(smooth_l1(diff) * pos[:, :, None].astype(loc_data.dtype))
    batch_conf = conf_data.reshape(-1, NUM_CLASSES)
    ce_all = log_sum_exp(batch_conf) - jnp.take_along_axis(batch_conf, conf_t.reshape(-1, 1), axis=1)
    loss_c_mine = jnp.where(pos.reshape(-1, 1), 0.0, ce_all).reshape(num, -1)
    loss_idx = jnp.argsort(-loss_c_mine, axis=1)
    idx_rank = jnp.argsort(loss_idx, axis=1)
    num_pos = jnp.sum(pos.astype(jnp.int32), axis=1, keepdims=True)
    num_neg = jnp.clip(NEGPOS_RATIO * num_pos, None, num_priors - 1)
    neg = idx_rank < num_neg
    mask = (pos | neg).reshape(-1, 1).astype(conf_data.dtype)
    loss_c = jnp.sum(ce_all * mask)
    total_pos = jnp.sum(num_pos)
    N = jnp.where(total_pos > 0, total_pos, num).astype(jnp.float32)
    return loss_l / N, loss_c / N


def setup_inputs(seed: int = 0):
    key = jax.random.key(seed)
    k1, k2, k3, k4, k5, k6, k7 = jax.random.split(key, 7)
    B, P, O, C = 32, 8732, 16, NUM_CLASSES
    loc_data = jax.random.normal(k1, (B, P, 4), dtype=jnp.float32) * 0.1
    conf_data = jax.random.normal(k2, (B, P, C), dtype=jnp.float32)
    prior_cxcy = jax.random.uniform(k3, (P, 2), minval=0.05, maxval=0.95)
    prior_wh = jax.random.uniform(k4, (P, 2), minval=0.02, maxval=0.4)
    priors = jnp.concatenate([prior_cxcy, prior_wh], axis=1).astype(jnp.float32)
    gt_cxcy = jax.random.uniform(k5, (B, O, 2), minval=0.15, maxval=0.85)
    gt_wh = jax.random.uniform(k6, (B, O, 2), minval=0.05, maxval=0.3)
    xymin = jnp.clip(gt_cxcy - gt_wh / 2.0, 0.0, 1.0)
    xymax = jnp.clip(gt_cxcy + gt_wh / 2.0, 0.0, 1.0)
    labels = jax.random.randint(k7, (B, O), 1, C).astype(jnp.float32)
    targets = jnp.concatenate([xymin, xymax, labels[:, :, None]], axis=2).astype(jnp.float32)
    return {"loc_data": loc_data, "conf_data": conf_data,
            "dummy_a": jnp.zeros((1,), jnp.float32), "dummy_b": jnp.zeros((1,), jnp.float32),
            "priors": priors, "targets": targets}


def reference(loc_data, conf_data, dummy_a, dummy_b, priors, targets):
    return multibox_loss(loc_data, conf_data, priors, targets)

if __name__ == "__main__":
    import jax
    _d = setup_inputs()
    print(jax.jit(kernel)(*tuple(_d.values())))

</pallas_src>

<mosaic_0001>
#map = affine_map<(d0, d1) -> (0, 0)>
module attributes {stable_mosaic.version = 14 : i64} {
  func.func @_sc_mine_body(%arg0: i32, %arg1: i32, %arg2: memref<32x9216xi32, #tpu.memory_space<hbm>>, %arg3: memref<32x128xi32, #tpu.memory_space<hbm>>, %arg4: memref<32x16xf32, #tpu.memory_space<hbm>>, %arg5: memref<9216xi32, #tpu.memory_space<vmem>>, %arg6: memref<128xi32, #tpu.memory_space<vmem>>, %arg7: memref<16xf32, #tpu.memory_space<vmem>>) attributes {dimension_semantics = [#tpu.dimension_semantics<core_parallel>, #tpu.dimension_semantics<subcore_parallel>], iteration_bounds = array<i64: 2, 16>, scalar_prefetch = 0 : i64, scratch_operands = 3 : i64, tpu.core_type = #tpu.core_type<sc_vector_subcore>, window_params = [{transform_indices = #map}, {transform_indices = #map}, {transform_indices = #map}]} {
    %mul3A = arith.constant 2 : i32
    %mul3A_0 = arith.muli %arg1, %mul3A : i32
    %add3A = arith.addi %mul3A_0, %arg0 : i32
    "tpu.region"() ({
      %run_scoped3A = tpu.sem_alloc : memref<!tpu.dma_semaphore, #tpu.memory_space<semaphore_mem>>
      %dma_start3A = arith.constant 0 : i32
      %dma_start3A_159 = tpu.memref_slice %arg2[%add3A, %dma_start3A] : memref<32x9216xi32, #tpu.memory_space<hbm>> -> memref<1x9216xi32, #tpu.memory_space<hbm>>
      %dma_start3A_160 = tpu.memref_squeeze %dma_start3A_159 : memref<1x9216xi32, #tpu.memory_space<hbm>> -> memref<9216xi32, #tpu.memory_space<hbm>>
      %dma_start3A_161 = arith.constant 0 : i32
      %dma_start3A_162 = tpu.memref_slice %arg2[%add3A, %dma_start3A_161] : memref<32x9216xi32, #tpu.memory_space<hbm>> -> memref<1x9216xi32, #tpu.memory_space<hbm>>
      %dma_start3A_163 = tpu.memref_squeeze %dma_start3A_162 : memref<1x9216xi32, #tpu.memory_space<hbm>> -> memref<9216xi32, #tpu.memory_space<hbm>>
      tpu.enqueue_dma source(%dma_start3A_163 : memref<9216xi32, #tpu.memory_space<hbm>>) target(%arg5 : memref<9216xi32, #tpu.memory_space<vmem>>) target_semaphore(%run_scoped3A : memref<!tpu.dma_semaphore, #tpu.memory_space<semaphore_mem>>)
      %dma_wait3A = arith.constant 0 : i32
      %dma_wait3A_164 = tpu.memref_slice %arg2[%add3A, %dma_wait3A] : memref<32x9216xi32, #tpu.memory_space<hbm>> -> memref<1x9216xi32, #tpu.memory_space<hbm>>
      %dma_wait3A_165 = tpu.memref_squeeze %dma_wait3A_164 : memref<1x9216xi32, #tpu.memory_space<hbm>> -> memref<9216xi32, #tpu.memory_space<hbm>>
      %dma_wait3A_166 = arith.constant 0 : i32
      %dma_wait3A_167 = tpu.memref_slice %arg2[%add3A, %dma_wait3A_166] : memref<32x9216xi32, #tpu.memory_space<hbm>> -> memref<1x9216xi32, #tpu.memory_space<hbm>>
      %dma_wait3A_168 = tpu.memref_squeeze %dma_wait3A_167 : memref<1x9216xi32, #tpu.memory_space<hbm>> -> memref<9216xi32, #tpu.memory_space<hbm>>
      tpu.wait_dma2 semaphore(%run_scoped3A : memref<!tpu.dma_semaphore, #tpu.memory_space<semaphore_mem>>) src(%dma_wait3A_168 : memref<9216xi32, #tpu.memory_space<hbm>>) dst(%arg5 : memref<9216xi32, #tpu.memory_space<vmem>>)
      tpu.yield
    }) : () -> ()
    "tpu.region"() ({
      %run_scoped3A = tpu.sem_alloc : memref<!tpu.dma_semaphore, #tpu.memory_space<semaphore_mem>>
      %dma_start3A = arith.constant 0 : i32
      %dma_start3A_159 = tpu.memref_slice %arg3[%add3A, %dma_start3A] : memref<32x128xi32, #tpu.memory_space<hbm>> -> memref<1x128xi32, #tpu.memory_space<hbm>>
      %dma_start3A_160 = tpu.memref_squeeze %dma_start3A_159 : memref<1x128xi32, #tpu.memory_space<hbm>> -> memref<128xi32, #tpu.memory_space<hbm>>
      %dma_start3A_161 = arith.constant 0 : i32
      %dma_start3A_162 = tpu.memref_slice %arg3[%add3A, %dma_start3A_161] : memref<32x128xi32, #tpu.memory_space<hbm>> -> memref<1x128xi32, #tpu.memory_space<hbm>>
      %dma_start3A_163 = tpu.memref_squeeze %dma_start3A_162 : memref<1x128xi32, #tpu.memory_space<hbm>> -> memref<128xi32, #tpu.memory_space<hbm>>
      tpu.enqueue_dma source(%dma_start3A_163 : memref<128xi32, #tpu.memory_space<hbm>>) target(%arg6 : memref<128xi32, #tpu.memory_space<vmem>>) target_semaphore(%run_scoped3A : memref<!tpu.dma_semaphore, #tpu.memory_space<semaphore_mem>>)
      %dma_wait3A = arith.constant 0 : i32
      %dma_wait3A_164 = tpu.memref_slice %arg3[%add3A, %dma_wait3A] : memref<32x128xi32, #tpu.memory_space<hbm>> -> memref<1x128xi32, #tpu.memory_space<hbm>>
      %dma_wait3A_165 = tpu.memref_squeeze %dma_wait3A_164 : memref<1x128xi32, #tpu.memory_space<hbm>> -> memref<128xi32, #tpu.memory_space<hbm>>
      %dma_wait3A_166 = arith.constant 0 : i32
      %dma_wait3A_167 = tpu.memref_slice %arg3[%add3A, %dma_wait3A_166] : memref<32x128xi32, #tpu.memory_space<hbm>> -> memref<1x128xi32, #tpu.memory_space<hbm>>
      %dma_wait3A_168 = tpu.memref_squeeze %dma_wait3A_167 : memref<1x128xi32, #tpu.memory_space<hbm>> -> memref<128xi32, #tpu.memory_space<hbm>>
      tpu.wait_dma2 semaphore(%run_scoped3A : memref<!tpu.dma_semaphore, #tpu.memory_space<semaphore_mem>>) src(%dma_wait3A_168 : memref<128xi32, #tpu.memory_space<hbm>>) dst(%arg6 : memref<128xi32, #tpu.memory_space<vmem>>)
      tpu.yield
    }) : () -> ()
    %get3A = arith.constant 0 : index
    %get3A_1 = tpu.vector_load %arg6[%get3A] {strides = array<i32>} : memref<128xi32, #tpu.memory_space<vmem>>, vector<16xi32>,
    %get3A_2 = vector.shape_cast %get3A_1 : vector<16xi32> to vector<16xi32>
    %broadcast_in_dim3A = arith.constant -2147483648 : i32
    %broadcast_in_dim3A_3 = vector.broadcast %broadcast_in_dim3A : i32 to vector<16xi32>
    %broadcast_in_dim3A_4 = arith.constant 2147483647 : i32
    %broadcast_in_dim3A_5 = vector.broadcast %broadcast_in_dim3A_4 : i32 to vector<16xi32>
    %scan3A = arith.constant 0 : i32
    %scan3A_6 = arith.constant 32 : i32
    %scan3A_7 = arith.addi %scan3A, %scan3A_6 : i32
    %scan3A_8 = arith.constant 1 : i32
    %scan3A_9:2 = scf.for %scan3A_159 = %scan3A to %scan3A_7 step %scan3A_8 iter_args(%scan3A_160 = %broadcast_in_dim3A_3, %scan3A_161 = %broadcast_in_dim3A_5) -> (vector<16xi32>, vector<16xi32>)  : i32 {
      %shift_right_arithmetic3A = arith.constant 1 : i32
      %shift_right_arithmetic3A_162 = vector.broadcast %shift_right_arithmetic3A : i32 to vector<16xi32>
      %shift_right_arithmetic3A_163 = arith.shrsi %scan3A_160, %shift_right_arithmetic3A_162 : vector<16xi32>
      %shift_right_arithmetic3A_164 = arith.constant 1 : i32
      %shift_right_arithmetic3A_165 = vector.broadcast %shift_right_arithmetic3A_164 : i32 to vector<16xi32>
      %shift_right_arithmetic3A_166 = arith.shrsi %scan3A_161, %shift_right_arithmetic3A_165 : vector<16xi32>
      %add3A_167 = arith.addi %shift_right_arithmetic3A_163, %shift_right_arithmetic3A_166 : vector<16xi32>
      %and3A_168 = arith.andi %scan3A_160, %scan3A_161 : vector<16xi32>
      %and3A_169 = arith.constant 1 : i32
      %and3A_170 = vector.broadcast %and3A_169 : i32 to vector<16xi32>
      %and3A_171 = arith.andi %and3A_168, %and3A_170 : vector<16xi32>
      %add3A_172 = arith.addi %add3A_167, %and3A_171 : vector<16xi32>
      %broadcast_in_dim3A_173 = arith.constant 0 : i32
      %broadcast_in_dim3A_174 = vector.broadcast %broadcast_in_dim3A_173 : i32 to vector<16xi32>
      %scan3A_175 = arith.constant 0 : i32
      %scan3A_176 = arith.constant 576 : i32
      %scan3A_177 = arith.addi %scan3A_175, %scan3A_176 : i32
      %scan3A_178 = arith.constant 8 : i32
      %scan3A_179 = scf.for %scan3A_232 = %scan3A_175 to %scan3A_177 step %scan3A_178 iter_args(%scan3A_233 = %broadcast_in_dim3A_174) -> (vector<16xi32>)  : i32 {
        %mul3A_234 = arith.constant 16 : i32
        %mul3A_235 = arith.muli %scan3A_232, %mul3A_234 : i32
        %get3A_236 = arith.index_cast %mul3A_235 : i32 to index
        %get3A_237 = tpu.vector_load %arg5[%get3A_236] {strides = array<i32>} : memref<9216xi32, #tpu.memory_space<vmem>>, vector<16xi32>,
        %get3A_238 = vector.shape_cast %get3A_237 : vector<16xi32> to vector<16xi32>
        %gt3A_239 = arith.cmpi sgt, %get3A_238, %add3A_172 : vector<16xi32>
        %jit3A_240 = arith.constant 1 : i32
        %jit3A_241 = arith.constant 0 : i32
        %broadcast_in_dim3A_242 = vector.broadcast %jit3A_240 : i32 to vector<16xi32>
        %broadcast_in_dim3A_243 = vector.broadcast %jit3A_241 : i32 to vector<16xi32>
        %select_n3A_244 = arith.select %gt3A_239, %broadcast_in_dim3A_242, %broadcast_in_dim3A_243 : vector<16xi1>, vector<16xi32>
        %add3A_245 = arith.addi %scan3A_233, %select_n3A_244 : vector<16xi32>
        %scan3A_246 = arith.constant 1 : i32
        %scan3A_247 = arith.addi %scan3A_232, %scan3A_246 : i32
        %mul3A_248 = arith.constant 16 : i32
        %mul3A_249 = arith.muli %scan3A_247, %mul3A_248 : i32
        %get3A_250 = arith.index_cast %mul3A_249 : i32 to index
        %get3A_251 = tpu.vector_load %arg5[%get3A_250] {strides = array<i32>} : memref<9216xi32, #tpu.memory_space<vmem>>, vector<16xi32>,
        %get3A_252 = vector.shape_cast %get3A_251 : vector<16xi32> to vector<16xi32>
        %gt3A_253 = arith.cmpi sgt, %get3A_252, %add3A_172 : vector<16xi32>
        %jit3A_254 = arith.constant 1 : i32
        %jit3A_255 = arith.constant 0 : i32
        %broadcast_in_dim3A_256 = vector.broadcast %jit3A_254 : i32 to vector<16xi32>
        %broadcast_in_dim3A_257 = vector.broadcast %jit3A_255 : i32 to vector<16xi32>
        %select_n3A_258 = arith.select %gt3A_253, %broadcast_in_dim3A_256, %broadcast_in_dim3A_257 : vector<16xi1>, vector<16xi32>
        %add3A_259 = arith.addi %add3A_245, %select_n3A_258 : vector<16xi32>
        %scan3A_260 = arith.constant 2 : i32
        %scan3A_261 = arith.addi %scan3A_232, %scan3A_260 : i32
        %mul3A_262 = arith.constant 16 : i32
        %mul3A_263 = arith.muli %scan3A_261, %mul3A_262 : i32
        %get3A_264 = arith.index_cast %mul3A_263 : i32 to index
        %get3A_265 = tpu.vector_load %arg5[%get3A_264] {strides = array<i32>} : memref<9216xi32, #tpu.memory_space<vmem>>, vector<16xi32>,
        %get3A_266 = vector.shape_cast %get3A_265 : vector<16xi32> to vector<16xi32>
        %gt3A_267 = arith.cmpi sgt, %get3A_266, %add3A_172 : vector<16xi32>
        %jit3A_268 = arith.constant 1 : i32
        %jit3A_269 = arith.constant 0 : i32
        %broadcast_in_dim3A_270 = vector.broadcast %jit3A_268 : i32 to vector<16xi32>
        %broadcast_in_dim3A_271 = vector.broadcast %jit3A_269 : i32 to vector<16xi32>
        %select_n3A_272 = arith.select %gt3A_267, %broadcast_in_dim3A_270, %broadcast_in_dim3A_271 : vector<16xi1>, vector<16xi32>
        %add3A_273 = arith.addi %add3A_259, %select_n3A_272 : vector<16xi32>
        %scan3A_274 = arith.constant 3 : i32
        %scan3A_275 = arith.addi %scan3A_232, %scan3A_274 : i32
        %mul3A_276 = arith.constant 16 : i32
        %mul3A_277 = arith.muli %scan3A_275, %mul3A_276 : i32
        %get3A_278 = arith.index_cast %mul3A_277 : i32 to index
        %get3A_279 = tpu.vector_load %arg5[%get3A_278] {strides = array<i32>} : memref<9216xi32, #tpu.memory_space<vmem>>, vector<16xi32>,
        %get3A_280 = vector.shape_cast %get3A_279 : vector<16xi32> to vector<16xi32>
        %gt3A_281 = arith.cmpi sgt, %get3A_280, %add3A_172 : vector<16xi32>
        %jit3A_282 = arith.constant 1 : i32
        %jit3A_283 = arith.constant 0 : i32
        %broadcast_in_dim3A_284 = vector.broadcast %jit3A_282 : i32 to vector<16xi32>
        %broadcast_in_dim3A_285 = vector.broadcast %jit3A_283 : i32 to vector<16xi32>
        %select_n3A_286 = arith.select %gt3A_281, %broadcast_in_dim3A_284, %broadcast_in_dim3A_285 : vector<16xi1>, vector<16xi32>
        %add3A_287 = arith.addi %add3A_273, %select_n3A_286 : vector<16xi32>
        %scan3A_288 = arith.constant 4 : i32
        %scan3A_289 = arith.addi %scan3A_232, %scan3A_288 : i32
        %mul3A_290 = arith.constant 16 : i32
        %mul3A_291 = arith.muli %scan3A_289, %mul3A_290 : i32
        %get3A_292 = arith.index_cast %mul3A_291 : i32 to index
        %get3A_293 = tpu.vector_load %arg5[%get3A_292] {strides = array<i32>} : memref<9216xi32, #tpu.memory_space<vmem>>, vector<16xi32>,
        %get3A_294 = vector.shape_cast %get3A_293 : vector<16xi32> to vector<16xi32>
        %gt3A_295 = arith.cmpi sgt, %get3A_294, %add3A_172 : vector<16xi32>
        %jit3A_296 = arith.constant 1 : i32
        %jit3A_297 = arith.constant 0 : i32
        %broadcast_in_dim3A_298 = vector.broadcast %jit3A_296 : i32 to vector<16xi32>
        %broadcast_in_dim3A_299 = vector.broadcast %jit3A_297 : i32 to vector<16xi32>
        %select_n3A_300 = arith.select %gt3A_295, %broadcast_in_dim3A_298, %broadcast_in_dim3A_299 : vector<16xi1>, vector<16xi32>
        %add3A_301 = arith.addi %add3A_287, %select_n3A_300 : vector<16xi32>
        %scan3A_302 = arith.constant 5 : i32
        %scan3A_303 = arith.addi %scan3A_232, %scan3A_302 : i32
        %mul3A_304 = arith.constant 16 : i32
        %mul3A_305 = arith.muli %scan3A_303, %mul3A_304 : i32
        %get3A_306 = arith.index_cast %mul3A_305 : i32 to index
        %get3A_307 = tpu.vector_load %arg5[%get3A_306] {strides = array<i32>} : memref<9216xi32, #tpu.memory_space<vmem>>, vector<16xi32>,
        %get3A_308 = vector.shape_cast %get3A_307 : vector<16xi32> to vector<16xi32>
        %gt3A_309 = arith.cmpi sgt, %get3A_308, %add3A_172 : vector<16xi32>
        %jit3A_310 = arith.constant 1 : i32
        %jit3A_311 = arith.constant 0 : i32
        %broadcast_in_dim3A_312 = vector.broadcast %jit3A_310 : i32 to vector<16xi32>
        %broadcast_in_dim3A_313 = vector.broadcast %jit3A_311 : i32 to vector<16xi32>
        %select_n3A_314 = arith.select %gt3A_309, %broadcast_in_dim3A_312, %broadcast_in_dim3A_313 : vector<16xi1>, vector<16xi32>
        %add3A_315 = arith.addi %add3A_301, %select_n3A_314 : vector<16xi32>
        %scan3A_316 = arith.constant 6 : i32
        %scan3A_317 = arith.addi %scan3A_232, %scan3A_316 : i32
        %mul3A_318 = arith.constant 16 : i32
        %mul3A_319 = arith.muli %scan3A_317, %mul3A_318 : i32
        %get3A_320 = arith.index_cast %mul3A_319 : i32 to index
        %get3A_321 = tpu.vector_load %arg5[%get3A_320] {strides = array<i32>} : memref<9216xi32, #tpu.memory_space<vmem>>, vector<16xi32>,
        %get3A_322 = vector.shape_cast %get3A_321 : vector<16xi32> to vector<16xi32>
        %gt3A_323 = arith.cmpi sgt, %get3A_322, %add3A_172 : vector<16xi32>
        %jit3A_324 = arith.constant 1 : i32
        %jit3A_325 = arith.constant 0 : i32
        %broadcast_in_dim3A_326 = vector.broadcast %jit3A_324 : i32 to vector<16xi32>
        %broadcast_in_dim3A_327 = vector.broadcast %jit3A_325 : i32 to vector<16xi32>
        %select_n3A_328 = arith.select %gt3A_323, %broadcast_in_dim3A_326, %broadcast_in_dim3A_327 : vector<16xi1>, vector<16xi32>
        %add3A_329 = arith.addi %add3A_315, %select_n3A_328 : vector<16xi32>
        %scan3A_330 = arith.constant 7 : i32
        %scan3A_331 = arith.addi %scan3A_232, %scan3A_330 : i32
        %mul3A_332 = arith.constant 16 : i32
        %mul3A_333 = arith.muli %scan3A_331, %mul3A_332 : i32
        %get3A_334 = arith.index_cast %mul3A_333 : i32 to index
        %get3A_335 = tpu.vector_load %arg5[%get3A_334] {strides = array<i32>} : memref<9216xi32, #tpu.memory_space<vmem>>, vector<16xi32>,
        %get3A_336 = vector.shape_cast %get3A_335 : vector<16xi32> to vector<16xi32>
        %gt3A_337 = arith.cmpi sgt, %get3A_336, %add3A_172 : vector<16xi32>
        %jit3A_338 = arith.constant 1 : i32
        %jit3A_339 = arith.constant 0 : i32
        %broadcast_in_dim3A_340 = vector.broadcast %jit3A_338 : i32 to vector<16xi32>
        %broadcast_in_dim3A_341 = vector.broadcast %jit3A_339 : i32 to vector<16xi32>
        %select_n3A_342 = arith.select %gt3A_337, %broadcast_in_dim3A_340, %broadcast_in_dim3A_341 : vector<16xi1>, vector<16xi32>
        %add3A_343 = arith.addi %add3A_329, %select_n3A_342 : vector<16xi32>
        scf.yield %add3A_343 : vector<16xi32>
      }
      %scan3A_180 = arith.constant 576 : i32
      %iota3A_181 = tpu.iota {dimensions = array<i32: 0>} : vector<16xi32>
      %add3A_182 = arith.constant 8 : i32
      %add3A_183 = vector.broadcast %add3A_182 : i32 to vector<16xi32>
      %add3A_184 = arith.addi %iota3A_181, %add3A_183 : vector<16xi32>
      %and3A_185 = arith.constant 15 : i32
      %and3A_186 = vector.broadcast %and3A_185 : i32 to vector<16xi32>
      %and3A_187 = arith.andi %add3A_184, %and3A_186 : vector<16xi32>
      %broadcast_in_dim3A_188 = vector.shape_cast %and3A_187 : vector<16xi32> to vector<16x1xi32>
      %gather3A_189 = vector.shape_cast %broadcast_in_dim3A_188 : vector<16x1xi32> to vector<16xi32>
      %gather3A_190 = tpu.dynamic_gather %scan3A_179[%gather3A_189] in [0] : vector<16xi32>, vector<16xi32> -> vector<16xi32>
      %add3A_191 = arith.addi %scan3A_179, %gather3A_190 : vector<16xi32>
      %iota3A_192 = tpu.iota {dimensions = array<i32: 0>} : vector<16xi32>
      %add3A_193 = arith.constant 4 : i32
      %add3A_194 = vector.broadcast %add3A_193 : i32 to vector<16xi32>
      %add3A_195 = arith.addi %iota3A_192, %add3A_194 : vector<16xi32>
      %and3A_196 = arith.constant 15 : i32
      %and3A_197 = vector.broadcast %and3A_196 : i32 to vector<16xi32>
      %and3A_198 = arith.andi %add3A_195, %and3A_197 : vector<16xi32>
      %broadcast_in_dim3A_199 = vector.shape_cast %and3A_198 : vector<16xi32> to vector<16x1xi32>
      %gather3A_200 = vector.shape_cast %broadcast_in_dim3A_199 : vector<16x1xi32> to vector<16xi32>
      %gather3A_201 = tpu.dynamic_gather %add3A_191[%gather3A_200] in [0] : vector<16xi32>, vector<16xi32> -> vector<16xi32>
      %add3A_202 = arith.addi %add3A_191, %gather3A_201 : vector<16xi32>
      %iota3A_203 = tpu.iota {dimensions = array<i32: 0>} : vector<16xi32>
      %add3A_204 = arith.constant 2 : i32
      %add3A_205 = vector.broadcast %add3A_204 : i32 to vector<16xi32>
      %add3A_206 = arith.addi %iota3A_203, %add3A_205 : vector<16xi32>
      %and3A_207 = arith.constant 15 : i32
      %and3A_208 = vector.broadcast %and3A_207 : i32 to vector<16xi32>
      %and3A_209 = arith.andi %add3A_206, %and3A_208 : vector<16xi32>
      %broadcast_in_dim3A_210 = vector.shape_cast %and3A_209 : vector<16xi32> to vector<16x1xi32>
      %gather3A_211 = vector.shape_cast %broadcast_in_dim3A_210 : vector<16x1xi32> to vector<16xi32>
      %gather3A_212 = tpu.dynamic_gather %add3A_202[%gather3A_211] in [0] : vector<16xi32>, vector<16xi32> -> vector<16xi32>
      %add3A_213 = arith.addi %add3A_202, %gather3A_212 : vector<16xi32>
      %iota3A_214 = tpu.iota {dimensions = array<i32: 0>} : vector<16xi32>
      %add3A_215 = arith.constant 1 : i32
      %add3A_216 = vector.broadcast %add3A_215 : i32 to vector<16xi32>
      %add3A_217 = arith.addi %iota3A_214, %add3A_216 : vector<16xi32>
      %and3A_218 = arith.constant 15 : i32
      %and3A_219 = vector.broadcast %and3A_218 : i32 to vector<16xi32>
      %and3A_220 = arith.andi %add3A_217, %and3A_219 : vector<16xi32>
      %broadcast_in_dim3A_221 = vector.shape_cast %and3A_220 : vector<16xi32> to vector<16x1xi32>
      %gather3A_222 = vector.shape_cast %broadcast_in_dim3A_221 : vector<16x1xi32> to vector<16xi32>
      %gather3A_223 = tpu.dynamic_gather %add3A_213[%gather3A_222] in [0] : vector<16xi32>, vector<16xi32> -> vector<16xi32>
      %add3A_224 = arith.addi %add3A_213, %gather3A_223 : vector<16xi32>
      %ge3A = arith.cmpi sge, %add3A_224, %get3A_2 : vector<16xi32>
      %lt3A = arith.cmpi slt, %scan3A_160, %scan3A_161 : vector<16xi32>
      %add3A_225 = arith.constant 1 : i32
      %add3A_226 = vector.broadcast %add3A_225 : i32 to vector<16xi32>
      %add3A_227 = arith.addi %add3A_172, %add3A_226 : vector<16xi32>
      %select_n3A_228 = arith.select %ge3A, %add3A_227, %scan3A_160 : vector<16xi1>, vector<16xi32>
      %select_n3A_229 = arith.select %lt3A, %select_n3A_228, %scan3A_160 : vector<16xi1>, vector<16xi32>
      %select_n3A_230 = arith.select %ge3A, %scan3A_161, %add3A_172 : vector<16xi1>, vector<16xi32>
      %select_n3A_231 = arith.select %lt3A, %select_n3A_230, %scan3A_161 : vector<16xi1>, vector<16xi32>
      scf.yield %select_n3A_229, %select_n3A_231 : vector<16xi32>, vector<16xi32>
    }
    %scan3A_10 = arith.constant 32 : i32
    %broadcast_in_dim3A_11 = arith.constant 0 : i32
    %broadcast_in_dim3A_12 = vector.broadcast %broadcast_in_dim3A_11 : i32 to vector<16xi32>
    %broadcast_in_dim3A_13 = arith.constant 0.000000e+00 : f32
    %broadcast_in_dim3A_14 = vector.broadcast %broadcast_in_dim3A_13 : f32 to vector<16xf32>
    %broadcast_in_dim3A_15 = arith.constant 0xFF800000 : f32
    %broadcast_in_dim3A_16 = vector.broadcast %broadcast_in_dim3A_15 : f32 to vector<16xf32>
    %scan3A_17 = arith.constant 0 : i32
    %scan3A_18 = arith.constant 576 : i32
    %scan3A_19 = arith.addi %scan3A_17, %scan3A_18 : i32
    %scan3A_20 = arith.constant 8 : i32
    %scan3A_21:3 = scf.for %scan3A_159 = %scan3A_17 to %scan3A_19 step %scan3A_20 iter_args(%scan3A_160 = %broadcast_in_dim3A_12, %scan3A_161 = %broadcast_in_dim3A_14, %scan3A_162 = %broadcast_in_dim3A_16) -> (vector<16xi32>, vector<16xf32>, vector<16xf32>)  : i32 {
      %mul3A_163 = arith.constant 16 : i32
      %mul3A_164 = arith.muli %scan3A_159, %mul3A_163 : i32
      %get3A_165 = arith.index_cast %mul3A_164 : i32 to index
      %get3A_166 = tpu.vector_load %arg5[%get3A_165] {strides = array<i32>} : memref<9216xi32, #tpu.memory_space<vmem>>, vector<16xi32>,
      %get3A_167 = vector.shape_cast %get3A_166 : vector<16xi32> to vector<16xi32>
      %ge3A = arith.constant 0 : i32
      %ge3A_168 = vector.broadcast %ge3A : i32 to vector<16xi32>
      %ge3A_169 = arith.cmpi sge, %get3A_167, %ge3A_168 : vector<16xi32>
      %xor3A = arith.constant 2147483647 : i32
      %xor3A_170 = vector.broadcast %xor3A : i32 to vector<16xi32>
      %xor3A_171 = arith.xori %get3A_167, %xor3A_170 : vector<16xi32>
      %select_n3A_172 = arith.select %ge3A_169, %get3A_167, %xor3A_171 : vector<16xi1>, vector<16xi32>
      %bitcast_convert_type3A = tpu.bitcast %select_n3A_172 : vector<16xi32> -> vector<16xf32>
      %gt3A_173 = arith.cmpi sgt, %get3A_167, %scan3A_9#0 : vector<16xi32>
      %jit3A_174 = arith.constant 1 : i32
      %jit3A_175 = arith.constant 0 : i32
      %broadcast_in_dim3A_176 = vector.broadcast %jit3A_174 : i32 to vector<16xi32>
      %broadcast_in_dim3A_177 = vector.broadcast %jit3A_175 : i32 to vector<16xi32>
      %select_n3A_178 = arith.select %gt3A_173, %broadcast_in_dim3A_176, %broadcast_in_dim3A_177 : vector<16xi1>, vector<16xi32>
      %add3A_179 = arith.addi %scan3A_160, %select_n3A_178 : vector<16xi32>
      %jit3A_180 = arith.constant 0.000000e+00 : f32
      %broadcast_in_dim3A_181 = vector.broadcast %jit3A_180 : f32 to vector<16xf32>
      %select_n3A_182 = arith.select %gt3A_173, %bitcast_convert_type3A, %broadcast_in_dim3A_181 : vector<16xi1>, vector<16xf32>
      %add3A_183 = arith.addf %scan3A_161, %select_n3A_182 : vector<16xf32>
      %jit3A_184 = arith.constant 0xFF800000 : f32
      %broadcast_in_dim3A_185 = vector.broadcast %jit3A_184 : f32 to vector<16xf32>
      %select_n3A_186 = arith.select %gt3A_173, %broadcast_in_dim3A_185, %bitcast_convert_type3A : vector<16xi1>, vector<16xf32>
      %max3A_187 = arith.maximumf %scan3A_162, %select_n3A_186 : vector<16xf32>
      %scan3A_188 = arith.constant 1 : i32
      %scan3A_189 = arith.addi %scan3A_159, %scan3A_188 : i32
      %mul3A_190 = arith.constant 16 : i32
      %mul3A_191 = arith.muli %scan3A_189, %mul3A_190 : i32
      %get3A_192 = arith.index_cast %mul3A_191 : i32 to index
      %get3A_193 = tpu.vector_load %arg5[%get3A_192] {strides = array<i32>} : memref<9216xi32, #tpu.memory_space<vmem>>, vector<16xi32>,
      %get3A_194 = vector.shape_cast %get3A_193 : vector<16xi32> to vector<16xi32>
      %ge3A_195 = arith.constant 0 : i32
      %ge3A_196 = vector.broadcast %ge3A_195 : i32 to vector<16xi32>
      %ge3A_197 = arith.cmpi sge, %get3A_194, %ge3A_196 : vector<16xi32>
      %xor3A_198 = arith.constant 2147483647 : i32
      %xor3A_199 = vector.broadcast %xor3A_198 : i32 to vector<16xi32>
      %xor3A_200 = arith.xori %get3A_194, %xor3A_199 : vector<16xi32>
      %select_n3A_201 = arith.select %ge3A_197, %get3A_194, %xor3A_200 : vector<16xi1>, vector<16xi32>
      %bitcast_convert_type3A_202 = tpu.bitcast %select_n3A_201 : vector<16xi32> -> vector<16xf32>
      %gt3A_203 = arith.cmpi sgt, %get3A_194, %scan3A_9#0 : vector<16xi32>
      %jit3A_204 = arith.constant 1 : i32
      %jit3A_205 = arith.constant 0 : i32
      %broadcast_in_dim3A_206 = vector.broadcast %jit3A_204 : i32 to vector<16xi32>
      %broadcast_in_dim3A_207 = vector.broadcast %jit3A_205 : i32 to vector<16xi32>
      %select_n3A_208 = arith.select %gt3A_203, %broadcast_in_dim3A_206, %broadcast_in_dim3A_207 : vector<16xi1>, vector<16xi32>
      %add3A_209 = arith.addi %add3A_179, %select_n3A_208 : vector<16xi32>
      %jit3A_210 = arith.constant 0.000000e+00 : f32
      %broadcast_in_dim3A_211 = vector.broadcast %jit3A_210 : f32 to vector<16xf32>
      %select_n3A_212 = arith.select %gt3A_203, %bitcast_convert_type3A_202, %broadcast_in_dim3A_211 : vector<16xi1>, vector<16xf32>
      %add3A_213 = arith.addf %add3A_183, %select_n3A_212 : vector<16xf32>
      %jit3A_214 = arith.constant 0xFF800000 : f32
      %broadcast_in_dim3A_215 = vector.broadcast %jit3A_214 : f32 to vector<16xf32>
      %select_n3A_216 = arith.select %gt3A_203, %broadcast_in_dim3A_215, %bitcast_convert_type3A_202 : vector<16xi1>, vector<16xf32>
      %max3A_217 = arith.maximumf %max3A_187, %select_n3A_216 : vector<16xf32>
      %scan3A_218 = arith.constant 2 : i32
      %scan3A_219 = arith.addi %scan3A_159, %scan3A_218 : i32
      %mul3A_220 = arith.constant 16 : i32
      %mul3A_221 = arith.muli %scan3A_219, %mul3A_220 : i32
      %get3A_222 = arith.index_cast %mul3A_221 : i32 to index
      %get3A_223 = tpu.vector_load %arg5[%get3A_222] {strides = array<i32>} : memref<9216xi32, #tpu.memory_space<vmem>>, vector<16xi32>,
      %get3A_224 = vector.shape_cast %get3A_223 : vector<16xi32> to vector<16xi32>
      %ge3A_225 = arith.constant 0 : i32
      %ge3A_226 = vector.broadcast %ge3A_225 : i32 to vector<16xi32>
      %ge3A_227 = arith.cmpi sge, %get3A_224, %ge3A_226 : vector<16xi32>
      %xor3A_228 = arith.constant 2147483647 : i32
      %xor3A_229 = vector.broadcast %xor3A_228 : i32 to vector<16xi32>
      %xor3A_230 = arith.xori %get3A_224, %xor3A_229 : vector<16xi32>
      %select_n3A_231 = arith.select %ge3A_227, %get3A_224, %xor3A_230 : vector<16xi1>, vector<16xi32>
      %bitcast_convert_type3A_232 = tpu.bitcast %select_n3A_231 : vector<16xi32> -> vector<16xf32>
      %gt3A_233 = arith.cmpi sgt, %get3A_224, %scan3A_9#0 : vector<16xi32>
      %jit3A_234 = arith.constant 1 : i32
      %jit3A_235 = arith.constant 0 : i32
      %broadcast_in_dim3A_236 = vector.broadcast %jit3A_234 : i32 to vector<16xi32>
      %broadcast_in_dim3A_237 = vector.broadcast %jit3A_235 : i32 to vector<16xi32>
      %select_n3A_238 = arith.select %gt3A_233, %broadcast_in_dim3A_236, %broadcast_in_dim3A_237 : vector<16xi1>, vector<16xi32>
      %add3A_239 = arith.addi %add3A_209, %select_n3A_238 : vector<16xi32>
      %jit3A_240 = arith.constant 0.000000e+00 : f32
      %broadcast_in_dim3A_241 = vector.broadcast %jit3A_240 : f32 to vector<16xf32>
      %select_n3A_242 = arith.select %gt3A_233, %bitcast_convert_type3A_232, %broadcast_in_dim3A_241 : vector<16xi1>, vector<16xf32>
      %add3A_243 = arith.addf %add3A_213, %select_n3A_242 : vector<16xf32>
      %jit3A_244 = arith.constant 0xFF800000 : f32
      %broadcast_in_dim3A_245 = vector.broadcast %jit3A_244 : f32 to vector<16xf32>
      %select_n3A_246 = arith.select %gt3A_233, %broadcast_in_dim3A_245, %bitcast_convert_type3A_232 : vector<16xi1>, vector<16xf32>
      %max3A_247 = arith.maximumf %max3A_217, %select_n3A_246 : vector<16xf32>
      %scan3A_248 = arith.constant 3 : i32
      %scan3A_249 = arith.addi %scan3A_159, %scan3A_248 : i32
      %mul3A_250 = arith.constant 16 : i32
      %mul3A_251 = arith.muli %scan3A_249, %mul3A_250 : i32
      %get3A_252 = arith.index_cast %mul3A_251 : i32 to index
      %get3A_253 = tpu.vector_load %arg5[%get3A_252] {strides = array<i32>} : memref<9216xi32, #tpu.memory_space<vmem>>, vector<16xi32>,
      %get3A_254 = vector.shape_cast %get3A_253 : vector<16xi32> to vector<16xi32>
      %ge3A_255 = arith.constant 0 : i32
      %ge3A_256 = vector.broadcast %ge3A_255 : i32 to vector<16xi32>
      %ge3A_257 = arith.cmpi sge, %get3A_254, %ge3A_256 : vector<16xi32>
      %xor3A_258 = arith.constant 2147483647 : i32
      %xor3A_259 = vector.broadcast %xor3A_258 : i32 to vector<16xi32>
      %xor3A_260 = arith.xori %get3A_254, %xor3A_259 : vector<16xi32>
      %select_n3A_261 = arith.select %ge3A_257, %get3A_254, %xor3A_260 : vector<16xi1>, vector<16xi32>
      %bitcast_convert_type3A_262 = tpu.bitcast %select_n3A_261 : vector<16xi32> -> vector<16xf32>
      %gt3A_263 = arith.cmpi sgt, %get3A_254, %scan3A_9#0 : vector<16xi32>
      %jit3A_264 = arith.constant 1 : i32
      %jit3A_265 = arith.constant 0 : i32
      %broadcast_in_dim3A_266 = vector.broadcast %jit3A_264 : i32 to vector<16xi32>
      %broadcast_in_dim3A_267 = vector.broadcast %jit3A_265 : i32 to vector<16xi32>
      %select_n3A_268 = arith.select %gt3A_263, %broadcast_in_dim3A_266, %broadcast_in_dim3A_267 : vector<16xi1>, vector<16xi32>
      %add3A_269 = arith.addi %add3A_239, %select_n3A_268 : vector<16xi32>
      %jit3A_270 = arith.constant 0.000000e+00 : f32
      %broadcast_in_dim3A_271 = vector.broadcast %jit3A_270 : f32 to vector<16xf32>
      %select_n3A_272 = arith.select %gt3A_263, %bitcast_convert_type3A_262, %broadcast_in_dim3A_271 : vector<16xi1>, vector<16xf32>
      %add3A_273 = arith.addf %add3A_243, %select_n3A_272 : vector<16xf32>
      %jit3A_274 = arith.constant 0xFF800000 : f32
      %broadcast_in_dim3A_275 = vector.broadcast %jit3A_274 : f32 to vector<16xf32>
      %select_n3A_276 = arith.select %gt3A_263, %broadcast_in_dim3A_275, %bitcast_convert_type3A_262 : vector<16xi1>, vector<16xf32>
      %max3A_277 = arith.maximumf %max3A_247, %select_n3A_276 : vector<16xf32>
      %scan3A_278 = arith.constant 4 : i32
      %scan3A_279 = arith.addi %scan3A_159, %scan3A_278 : i32
      %mul3A_280 = arith.constant 16 : i32
      %mul3A_281 = arith.muli %scan3A_279, %mul3A_280 : i32
      %get3A_282 = arith.index_cast %mul3A_281 : i32 to index
      %get3A_283 = tpu.vector_load %arg5[%get3A_282] {strides = array<i32>} : memref<9216xi32, #tpu.memory_space<vmem>>, vector<16xi32>,
      %get3A_284 = vector.shape_cast %get3A_283 : vector<16xi32> to vector<16xi32>
      %ge3A_285 = arith.constant 0 : i32
      %ge3A_286 = vector.broadcast %ge3A_285 : i32 to vector<16xi32>
      %ge3A_287 = arith.cmpi sge, %get3A_284, %ge3A_286 : vector<16xi32>
      %xor3A_288 = arith.constant 2147483647 : i32
      %xor3A_289 = vector.broadcast %xor3A_288 : i32 to vector<16xi32>
      %xor3A_290 = arith.xori %get3A_284, %xor3A_289 : vector<16xi32>
      %select_n3A_291 = arith.select %ge3A_287, %get3A_284, %xor3A_290 : vector<16xi1>, vector<16xi32>
      %bitcast_convert_type3A_292 = tpu.bitcast %select_n3A_291 : vector<16xi32> -> vector<16xf32>
      %gt3A_293 = arith.cmpi sgt, %get3A_284, %scan3A_9#0 : vector<16xi32>
      %jit3A_294 = arith.constant 1 : i32
      %jit3A_295 = arith.constant 0 : i32
      %broadcast_in_dim3A_296 = vector.broadcast %jit3A_294 : i32 to vector<16xi32>
      %broadcast_in_dim3A_297 = vector.broadcast %jit3A_295 : i32 to vector<16xi32>
      %select_n3A_298 = arith.select %gt3A_293, %broadcast_in_dim3A_296, %broadcast_in_dim3A_297 : vector<16xi1>, vector<16xi32>
      %add3A_299 = arith.addi %add3A_269, %select_n3A_298 : vector<16xi32>
      %jit3A_300 = arith.constant 0.000000e+00 : f32
      %broadcast_in_dim3A_301 = vector.broadcast %jit3A_300 : f32 to vector<16xf32>
      %select_n3A_302 = arith.select %gt3A_293, %bitcast_convert_type3A_292, %broadcast_in_dim3A_301 : vector<16xi1>, vector<16xf32>
      %add3A_303 = arith.addf %add3A_273, %select_n3A_302 : vector<16xf32>
      %jit3A_304 = arith.constant 0xFF800000 : f32
      %broadcast_in_dim3A_305 = vector.broadcast %jit3A_304 : f32 to vector<16xf32>
      %select_n3A_306 = arith.select %gt3A_293, %broadcast_in_dim3A_305, %bitcast_convert_type3A_292 : vector<16xi1>, vector<16xf32>
      %max3A_307 = arith.maximumf %max3A_277, %select_n3A_306 : vector<16xf32>
      %scan3A_308 = arith.constant 5 : i32
      %scan3A_309 = arith.addi %scan3A_159, %scan3A_308 : i32
      %mul3A_310 = arith.constant 16 : i32
      %mul3A_311 = arith.muli %scan3A_309, %mul3A_310 : i32
      %get3A_312 = arith.index_cast %mul3A_311 : i32 to index
      %get3A_313 = tpu.vector_load %arg5[%get3A_312] {strides = array<i32>} : memref<9216xi32, #tpu.memory_space<vmem>>, vector<16xi32>,
      %get3A_314 = vector.shape_cast %get3A_313 : vector<16xi32> to vector<16xi32>
      %ge3A_315 = arith.constant 0 : i32
      %ge3A_316 = vector.broadcast %ge3A_315 : i32 to vector<16xi32>
      %ge3A_317 = arith.cmpi sge, %get3A_314, %ge3A_316 : vector<16xi32>
      %xor3A_318 = arith.constant 2147483647 : i32
      %xor3A_319 = vector.broadcast %xor3A_318 : i32 to vector<16xi32>
      %xor3A_320 = arith.xori %get3A_314, %xor3A_319 : vector<16xi32>
      %select_n3A_321 = arith.select %ge3A_317, %get3A_314, %xor3A_320 : vector<16xi1>, vector<16xi32>
      %bitcast_convert_type3A_322 = tpu.bitcast %select_n3A_321 : vector<16xi32> -> vector<16xf32>
      %gt3A_323 = arith.cmpi sgt, %get3A_314, %scan3A_9#0 : vector<16xi32>
      %jit3A_324 = arith.constant 1 : i32
      %jit3A_325 = arith.constant 0 : i32
      %broadcast_in_dim3A_326 = vector.broadcast %jit3A_324 : i32 to vector<16xi32>
      %broadcast_in_dim3A_327 = vector.broadcast %jit3A_325 : i32 to vector<16xi32>
      %select_n3A_328 = arith.select %gt3A_323, %broadcast_in_dim3A_326, %broadcast_in_dim3A_327 : vector<16xi1>, vector<16xi32>
      %add3A_329 = arith.addi %add3A_299, %select_n3A_328 : vector<16xi32>
      %jit3A_330 = arith.constant 0.000000e+00 : f32
      %broadcast_in_dim3A_331 = vector.broadcast %jit3A_330 : f32 to vector<16xf32>
      %select_n3A_332 = arith.select %gt3A_323, %bitcast_convert_type3A_322, %broadcast_in_dim3A_331 : vector<16xi1>, vector<16xf32>
      %add3A_333 = arith.addf %add3A_303, %select_n3A_332 : vector<16xf32>
      %jit3A_334 = arith.constant 0xFF800000 : f32
      %broadcast_in_dim3A_335 = vector.broadcast %jit3A_334 : f32 to vector<16xf32>
      %select_n3A_336 = arith.select %gt3A_323, %broadcast_in_dim3A_335, %bitcast_convert_type3A_322 : vector<16xi1>, vector<16xf32>
      %max3A_337 = arith.maximumf %max3A_307, %select_n3A_336 : vector<16xf32>
      %scan3A_338 = arith.constant 6 : i32
      %scan3A_339 = arith.addi %scan3A_159, %scan3A_338 : i32
      %mul3A_340 = arith.constant 16 : i32
      %mul3A_341 = arith.muli %scan3A_339, %mul3A_340 : i32
      %get3A_342 = arith.index_cast %mul3A_341 : i32 to index
      %get3A_343 = tpu.vector_load %arg5[%get3A_342] {strides = array<i32>} : memref<9216xi32, #tpu.memory_space<vmem>>, vector<16xi32>,
      %get3A_344 = vector.shape_cast %get3A_343 : vector<16xi32> to vector<16xi32>
      %ge3A_345 = arith.constant 0 : i32
      %ge3A_346 = vector.broadcast %ge3A_345 : i32 to vector<16xi32>
      %ge3A_347 = arith.cmpi sge, %get3A_344, %ge3A_346 : vector<16xi32>
      %xor3A_348 = arith.constant 2147483647 : i32
      %xor3A_349 = vector.broadcast %xor3A_348 : i32 to vector<16xi32>
      %xor3A_350 = arith.xori %get3A_344, %xor3A_349 : vector<16xi32>
      %select_n3A_351 = arith.select %ge3A_347, %get3A_344, %xor3A_350 : vector<16xi1>, vector<16xi32>
      %bitcast_convert_type3A_352 = tpu.bitcast %select_n3A_351 : vector<16xi32> -> vector<16xf32>
      %gt3A_353 = arith.cmpi sgt, %get3A_344, %scan3A_9#0 : vector<16xi32>
      %jit3A_354 = arith.constant 1 : i32
      %jit3A_355 = arith.constant 0 : i32
      %broadcast_in_dim3A_356 = vector.broadcast %jit3A_354 : i32 to vector<16xi32>
      %broadcast_in_dim3A_357 = vector.broadcast %jit3A_355 : i32 to vector<16xi32>
      %select_n3A_358 = arith.select %gt3A_353, %broadcast_in_dim3A_356, %broadcast_in_dim3A_357 : vector<16xi1>, vector<16xi32>
      %add3A_359 = arith.addi %add3A_329, %select_n3A_358 : vector<16xi32>
      %jit3A_360 = arith.constant 0.000000e+00 : f32
      %broadcast_in_dim3A_361 = vector.broadcast %jit3A_360 : f32 to vector<16xf32>
      %select_n3A_362 = arith.select %gt3A_353, %bitcast_convert_type3A_352, %broadcast_in_dim3A_361 : vector<16xi1>, vector<16xf32>
      %add3A_363 = arith.addf %add3A_333, %select_n3A_362 : vector<16xf32>
      %jit3A_364 = arith.constant 0xFF800000 : f32
      %broadcast_in_dim3A_365 = vector.broadcast %jit3A_364 : f32 to vector<16xf32>
      %select_n3A_366 = arith.select %gt3A_353, %broadcast_in_dim3A_365, %bitcast_convert_type3A_352 : vector<16xi1>, vector<16xf32>
      %max3A_367 = arith.maximumf %max3A_337, %select_n3A_366 : vector<16xf32>
      %scan3A_368 = arith.constant 7 : i32
      %scan3A_369 = arith.addi %scan3A_159, %scan3A_368 : i32
      %mul3A_370 = arith.constant 16 : i32
      %mul3A_371 = arith.muli %scan3A_369, %mul3A_370 : i32
      %get3A_372 = arith.index_cast %mul3A_371 : i32 to index
      %get3A_373 = tpu.vector_load %arg5[%get3A_372] {strides = array<i32>} : memref<9216xi32, #tpu.memory_space<vmem>>, vector<16xi32>,
      %get3A_374 = vector.shape_cast %get3A_373 : vector<16xi32> to vector<16xi32>
      %ge3A_375 = arith.constant 0 : i32
      %ge3A_376 = vector.broadcast %ge3A_375 : i32 to vector<16xi32>
      %ge3A_377 = arith.cmpi sge, %get3A_374, %ge3A_376 : vector<16xi32>
      %xor3A_378 = arith.constant 2147483647 : i32
      %xor3A_379 = vector.broadcast %xor3A_378 : i32 to vector<16xi32>
      %xor3A_380 = arith.xori %get3A_374, %xor3A_379 : vector<16xi32>
      %select_n3A_381 = arith.select %ge3A_377, %get3A_374, %xor3A_380 : vector<16xi1>, vector<16xi32>
      %bitcast_convert_type3A_382 = tpu.bitcast %select_n3A_381 : vector<16xi32> -> vector<16xf32>
      %gt3A_383 = arith.cmpi sgt, %get3A_374, %scan3A_9#0 : vector<16xi32>
      %jit3A_384 = arith.constant 1 : i32
      %jit3A_385 = arith.constant 0 : i32
      %broadcast_in_dim3A_386 = vector.broadcast %jit3A_384 : i32 to vector<16xi32>
      %broadcast_in_dim3A_387 = vector.broadcast %jit3A_385 : i32 to vector<16xi32>
      %select_n3A_388 = arith.select %gt3A_383, %broadcast_in_dim3A_386, %broadcast_in_dim3A_387 : vector<16xi1>, vector<16xi32>
      %add3A_389 = arith.addi %add3A_359, %select_n3A_388 : vector<16xi32>
      %jit3A_390 = arith.constant 0.000000e+00 : f32
      %broadcast_in_dim3A_391 = vector.broadcast %jit3A_390 : f32 to vector<16xf32>
      %select_n3A_392 = arith.select %gt3A_383, %bitcast_convert_type3A_382, %broadcast_in_dim3A_391 : vector<16xi1>, vector<16xf32>
      %add3A_393 = arith.addf %add3A_363, %select_n3A_392 : vector<16xf32>
      %jit3A_394 = arith.constant 0xFF800000 : f32
      %broadcast_in_dim3A_395 = vector.broadcast %jit3A_394 : f32 to vector<16xf32>
      %select_n3A_396 = arith.select %gt3A_383, %broadcast_in_dim3A_395, %bitcast_convert_type3A_382 : vector<16xi1>, vector<16xf32>
      %max3A_397 = arith.maximumf %max3A_367, %select_n3A_396 : vector<16xf32>
      scf.yield %add3A_389, %add3A_393, %max3A_397 : vector<16xi32>, vector<16xf32>, vector<16xf32>
    }
    %scan3A_22 = arith.constant 576 : i32
    %iota3A = tpu.iota {dimensions = array<i32: 0>} : vector<16xi32>
    %add3A_23 = arith.constant 8 : i32
    %add3A_24 = vector.broadcast %add3A_23 : i32 to vector<16xi32>
    %add3A_25 = arith.addi %iota3A, %add3A_24 : vector<16xi32>
    %and3A = arith.constant 15 : i32
    %and3A_26 = vector.broadcast %and3A : i32 to vector<16xi32>
    %and3A_27 = arith.andi %add3A_25, %and3A_26 : vector<16xi32>
    %broadcast_in_dim3A_28 = vector.shape_cast %and3A_27 : vector<16xi32> to vector<16x1xi32>
    %gather3A = vector.shape_cast %broadcast_in_dim3A_28 : vector<16x1xi32> to vector<16xi32>
    %gather3A_29 = tpu.dynamic_gather %scan3A_21#0[%gather3A] in [0] : vector<16xi32>, vector<16xi32> -> vector<16xi32>
    %add3A_30 = arith.addi %scan3A_21#0, %gather3A_29 : vector<16xi32>
    %iota3A_31 = tpu.iota {dimensions = array<i32: 0>} : vector<16xi32>
    %add3A_32 = arith.constant 4 : i32
    %add3A_33 = vector.broadcast %add3A_32 : i32 to vector<16xi32>
    %add3A_34 = arith.addi %iota3A_31, %add3A_33 : vector<16xi32>
    %and3A_35 = arith.constant 15 : i32
    %and3A_36 = vector.broadcast %and3A_35 : i32 to vector<16xi32>
    %and3A_37 = arith.andi %add3A_34, %and3A_36 : vector<16xi32>
    %broadcast_in_dim3A_38 = vector.shape_cast %and3A_37 : vector<16xi32> to vector<16x1xi32>
    %gather3A_39 = vector.shape_cast %broadcast_in_dim3A_38 : vector<16x1xi32> to vector<16xi32>
    %gather3A_40 = tpu.dynamic_gather %add3A_30[%gather3A_39] in [0] : vector<16xi32>, vector<16xi32> -> vector<16xi32>
    %add3A_41 = arith.addi %add3A_30, %gather3A_40 : vector<16xi32>
    %iota3A_42 = tpu.iota {dimensions = array<i32: 0>} : vector<16xi32>
    %add3A_43 = arith.constant 2 : i32
    %add3A_44 = vector.broadcast %add3A_43 : i32 to vector<16xi32>
    %add3A_45 = arith.addi %iota3A_42, %add3A_44 : vector<16xi32>
    %and3A_46 = arith.constant 15 : i32
    %and3A_47 = vector.broadcast %and3A_46 : i32 to vector<16xi32>
    %and3A_48 = arith.andi %add3A_45, %and3A_47 : vector<16xi32>
    %broadcast_in_dim3A_49 = vector.shape_cast %and3A_48 : vector<16xi32> to vector<16x1xi32>
    %gather3A_50 = vector.shape_cast %broadcast_in_dim3A_49 : vector<16x1xi32> to vector<16xi32>
    %gather3A_51 = tpu.dynamic_gather %add3A_41[%gather3A_50] in [0] : vector<16xi32>, vector<16xi32> -> vector<16xi32>
    %add3A_52 = arith.addi %add3A_41, %gather3A_51 : vector<16xi32>
    %iota3A_53 = tpu.iota {dimensions = array<i32: 0>} : vector<16xi32>
    %add3A_54 = arith.constant 1 : i32
    %add3A_55 = vector.broadcast %add3A_54 : i32 to vector<16xi32>
    %add3A_56 = arith.addi %iota3A_53, %add3A_55 : vector<16xi32>
    %and3A_57 = arith.constant 15 : i32
    %and3A_58 = vector.broadcast %and3A_57 : i32 to vector<16xi32>
    %and3A_59 = arith.andi %add3A_56, %and3A_58 : vector<16xi32>
    %broadcast_in_dim3A_60 = vector.shape_cast %and3A_59 : vector<16xi32> to vector<16x1xi32>
    %gather3A_61 = vector.shape_cast %broadcast_in_dim3A_60 : vector<16x1xi32> to vector<16xi32>
    %gather3A_62 = tpu.dynamic_gather %add3A_52[%gather3A_61] in [0] : vector<16xi32>, vector<16xi32> -> vector<16xi32>
    %add3A_63 = arith.addi %add3A_52, %gather3A_62 : vector<16xi32>
    %iota3A_64 = tpu.iota {dimensions = array<i32: 0>} : vector<16xi32>
    %add3A_65 = arith.constant 8 : i32
    %add3A_66 = vector.broadcast %add3A_65 : i32 to vector<16xi32>
    %add3A_67 = arith.addi %iota3A_64, %add3A_66 : vector<16xi32>
    %and3A_68 = arith.constant 15 : i32
    %and3A_69 = vector.broadcast %and3A_68 : i32 to vector<16xi32>
    %and3A_70 = arith.andi %add3A_67, %and3A_69 : vector<16xi32>
    %broadcast_in_dim3A_71 = vector.shape_cast %and3A_70 : vector<16xi32> to vector<16x1xi32>
    %gather3A_72 = vector.shape_cast %broadcast_in_dim3A_71 : vector<16x1xi32> to vector<16xi32>
    %gather3A_73 = tpu.dynamic_gather %scan3A_21#1[%gather3A_72] in [0] : vector<16xf32>, vector<16xi32> -> vector<16xf32>
    %add3A_74 = arith.addf %scan3A_21#1, %gather3A_73 : vector<16xf32>
    %iota3A_75 = tpu.iota {dimensions = array<i32: 0>} : vector<16xi32>
    %add3A_76 = arith.constant 4 : i32
    %add3A_77 = vector.broadcast %add3A_76 : i32 to vector<16xi32>
    %add3A_78 = arith.addi %iota3A_75, %add3A_77 : vector<16xi32>
    %and3A_79 = arith.constant 15 : i32
    %and3A_80 = vector.broadcast %and3A_79 : i32 to vector<16xi32>
    %and3A_81 = arith.andi %add3A_78, %and3A_80 : vector<16xi32>
    %broadcast_in_dim3A_82 = vector.shape_cast %and3A_81 : vector<16xi32> to vector<16x1xi32>
    %gather3A_83 = vector.shape_cast %broadcast_in_dim3A_82 : vector<16x1xi32> to vector<16xi32>
    %gather3A_84 = tpu.dynamic_gather %add3A_74[%gather3A_83] in [0] : vector<16xf32>, vector<16xi32> -> vector<16xf32>
    %add3A_85 = arith.addf %add3A_74, %gather3A_84 : vector<16xf32>
    %iota3A_86 = tpu.iota {dimensions = array<i32: 0>} : vector<16xi32>
    %add3A_87 = arith.constant 2 : i32
    %add3A_88 = vector.broadcast %add3A_87 : i32 to vector<16xi32>
    %add3A_89 = arith.addi %iota3A_86, %add3A_88 : vector<16xi32>
    %and3A_90 = arith.constant 15 : i32
    %and3A_91 = vector.broadcast %and3A_90 : i32 to vector<16xi32>
    %and3A_92 = arith.andi %add3A_89, %and3A_91 : vector<16xi32>
    %broadcast_in_dim3A_93 = vector.shape_cast %and3A_92 : vector<16xi32> to vector<16x1xi32>
    %gather3A_94 = vector.shape_cast %broadcast_in_dim3A_93 : vector<16x1xi32> to vector<16xi32>
    %gather3A_95 = tpu.dynamic_gather %add3A_85[%gather3A_94] in [0] : vector<16xf32>, vector<16xi32> -> vector<16xf32>
    %add3A_96 = arith.addf %add3A_85, %gather3A_95 : vector<16xf32>
    %iota3A_97 = tpu.iota {dimensions = array<i32: 0>} : vector<16xi32>
    %add3A_98 = arith.constant 1 : i32
    %add3A_99 = vector.broadcast %add3A_98 : i32 to vector<16xi32>
    %add3A_100 = arith.addi %iota3A_97, %add3A_99 : vector<16xi32>
    %and3A_101 = arith.constant 15 : i32
    %and3A_102 = vector.broadcast %and3A_101 : i32 to vector<16xi32>
    %and3A_103 = arith.andi %add3A_100, %and3A_102 : vector<16xi32>
    %broadcast_in_dim3A_104 = vector.shape_cast %and3A_103 : vector<16xi32> to vector<16x1xi32>
    %gather3A_105 = vector.shape_cast %broadcast_in_dim3A_104 : vector<16x1xi32> to vector<16xi32>
    %gather3A_106 = tpu.dynamic_gather %add3A_96[%gather3A_105] in [0] : vector<16xf32>, vector<16xi32> -> vector<16xf32>
    %add3A_107 = arith.addf %add3A_96, %gather3A_106 : vector<16xf32>
    %iota3A_108 = tpu.iota {dimensions = array<i32: 0>} : vector<16xi32>
    %add3A_109 = arith.constant 8 : i32
    %add3A_110 = vector.broadcast %add3A_109 : i32 to vector<16xi32>
    %add3A_111 = arith.addi %iota3A_108, %add3A_110 : vector<16xi32>
    %and3A_112 = arith.constant 15 : i32
    %and3A_113 = vector.broadcast %and3A_112 : i32 to vector<16xi32>
    %and3A_114 = arith.andi %add3A_111, %and3A_113 : vector<16xi32>
    %broadcast_in_dim3A_115 = vector.shape_cast %and3A_114 : vector<16xi32> to vector<16x1xi32>
    %gather3A_116 = vector.shape_cast %broadcast_in_dim3A_115 : vector<16x1xi32> to vector<16xi32>
    %gather3A_117 = tpu.dynamic_gather %scan3A_21#2[%gather3A_116] in [0] : vector<16xf32>, vector<16xi32> -> vector<16xf32>
    %max3A = arith.maximumf %scan3A_21#2, %gather3A_117 : vector<16xf32>
    %iota3A_118 = tpu.iota {dimensions = array<i32: 0>} : vector<16xi32>
    %add3A_119 = arith.constant 4 : i32
    %add3A_120 = vector.broadcast %add3A_119 : i32 to vector<16xi32>
    %add3A_121 = arith.addi %iota3A_118, %add3A_120 : vector<16xi32>
    %and3A_122 = arith.constant 15 : i32
    %and3A_123 = vector.broadcast %and3A_122 : i32 to vector<16xi32>
    %and3A_124 = arith.andi %add3A_121, %and3A_123 : vector<16xi32>
    %broadcast_in_dim3A_125 = vector.shape_cast %and3A_124 : vector<16xi32> to vector<16x1xi32>
    %gather3A_126 = vector.shape_cast %broadcast_in_dim3A_125 : vector<16x1xi32> to vector<16xi32>
    %gather3A_127 = tpu.dynamic_gather %max3A[%gather3A_126] in [0] : vector<16xf32>, vector<16xi32> -> vector<16xf32>
    %max3A_128 = arith.maximumf %max3A, %gather3A_127 : vector<16xf32>
    %iota3A_129 = tpu.iota {dimensions = array<i32: 0>} : vector<16xi32>
    %add3A_130 = arith.constant 2 : i32
    %add3A_131 = vector.broadcast %add3A_130 : i32 to vector<16xi32>
    %add3A_132 = arith.addi %iota3A_129, %add3A_131 : vector<16xi32>
    %and3A_133 = arith.constant 15 : i32
    %and3A_134 = vector.broadcast %and3A_133 : i32 to vector<16xi32>
    %and3A_135 = arith.andi %add3A_132, %and3A_134 : vector<16xi32>
    %broadcast_in_dim3A_136 = vector.shape_cast %and3A_135 : vector<16xi32> to vector<16x1xi32>
    %gather3A_137 = vector.shape_cast %broadcast_in_dim3A_136 : vector<16x1xi32> to vector<16xi32>
    %gather3A_138 = tpu.dynamic_gather %max3A_128[%gather3A_137] in [0] : vector<16xf32>, vector<16xi32> -> vector<16xf32>
    %max3A_139 = arith.maximumf %max3A_128, %gather3A_138 : vector<16xf32>
    %iota3A_140 = tpu.iota {dimensions = array<i32: 0>} : vector<16xi32>
    %add3A_141 = arith.constant 1 : i32
    %add3A_142 = vector.broadcast %add3A_141 : i32 to vector<16xi32>
    %add3A_143 = arith.addi %iota3A_140, %add3A_142 : vector<16xi32>
    %and3A_144 = arith.constant 15 : i32
    %and3A_145 = vector.broadcast %and3A_144 : i32 to vector<16xi32>
    %and3A_146 = arith.andi %add3A_143, %and3A_145 : vector<16xi32>
    %broadcast_in_dim3A_147 = vector.shape_cast %and3A_146 : vector<16xi32> to vector<16x1xi32>
    %gather3A_148 = vector.shape_cast %broadcast_in_dim3A_147 : vector<16x1xi32> to vector<16xi32>
    %gather3A_149 = tpu.dynamic_gather %max3A_139[%gather3A_148] in [0] : vector<16xf32>, vector<16xi32> -> vector<16xf32>
    %max3A_150 = arith.maximumf %max3A_139, %gather3A_149 : vector<16xf32>
    %sub3A = arith.subi %get3A_2, %add3A_63 : vector<16xi32>
    %convert_element_type3A = arith.sitofp %sub3A : vector<16xi32> to vector<16xf32>
    %mul3A_151 = arith.mulf %convert_element_type3A, %max3A_150 : vector<16xf32>
    %add3A_152 = arith.addf %add3A_107, %mul3A_151 : vector<16xf32>
    %gt3A = arith.constant 0 : i32
    %gt3A_153 = vector.broadcast %gt3A : i32 to vector<16xi32>
    %gt3A_154 = arith.cmpi sgt, %get3A_2, %gt3A_153 : vector<16xi32>
    %jit3A = arith.constant 0.000000e+00 : f32
    %broadcast_in_dim3A_155 = vector.broadcast %jit3A : f32 to vector<16xf32>
    %select_n3A = arith.select %gt3A_154, %add3A_152, %broadcast_in_dim3A_155 : vector<16xi1>, vector<16xf32>
    %swap3A = arith.constant 0 : index
    %swap3A_156 = tpu.vector_load %arg7[%swap3A] {strides = array<i32>} : memref<16xf32, #tpu.memory_space<vmem>>, vector<16xf32>,
    %swap3A_157 = vector.shape_cast %swap3A_156 : vector<16xf32> to vector<16xf32>
    %swap3A_158 = vector.shape_cast %select_n3A : vector<16xf32> to vector<16xf32>
    tpu.vector_store %arg7[%swap3A], %swap3A_158 {strides = array<i32>} : memref<16xf32, #tpu.memory_space<vmem>>, vector<16xf32>,
    "tpu.region"() ({
      %run_scoped3A = tpu.sem_alloc : memref<!tpu.dma_semaphore, #tpu.memory_space<semaphore_mem>>
      %dma_start3A = arith.constant 0 : i32
      %dma_start3A_159 = tpu.memref_slice %arg4[%add3A, %dma_start3A] : memref<32x16xf32, #tpu.memory_space<hbm>> -> memref<1x16xf32, #tpu.memory_space<hbm>>
      %dma_start3A_160 = tpu.memref_squeeze %dma_start3A_159 : memref<1x16xf32, #tpu.memory_space<hbm>> -> memref<16xf32, #tpu.memory_space<hbm>>
      %dma_start3A_161 = arith.constant 0 : i32
      %dma_start3A_162 = tpu.memref_slice %arg4[%add3A, %dma_start3A_161] : memref<32x16xf32, #tpu.memory_space<hbm>> -> memref<1x16xf32, #tpu.memory_space<hbm>>
      %dma_start3A_163 = tpu.memref_squeeze %dma_start3A_162 : memref<1x16xf32, #tpu.memory_space<hbm>> -> memref<16xf32, #tpu.memory_space<hbm>>
      tpu.enqueue_dma source(%arg7 : memref<16xf32, #tpu.memory_space<vmem>>) target(%dma_start3A_163 : memref<16xf32, #tpu.memory_space<hbm>>) target_semaphore(%run_scoped3A : memref<!tpu.dma_semaphore, #tpu.memory_space<semaphore_mem>>)
      %dma_wait3A = arith.constant 0 : i32
      %dma_wait3A_164 = tpu.memref_slice %arg4[%add3A, %dma_wait3A] : memref<32x16xf32, #tpu.memory_space<hbm>> -> memref<1x16xf32, #tpu.memory_space<hbm>>
      %dma_wait3A_165 = tpu.memref_squeeze %dma_wait3A_164 : memref<1x16xf32, #tpu.memory_space<hbm>> -> memref<16xf32, #tpu.memory_space<hbm>>
      %dma_wait3A_166 = arith.constant 0 : i32
      %dma_wait3A_167 = tpu.memref_slice %arg4[%add3A, %dma_wait3A_166] : memref<32x16xf32, #tpu.memory_space<hbm>> -> memref<1x16xf32, #tpu.memory_space<hbm>>
      %dma_wait3A_168 = tpu.memref_squeeze %dma_wait3A_167 : memref<1x16xf32, #tpu.memory_space<hbm>> -> memref<16xf32, #tpu.memory_space<hbm>>
      tpu.wait_dma2 semaphore(%run_scoped3A : memref<!tpu.dma_semaphore, #tpu.memory_space<semaphore_mem>>) src(%arg7 : memref<16xf32, #tpu.memory_space<vmem>>) dst(%dma_wait3A_168 : memref<16xf32, #tpu.memory_space<hbm>>)
      tpu.yield
    }) : () -> ()
    return
  }
}

module attributes {stable_mosaic.version = 14 : i64} {
  func.func @_mbl_body(%arg0: i32, %arg1: memref<1x16x5xf32, #tpu.memory_space<smem>>, %arg2: memref<1x21x72x128xf32, #tpu.memory_space<vmem>>, %arg3: memref<1x4x72x128xf32, #tpu.memory_space<vmem>>, %arg4: memref<4x72x128xf32, #tpu.memory_space<vmem>>, %arg5: memref<1x1xf32, #tpu.memory_space<smem>>, %arg6: memref<1x1xf32, #tpu.memory_space<smem>>, %arg7: memref<1x1xf32, #tpu.memory_space<smem>>, %arg8: memref<1x72x128xi32, #tpu.memory_space<vmem>>, %arg9: memref<1x1x128xi32, #tpu.memory_space<vmem>>) attributes {dimension_semantics = [#tpu.dimension_semantics<arbitrary>], iteration_bounds = array<i64: 32>, scalar_prefetch = 0 : i64, scratch_operands = 0 : i64, tpu.core_type = #tpu.core_type<tc>, window_params = [{transform_indices = @transform_0, window_bounds = array<i64: 1, 16, 5>}, {transform_indices = @transform_1, window_bounds = array<i64: 1, 21, 72, 128>}, {transform_indices = @transform_2, window_bounds = array<i64: 1, 4, 72, 128>}, {pipeline_mode = #tpu.pipeline_mode<synchronous>, transform_indices = @transform_3, window_bounds = array<i64: 4, 72, 128>}, {transform_indices = @transform_4, window_bounds = array<i64: 1, 1>}, {transform_indices = @transform_5, window_bounds = array<i64: 1, 1>}, {transform_indices = @transform_6, window_bounds = array<i64: 1, 1>}, {transform_indices = @transform_7, window_bounds = array<i64: 1, 72, 128>}, {transform_indices = @transform_8, window_bounds = array<i64: 1, 1, 128>}]} {
    %iota3A = tpu.iota {dimensions = array<i32: 0>} : vector<72x128xi32>
    %iota3A_0 = tpu.iota {dimensions = array<i32: 1>} : vector<72x128xi32>
    %mul3A = arith.constant 128 : i32
    %mul3A_1 = vector.broadcast %mul3A : i32 to vector<72x128xi32>
    %mul3A_2 = arith.muli %iota3A, %mul3A_1 : vector<72x128xi32>
    %add3A = arith.addi %mul3A_2, %iota3A_0 : vector<72x128xi32>
    %lt3A = arith.constant 8732 : i32
    %lt3A_3 = vector.broadcast %lt3A : i32 to vector<72x128xi32>
    %lt3A_4 = arith.cmpi slt, %add3A, %lt3A_3 : vector<72x128xi32>
    %get3A = arith.constant 0 : index
    %get3A_5 = arith.constant 0 : index
    %get3A_6 = arith.constant 0 : index
    %get3A_7 = vector.load %arg4[%get3A, %get3A_5, %get3A_6] : memref<4x72x128xf32, #tpu.memory_space<vmem>>, vector<1x72x128xf32>
    %get3A_8 = vector.shape_cast %get3A_7 : vector<1x72x128xf32> to vector<72x128xf32>
    %get3A_9 = arith.constant 1 : index
    %get3A_10 = arith.constant 0 : index
    %get3A_11 = arith.constant 0 : index
    %get3A_12 = vector.load %arg4[%get3A_9, %get3A_10, %get3A_11] : memref<4x72x128xf32, #tpu.memory_space<vmem>>, vector<1x72x128xf32>
    %get3A_13 = vector.shape_cast %get3A_12 : vector<1x72x128xf32> to vector<72x128xf32>
    %get3A_14 = arith.constant 2 : index
    %get3A_15 = arith.constant 0 : index
    %get3A_16 = arith.constant 0 : index
    %get3A_17 = vector.load %arg4[%get3A_14, %get3A_15, %get3A_16] : memref<4x72x128xf32, #tpu.memory_space<vmem>>, vector<1x72x128xf32>
    %get3A_18 = vector.shape_cast %get3A_17 : vector<1x72x128xf32> to vector<72x128xf32>
    %get3A_19 = arith.constant 3 : index
    %get3A_20 = arith.constant 0 : index
    %get3A_21 = arith.constant 0 : index
    %get3A_22 = vector.load %arg4[%get3A_19, %get3A_20, %get3A_21] : memref<4x72x128xf32, #tpu.memory_space<vmem>>, vector<1x72x128xf32>
    %get3A_23 = vector.shape_cast %get3A_22 : vector<1x72x128xf32> to vector<72x128xf32>
    %mul3A_24 = arith.constant 5.000000e-01 : f32
    %mul3A_25 = vector.broadcast %mul3A_24 : f32 to vector<72x128xf32>
    %mul3A_26 = arith.mulf %get3A_18, %mul3A_25 : vector<72x128xf32>
    %sub3A = arith.subf %get3A_8, %mul3A_26 : vector<72x128xf32>
    %mul3A_27 = arith.constant 5.000000e-01 : f32
    %mul3A_28 = vector.broadcast %mul3A_27 : f32 to vector<72x128xf32>
    %mul3A_29 = arith.mulf %get3A_23, %mul3A_28 : vector<72x128xf32>
    %sub3A_30 = arith.subf %get3A_13, %mul3A_29 : vector<72x128xf32>
    %mul3A_31 = arith.constant 5.000000e-01 : f32
    %mul3A_32 = vector.broadcast %mul3A_31 : f32 to vector<72x128xf32>
    %mul3A_33 = arith.mulf %get3A_18, %mul3A_32 : vector<72x128xf32>
    %add3A_34 = arith.addf %get3A_8, %mul3A_33 : vector<72x128xf32>
    %mul3A_35 = arith.constant 5.000000e-01 : f32
    %mul3A_36 = vector.broadcast %mul3A_35 : f32 to vector<72x128xf32>
    %mul3A_37 = arith.mulf %get3A_23, %mul3A_36 : vector<72x128xf32>
    %add3A_38 = arith.addf %get3A_13, %mul3A_37 : vector<72x128xf32>
    %sub3A_39 = arith.subf %add3A_34, %sub3A : vector<72x128xf32>
    %sub3A_40 = arith.subf %add3A_38, %sub3A_30 : vector<72x128xf32>
    %mul3A_41 = arith.mulf %sub3A_39, %sub3A_40 : vector<72x128xf32>
    %get3A_42 = arith.constant 0 : index
    %get3A_43 = arith.constant 0 : index
    %get3A_44 = arith.constant 0 : index
    %get3A_45 = memref.load %arg1[%get3A_42, %get3A_43, %get3A_44] : memref<1x16x5xf32, #tpu.memory_space<smem>>
    %get3A_46 = arith.constant 0 : index
    %get3A_47 = arith.constant 1 : index
    %get3A_48 = arith.constant 0 : index
    %get3A_49 = memref.load %arg1[%get3A_46, %get3A_47, %get3A_48] : memref<1x16x5xf32, #tpu.memory_space<smem>>
    %get3A_50 = arith.constant 0 : index
    %get3A_51 = arith.constant 2 : index
    %get3A_52 = arith.constant 0 : index
    %get3A_53 = memref.load %arg1[%get3A_50, %get3A_51, %get3A_52] : memref<1x16x5xf32, #tpu.memory_space<smem>>
    %get3A_54 = arith.constant 0 : index
    %get3A_55 = arith.constant 3 : index
    %get3A_56 = arith.constant 0 : index
    %get3A_57 = memref.load %arg1[%get3A_54, %get3A_55, %get3A_56] : memref<1x16x5xf32, #tpu.memory_space<smem>>
    %get3A_58 = arith.constant 0 : index
    %get3A_59 = arith.constant 4 : index
    %get3A_60 = arith.constant 0 : index
    %get3A_61 = memref.load %arg1[%get3A_58, %get3A_59, %get3A_60] : memref<1x16x5xf32, #tpu.memory_space<smem>>
    %get3A_62 = arith.constant 0 : index
    %get3A_63 = arith.constant 5 : index
    %get3A_64 = arith.constant 0 : index
    %get3A_65 = memref.load %arg1[%get3A_62, %get3A_63, %get3A_64] : memref<1x16x5xf32, #tpu.memory_space<smem>>
    %get3A_66 = arith.constant 0 : index
    %get3A_67 = arith.constant 6 : index
    %get3A_68 = arith.constant 0 : index
    %get3A_69 = memref.load %arg1[%get3A_66, %get3A_67, %get3A_68] : memref<1x16x5xf32, #tpu.memory_space<smem>>
    %get3A_70 = arith.constant 0 : index
    %get3A_71 = arith.constant 7 : index
    %get3A_72 = arith.constant 0 : index
    %get3A_73 = memref.load %arg1[%get3A_70, %get3A_71, %get3A_72] : memref<1x16x5xf32, #tpu.memory_space<smem>>
    %get3A_74 = arith.constant 0 : index
    %get3A_75 = arith.constant 8 : index
    %get3A_76 = arith.constant 0 : index
    %get3A_77 = memref.load %arg1[%get3A_74, %get3A_75, %get3A_76] : memref<1x16x5xf32, #tpu.memory_space<smem>>
    %get3A_78 = arith.constant 0 : index
    %get3A_79 = arith.constant 9 : index
    %get3A_80 = arith.constant 0 : index
    %get3A_81 = memref.load %arg1[%get3A_78, %get3A_79, %get3A_80] : memref<1x16x5xf32, #tpu.memory_space<smem>>
    %get3A_82 = arith.constant 0 : index
    %get3A_83 = arith.constant 10 : index
    %get3A_84 = arith.constant 0 : index
    %get3A_85 = memref.load %arg1[%get3A_82, %get3A_83, %get3A_84] : memref<1x16x5xf32, #tpu.memory_space<smem>>
    %get3A_86 = arith.constant 0 : index
    %get3A_87 = arith.constant 11 : index
    %get3A_88 = arith.constant 0 : index
    %get3A_89 = memref.load %arg1[%get3A_86, %get3A_87, %get3A_88] : memref<1x16x5xf32, #tpu.memory_space<smem>>
    %get3A_90 = arith.constant 0 : index
    %get3A_91 = arith.constant 12 : index
    %get3A_92 = arith.constant 0 : index
    %get3A_93 = memref.load %arg1[%get3A_90, %get3A_91, %get3A_92] : memref<1x16x5xf32, #tpu.memory_space<smem>>
    %get3A_94 = arith.constant 0 : index
    %get3A_95 = arith.constant 13 : index
    %get3A_96 = arith.constant 0 : index
    %get3A_97 = memref.load %arg1[%get3A_94, %get3A_95, %get3A_96] : memref<1x16x5xf32, #tpu.memory_space<smem>>
    %get3A_98 = arith.constant 0 : index
    %get3A_99 = arith.constant 14 : index
    %get3A_100 = arith.constant 0 : index
    %get3A_101 = memref.load %arg1[%get3A_98, %get3A_99, %get3A_100] : memref<1x16x5xf32, #tpu.memory_space<smem>>
    %get3A_102 = arith.constant 0 : index
    %get3A_103 = arith.constant 15 : index
    %get3A_104 = arith.constant 0 : index
    %get3A_105 = memref.load %arg1[%get3A_102, %get3A_103, %get3A_104] : memref<1x16x5xf32, #tpu.memory_space<smem>>
    %get3A_106 = arith.constant 0 : index
    %get3A_107 = arith.constant 0 : index
    %get3A_108 = arith.constant 1 : index
    %get3A_109 = memref.load %arg1[%get3A_106, %get3A_107, %get3A_108] : memref<1x16x5xf32, #tpu.memory_space<smem>>
    %get3A_110 = arith.constant 0 : index
    %get3A_111 = arith.constant 1 : index
    %get3A_112 = arith.constant 1 : index
    %get3A_113 = memref.load %arg1[%get3A_110, %get3A_111, %get3A_112] : memref<1x16x5xf32, #tpu.memory_space<smem>>
    %get3A_114 = arith.constant 0 : index
    %get3A_115 = arith.constant 2 : index
    %get3A_116 = arith.constant 1 : index
    %get3A_117 = memref.load %arg1[%get3A_114, %get3A_115, %get3A_116] : memref<1x16x5xf32, #tpu.memory_space<smem>>
    %get3A_118 = arith.constant 0 : index
    %get3A_119 = arith.constant 3 : index
    %get3A_120 = arith.constant 1 : index
    %get3A_121 = memref.load %arg1[%get3A_118, %get3A_119, %get3A_120] : memref<1x16x5xf32, #tpu.memory_space<smem>>
    %get3A_122 = arith.constant 0 : index
    %get3A_123 = arith.constant 4 : index
    %get3A_124 = arith.constant 1 : index
    %get3A_125 = memref.load %arg1[%get3A_122, %get3A_123, %get3A_124] : memref<1x16x5xf32, #tpu.memory_space<smem>>
    %get3A_126 = arith.constant 0 : index
    %get3A_127 = arith.constant 5 : index
    %get3A_128 = arith.constant 1 : index
    %get3A_129 = memref.load %arg1[%get3A_126, %get3A_127, %get3A_128] : memref<1x16x5xf32, #tpu.memory_space<smem>>
    %get3A_130 = arith.constant 0 : index
    %get3A_131 = arith.constant 6 : index
    %get3A_132 = arith.constant 1 : index
    %get3A_133 = memref.load %arg1[%get3A_130, %get3A_131, %get3A_132] : memref<1x16x5xf32, #tpu.memory_space<smem>>
    %get3A_134 = arith.constant 0 : index
    %get3A_135 = arith.constant 7 : index
    %get3A_136 = arith.constant 1 : index
    %get3A_137 = memref.load %arg1[%get3A_134, %get3A_135, %get3A_136] : memref<1x16x5xf32, #tpu.memory_space<smem>>
    %get3A_138 = arith.constant 0 : index
    %get3A_139 = arith.constant 8 : index
    %get3A_140 = arith.constant 1 : index
    %get3A_141 = memref.load %arg1[%get3A_138, %get3A_139, %get3A_140] : memref<1x16x5xf32, #tpu.memory_space<smem>>
    %get3A_142 = arith.constant 0 : index
    %get3A_143 = arith.constant 9 : index
    %get3A_144 = arith.constant 1 : index
    %get3A_145 = memref.load %arg1[%get3A_142, %get3A_143, %get3A_144] : memref<1x16x5xf32, #tpu.memory_space<smem>>
    %get3A_146 = arith.constant 0 : index
    %get3A_147 = arith.constant 10 : index
    %get3A_148 = arith.constant 1 : index
    %get3A_149 = memref.load %arg1[%get3A_146, %get3A_147, %get3A_148] : memref<1x16x5xf32, #tpu.memory_space<smem>>
    %get3A_150 = arith.constant 0 : index
    %get3A_151 = arith.constant 11 : index
    %get3A_152 = arith.constant 1 : index
    %get3A_153 = memref.load %arg1[%get3A_150, %get3A_151, %get3A_152] : memref<1x16x5xf32, #tpu.memory_space<smem>>
    %get3A_154 = arith.constant 0 : index
    %get3A_155 = arith.constant 12 : index
    %get3A_156 = arith.constant 1 : index
    %get3A_157 = memref.load %arg1[%get3A_154, %get3A_155, %get3A_156] : memref<1x16x5xf32, #tpu.memory_space<smem>>
    %get3A_158 = arith.constant 0 : index
    %get3A_159 = arith.constant 13 : index
    %get3A_160 = arith.constant 1 : index
    %get3A_161 = memref.load %arg1[%get3A_158, %get3A_159, %get3A_160] : memref<1x16x5xf32, #tpu.memory_space<smem>>
    %get3A_162 = arith.constant 0 : index
    %get3A_163 = arith.constant 14 : index
    %get3A_164 = arith.constant 1 : index
    %get3A_165 = memref.load %arg1[%get3A_162, %get3A_163, %get3A_164] : memref<1x16x5xf32, #tpu.memory_space<smem>>
    %get3A_166 = arith.constant 0 : index
    %get3A_167 = arith.constant 15 : index
    %get3A_168 = arith.constant 1 : index
    %get3A_169 = memref.load %arg1[%get3A_166, %get3A_167, %get3A_168] : memref<1x16x5xf32, #tpu.memory_space<smem>>
    %get3A_170 = arith.constant 0 : index
    %get3A_171 = arith.constant 0 : index
    %get3A_172 = arith.constant 2 : index
    %get3A_173 = memref.load %arg1[%get3A_170, %get3A_171, %get3A_172] : memref<1x16x5xf32, #tpu.memory_space<smem>>
    %get3A_174 = arith.constant 0 : index
    %get3A_175 = arith.constant 1 : index
    %get3A_176 = arith.constant 2 : index
    %get3A_177 = memref.load %arg1[%get3A_174, %get3A_175, %get3A_176] : memref<1x16x5xf32, #tpu.memory_space<smem>>
    %get3A_178 = arith.constant 0 : index
    %get3A_179 = arith.constant 2 : index
    %get3A_180 = arith.constant 2 : index
    %get3A_181 = memref.load %arg1[%get3A_178, %get3A_179, %get3A_180] : memref<1x16x5xf32, #tpu.memory_space<smem>>
    %get3A_182 = arith.constant 0 : index
    %get3A_183 = arith.constant 3 : index
    %get3A_184 = arith.constant 2 : index
    %get3A_185 = memref.load %arg1[%get3A_182, %get3A_183, %get3A_184] : memref<1x16x5xf32, #tpu.memory_space<smem>>
    %get3A_186 = arith.constant 0 : index
    %get3A_187 = arith.constant 4 : index
    %get3A_188 = arith.constant 2 : index
    %get3A_189 = memref.load %arg1[%get3A_186, %get3A_187, %get3A_188] : memref<1x16x5xf32, #tpu.memory_space<smem>>
    %get3A_190 = arith.constant 0 : index
    %get3A_191 = arith.constant 5 : index
    %get3A_192 = arith.constant 2 : index
    %get3A_193 = memref.load %arg1[%get3A_190, %get3A_191, %get3A_192] : memref<1x16x5xf32, #tpu.memory_space<smem>>
    %get3A_194 = arith.constant 0 : index
    %get3A_195 = arith.constant 6 : index
    %get3A_196 = arith.constant 2 : index
    %get3A_197 = memref.load %arg1[%get3A_194, %get3A_195, %get3A_196] : memref<1x16x5xf32, #tpu.memory_space<smem>>
    %get3A_198 = arith.constant 0 : index
    %get3A_199 = arith.constant 7 : index
    %get3A_200 = arith.constant 2 : index
    %get3A_201 = memref.load %arg1[%get3A_198, %get3A_199, %get3A_200] : memref<1x16x5xf32, #tpu.memory_space<smem>>
    %get3A_202 = arith.constant 0 : index
    %get3A_203 = arith.constant 8 : index
    %get3A_204 = arith.constant 2 : index
    %get3A_205 = memref.load %arg1[%get3A_202, %get3A_203, %get3A_204] : memref<1x16x5xf32, #tpu.memory_space<smem>>
    %get3A_206 = arith.constant 0 : index
    %get3A_207 = arith.constant 9 : index
    %get3A_208 = arith.constant 2 : index
    %get3A_209 = memref.load %arg1[%get3A_206, %get3A_207, %get3A_208] : memref<1x16x5xf32, #tpu.memory_space<smem>>
    %get3A_210 = arith.constant 0 : index
    %get3A_211 = arith.constant 10 : index
    %get3A_212 = arith.constant 2 : index
    %get3A_213 = memref.load %arg1[%get3A_210, %get3A_211, %get3A_212] : memref<1x16x5xf32, #tpu.memory_space<smem>>
    %get3A_214 = arith.constant 0 : index
    %get3A_215 = arith.constant 11 : index
    %get3A_216 = arith.constant 2 : index
    %get3A_217 = memref.load %arg1[%get3A_214, %get3A_215, %get3A_216] : memref<1x16x5xf32, #tpu.memory_space<smem>>
    %get3A_218 = arith.constant 0 : index
    %get3A_219 = arith.constant 12 : index
    %get3A_220 = arith.constant 2 : index
    %get3A_221 = memref.load %arg1[%get3A_218, %get3A_219, %get3A_220] : memref<1x16x5xf32, #tpu.memory_space<smem>>
    %get3A_222 = arith.constant 0 : index
    %get3A_223 = arith.constant 13 : index
    %get3A_224 = arith.constant 2 : index
    %get3A_225 = memref.load %arg1[%get3A_222, %get3A_223, %get3A_224] : memref<1x16x5xf32, #tpu.memory_space<smem>>
    %get3A_226 = arith.constant 0 : index
    %get3A_227 = arith.constant 14 : index
    %get3A_228 = arith.constant 2 : index
    %get3A_229 = memref.load %arg1[%get3A_226, %get3A_227, %get3A_228] : memref<1x16x5xf32, #tpu.memory_space<smem>>
    %get3A_230 = arith.constant 0 : index
    %get3A_231 = arith.constant 15 : index
    %get3A_232 = arith.constant 2 : index
    %get3A_233 = memref.load %arg1[%get3A_230, %get3A_231, %get3A_232] : memref<1x16x5xf32, #tpu.memory_space<smem>>
    %get3A_234 = arith.constant 0 : index
    %get3A_235 = arith.constant 0 : index
    %get3A_236 = arith.constant 3 : index
    %get3A_237 = memref.load %arg1[%get3A_234, %get3A_235, %get3A_236] : memref<1x16x5xf32, #tpu.memory_space<smem>>
    %get3A_238 = arith.constant 0 : index
    %get3A_239 = arith.constant 1 : index
    %get3A_240 = arith.constant 3 : index
    %get3A_241 = memref.load %arg1[%get3A_238, %get3A_239, %get3A_240] : memref<1x16x5xf32, #tpu.memory_space<smem>>
    %get3A_242 = arith.constant 0 : index
    %get3A_243 = arith.constant 2 : index
    %get3A_244 = arith.constant 3 : index
    %get3A_245 = memref.load %arg1[%get3A_242, %get3A_243, %get3A_244] : memref<1x16x5xf32, #tpu.memory_space<smem>>
    %get3A_246 = arith.constant 0 : index
    %get3A_247 = arith.constant 3 : index
    %get3A_248 = arith.constant 3 : index
    %get3A_249 = memref.load %arg1[%get3A_246, %get3A_247, %get3A_248] : memref<1x16x5xf32, #tpu.memory_space<smem>>
    %get3A_250 = arith.constant 0 : index
    %get3A_251 = arith.constant 4 : index
    %get3A_252 = arith.constant 3 : index
    %get3A_253 = memref.load %arg1[%get3A_250, %get3A_251, %get3A_252] : memref<1x16x5xf32, #tpu.memory_space<smem>>
    %get3A_254 = arith.constant 0 : index
    %get3A_255 = arith.constant 5 : index
    %get3A_256 = arith.constant 3 : index
    %get3A_257 = memref.load %arg1[%get3A_254, %get3A_255, %get3A_256] : memref<1x16x5xf32, #tpu.memory_space<smem>>
    %get3A_258 = arith.constant 0 : index
    %get3A_259 = arith.constant 6 : index
    %get3A_260 = arith.constant 3 : index
    %get3A_261 = memref.load %arg1[%get3A_258, %get3A_259, %get3A_260] : memref<1x16x5xf32, #tpu.memory_space<smem>>
    %get3A_262 = arith.constant 0 : index
    %get3A_263 = arith.constant 7 : index
    %get3A_264 = arith.constant 3 : index
    %get3A_265 = memref.load %arg1[%get3A_262, %get3A_263, %get3A_264] : memref<1x16x5xf32, #tpu.memory_space<smem>>
    %get3A_266 = arith.constant 0 : index
    %get3A_267 = arith.constant 8 : index
    %get3A_268 = arith.constant 3 : index
    %get3A_269 = memref.load %arg1[%get3A_266, %get3A_267, %get3A_268] : memref<1x16x5xf32, #tpu.memory_space<smem>>
    %get3A_270 = arith.constant 0 : index
    %get3A_271 = arith.constant 9 : index
    %get3A_272 = arith.constant 3 : index
    %get3A_273 = memref.load %arg1[%get3A_270, %get3A_271, %get3A_272] : memref<1x16x5xf32, #tpu.memory_space<smem>>
    %get3A_274 = arith.constant 0 : index
    %get3A_275 = arith.constant 10 : index
    %get3A_276 = arith.constant 3 : index
    %get3A_277 = memref.load %arg1[%get3A_274, %get3A_275, %get3A_276] : memref<1x16x5xf32, #tpu.memory_space<smem>>
    %get3A_278 = arith.constant 0 : index
    %get3A_279 = arith.constant 11 : index
    %get3A_280 = arith.constant 3 : index
    %get3A_281 = memref.load %arg1[%get3A_278, %get3A_279, %get3A_280] : memref<1x16x5xf32, #tpu.memory_space<smem>>
    %get3A_282 = arith.constant 0 : index
    %get3A_283 = arith.constant 12 : index
    %get3A_284 = arith.constant 3 : index
    %get3A_285 = memref.load %arg1[%get3A_282, %get3A_283, %get3A_284] : memref<1x16x5xf32, #tpu.memory_space<smem>>
    %get3A_286 = arith.constant 0 : index
    %get3A_287 = arith.constant 13 : index
    %get3A_288 = arith.constant 3 : index
    %get3A_289 = memref.load %arg1[%get3A_286, %get3A_287, %get3A_288] : memref<1x16x5xf32, #tpu.memory_space<smem>>
    %get3A_290 = arith.constant 0 : index
    %get3A_291 = arith.constant 14 : index
    %get3A_292 = arith.constant 3 : index
    %get3A_293 = memref.load %arg1[%get3A_290, %get3A_291, %get3A_292] : memref<1x16x5xf32, #tpu.memory_space<smem>>
    %get3A_294 = arith.constant 0 : index
    %get3A_295 = arith.constant 15 : index
    %get3A_296 = arith.constant 3 : index
    %get3A_297 = memref.load %arg1[%get3A_294, %get3A_295, %get3A_296] : memref<1x16x5xf32, #tpu.memory_space<smem>>
    %get3A_298 = arith.constant 0 : index
    %get3A_299 = arith.constant 0 : index
    %get3A_300 = arith.constant 4 : index
    %get3A_301 = memref.load %arg1[%get3A_298, %get3A_299, %get3A_300] : memref<1x16x5xf32, #tpu.memory_space<smem>>
    %get3A_302 = arith.constant 0 : index
    %get3A_303 = arith.constant 1 : index
    %get3A_304 = arith.constant 4 : index
    %get3A_305 = memref.load %arg1[%get3A_302, %get3A_303, %get3A_304] : memref<1x16x5xf32, #tpu.memory_space<smem>>
    %get3A_306 = arith.constant 0 : index
    %get3A_307 = arith.constant 2 : index
    %get3A_308 = arith.constant 4 : index
    %get3A_309 = memref.load %arg1[%get3A_306, %get3A_307, %get3A_308] : memref<1x16x5xf32, #tpu.memory_space<smem>>
    %get3A_310 = arith.constant 0 : index
    %get3A_311 = arith.constant 3 : index
    %get3A_312 = arith.constant 4 : index
    %get3A_313 = memref.load %arg1[%get3A_310, %get3A_311, %get3A_312] : memref<1x16x5xf32, #tpu.memory_space<smem>>
    %get3A_314 = arith.constant 0 : index
    %get3A_315 = arith.constant 4 : index
    %get3A_316 = arith.constant 4 : index
    %get3A_317 = memref.load %arg1[%get3A_314, %get3A_315, %get3A_316] : memref<1x16x5xf32, #tpu.memory_space<smem>>
    %get3A_318 = arith.constant 0 : index
    %get3A_319 = arith.constant 5 : index
    %get3A_320 = arith.constant 4 : index
    %get3A_321 = memref.load %arg1[%get3A_318, %get3A_319, %get3A_320] : memref<1x16x5xf32, #tpu.memory_space<smem>>
    %get3A_322 = arith.constant 0 : index
    %get3A_323 = arith.constant 6 : index
    %get3A_324 = arith.constant 4 : index
    %get3A_325 = memref.load %arg1[%get3A_322, %get3A_323, %get3A_324] : memref<1x16x5xf32, #tpu.memory_space<smem>>
    %get3A_326 = arith.constant 0 : index
    %get3A_327 = arith.constant 7 : index
    %get3A_328 = arith.constant 4 : index
    %get3A_329 = memref.load %arg1[%get3A_326, %get3A_327, %get3A_328] : memref<1x16x5xf32, #tpu.memory_space<smem>>
    %get3A_330 = arith.constant 0 : index
    %get3A_331 = arith.constant 8 : index
    %get3A_332 = arith.constant 4 : index
    %get3A_333 = memref.load %arg1[%get3A_330, %get3A_331, %get3A_332] : memref<1x16x5xf32, #tpu.memory_space<smem>>
    %get3A_334 = arith.constant 0 : index
    %get3A_335 = arith.constant 9 : index
    %get3A_336 = arith.constant 4 : index
    %get3A_337 = memref.load %arg1[%get3A_334, %get3A_335, %get3A_336] : memref<1x16x5xf32, #tpu.memory_space<smem>>
    %get3A_338 = arith.constant 0 : index
    %get3A_339 = arith.constant 10 : index
    %get3A_340 = arith.constant 4 : index
    %get3A_341 = memref.load %arg1[%get3A_338, %get3A_339, %get3A_340] : memref<1x16x5xf32, #tpu.memory_space<smem>>
    %get3A_342 = arith.constant 0 : index
    %get3A_343 = arith.constant 11 : index
    %get3A_344 = arith.constant 4 : index
    %get3A_345 = memref.load %arg1[%get3A_342, %get3A_343, %get3A_344] : memref<1x16x5xf32, #tpu.memory_space<smem>>
    %get3A_346 = arith.constant 0 : index
    %get3A_347 = arith.constant 12 : index
    %get3A_348 = arith.constant 4 : index
    %get3A_349 = memref.load %arg1[%get3A_346, %get3A_347, %get3A_348] : memref<1x16x5xf32, #tpu.memory_space<smem>>
    %get3A_350 = arith.constant 0 : index
    %get3A_351 = arith.constant 13 : index
    %get3A_352 = arith.constant 4 : index
    %get3A_353 = memref.load %arg1[%get3A_350, %get3A_351, %get3A_352] : memref<1x16x5xf32, #tpu.memory_space<smem>>
    %get3A_354 = arith.constant 0 : index
    %get3A_355 = arith.constant 14 : index
    %get3A_356 = arith.constant 4 : index
    %get3A_357 = memref.load %arg1[%get3A_354, %get3A_355, %get3A_356] : memref<1x16x5xf32, #tpu.memory_space<smem>>
    %get3A_358 = arith.constant 0 : index
    %get3A_359 = arith.constant 15 : index
    %get3A_360 = arith.constant 4 : index
    %get3A_361 = memref.load %arg1[%get3A_358, %get3A_359, %get3A_360] : memref<1x16x5xf32, #tpu.memory_space<smem>>
    %broadcast_in_dim3A = arith.constant 0.000000e+00 : f32
    %broadcast_in_dim3A_362 = vector.broadcast %broadcast_in_dim3A : f32 to vector<72x128xf32>
    %broadcast_in_dim3A_363 = arith.constant 0 : i32
    %broadcast_in_dim3A_364 = vector.broadcast %broadcast_in_dim3A_363 : i32 to vector<72x128xi32>
    %min3A = vector.broadcast %get3A_173 : f32 to vector<72x128xf32>
    %min3A_365 = arith.minimumf %min3A, %add3A_34 : vector<72x128xf32>
    %max3A = vector.broadcast %get3A_45 : f32 to vector<72x128xf32>
    %max3A_366 = arith.maximumf %max3A, %sub3A : vector<72x128xf32>
    %sub3A_367 = arith.subf %min3A_365, %max3A_366 : vector<72x128xf32>
    %jit3A = arith.constant 0.000000e+00 : f32
    %max3A_368 = vector.broadcast %jit3A : f32 to vector<72x128xf32>
    %max3A_369 = arith.maximumf %max3A_368, %sub3A_367 : vector<72x128xf32>
    %min3A_370 = vector.broadcast %get3A_237 : f32 to vector<72x128xf32>
    %min3A_371 = arith.minimumf %min3A_370, %add3A_38 : vector<72x128xf32>
    %max3A_372 = vector.broadcast %get3A_109 : f32 to vector<72x128xf32>
    %max3A_373 = arith.maximumf %max3A_372, %sub3A_30 : vector<72x128xf32>
    %sub3A_374 = arith.subf %min3A_371, %max3A_373 : vector<72x128xf32>
    %jit3A_375 = arith.constant 0.000000e+00 : f32
    %max3A_376 = vector.broadcast %jit3A_375 : f32 to vector<72x128xf32>
    %max3A_377 = arith.maximumf %max3A_376, %sub3A_374 : vector<72x128xf32>
    %mul3A_378 = arith.mulf %max3A_369, %max3A_377 : vector<72x128xf32>
    %sub3A_379 = arith.subf %get3A_173, %get3A_45 : f32
    %sub3A_380 = arith.subf %get3A_237, %get3A_109 : f32
    %mul3A_381 = arith.mulf %sub3A_379, %sub3A_380 : f32
    %add3A_382 = vector.broadcast %mul3A_381 : f32 to vector<72x128xf32>
    %add3A_383 = arith.addf %add3A_382, %mul3A_41 : vector<72x128xf32>
    %sub3A_384 = arith.subf %add3A_383, %mul3A_378 : vector<72x128xf32>
    %div3A = arith.divf %mul3A_378, %sub3A_384 : vector<72x128xf32>
    %gt3A = arith.cmpf ogt, %div3A, %broadcast_in_dim3A_362 : vector<72x128xf32>
    %jit3A_385 = arith.constant 0 : i32
    %broadcast_in_dim3A_386 = vector.broadcast %jit3A_385 : i32 to vector<72x128xi32>
    %select_n3A = arith.select %gt3A, %broadcast_in_dim3A_386, %broadcast_in_dim3A_364 : vector<72x128xi1>, vector<72x128xi32>
    %select_n3A_387 = arith.select %gt3A, %div3A, %broadcast_in_dim3A_362 : vector<72x128xi1>, vector<72x128xf32>
    %min3A_388 = vector.broadcast %get3A_177 : f32 to vector<72x128xf32>
    %min3A_389 = arith.minimumf %min3A_388, %add3A_34 : vector<72x128xf32>
    %max3A_390 = vector.broadcast %get3A_49 : f32 to vector<72x128xf32>
    %max3A_391 = arith.maximumf %max3A_390, %sub3A : vector<72x128xf32>
    %sub3A_392 = arith.subf %min3A_389, %max3A_391 : vector<72x128xf32>
    %jit3A_393 = arith.constant 0.000000e+00 : f32
    %max3A_394 = vector.broadcast %jit3A_393 : f32 to vector<72x128xf32>
    %max3A_395 = arith.maximumf %max3A_394, %sub3A_392 : vector<72x128xf32>
    %min3A_396 = vector.broadcast %get3A_241 : f32 to vector<72x128xf32>
    %min3A_397 = arith.minimumf %min3A_396, %add3A_38 : vector<72x128xf32>
    %max3A_398 = vector.broadcast %get3A_113 : f32 to vector<72x128xf32>
    %max3A_399 = arith.maximumf %max3A_398, %sub3A_30 : vector<72x128xf32>
    %sub3A_400 = arith.subf %min3A_397, %max3A_399 : vector<72x128xf32>
    %jit3A_401 = arith.constant 0.000000e+00 : f32
    %max3A_402 = vector.broadcast %jit3A_401 : f32 to vector<72x128xf32>
    %max3A_403 = arith.maximumf %max3A_402, %sub3A_400 : vector<72x128xf32>
    %mul3A_404 = arith.mulf %max3A_395, %max3A_403 : vector<72x128xf32>
    %sub3A_405 = arith.subf %get3A_177, %get3A_49 : f32
    %sub3A_406 = arith.subf %get3A_241, %get3A_113 : f32
    %mul3A_407 = arith.mulf %sub3A_405, %sub3A_406 : f32
    %add3A_408 = vector.broadcast %mul3A_407 : f32 to vector<72x128xf32>
    %add3A_409 = arith.addf %add3A_408, %mul3A_41 : vector<72x128xf32>
    %sub3A_410 = arith.subf %add3A_409, %mul3A_404 : vector<72x128xf32>
    %div3A_411 = arith.divf %mul3A_404, %sub3A_410 : vector<72x128xf32>
    %gt3A_412 = arith.cmpf ogt, %div3A_411, %select_n3A_387 : vector<72x128xf32>
    %jit3A_413 = arith.constant 1 : i32
    %broadcast_in_dim3A_414 = vector.broadcast %jit3A_413 : i32 to vector<72x128xi32>
    %select_n3A_415 = arith.select %gt3A_412, %broadcast_in_dim3A_414, %select_n3A : vector<72x128xi1>, vector<72x128xi32>
    %select_n3A_416 = arith.select %gt3A_412, %div3A_411, %select_n3A_387 : vector<72x128xi1>, vector<72x128xf32>
    %min3A_417 = vector.broadcast %get3A_181 : f32 to vector<72x128xf32>
    %min3A_418 = arith.minimumf %min3A_417, %add3A_34 : vector<72x128xf32>
    %max3A_419 = vector.broadcast %get3A_53 : f32 to vector<72x128xf32>
    %max3A_420 = arith.maximumf %max3A_419, %sub3A : vector<72x128xf32>
    %sub3A_421 = arith.subf %min3A_418, %max3A_420 : vector<72x128xf32>
    %jit3A_422 = arith.constant 0.000000e+00 : f32
    %max3A_423 = vector.broadcast %jit3A_422 : f32 to vector<72x128xf32>
    %max3A_424 = arith.maximumf %max3A_423, %sub3A_421 : vector<72x128xf32>
    %min3A_425 = vector.broadcast %get3A_245 : f32 to vector<72x128xf32>
    %min3A_426 = arith.minimumf %min3A_425, %add3A_38 : vector<72x128xf32>
    %max3A_427 = vector.broadcast %get3A_117 : f32 to vector<72x128xf32>
    %max3A_428 = arith.maximumf %max3A_427, %sub3A_30 : vector<72x128xf32>
    %sub3A_429 = arith.subf %min3A_426, %max3A_428 : vector<72x128xf32>
    %jit3A_430 = arith.constant 0.000000e+00 : f32
    %max3A_431 = vector.broadcast %jit3A_430 : f32 to vector<72x128xf32>
    %max3A_432 = arith.maximumf %max3A_431, %sub3A_429 : vector<72x128xf32>
    %mul3A_433 = arith.mulf %max3A_424, %max3A_432 : vector<72x128xf32>
    %sub3A_434 = arith.subf %get3A_181, %get3A_53 : f32
    %sub3A_435 = arith.subf %get3A_245, %get3A_117 : f32
    %mul3A_436 = arith.mulf %sub3A_434, %sub3A_435 : f32
    %add3A_437 = vector.broadcast %mul3A_436 : f32 to vector<72x128xf32>
    %add3A_438 = arith.addf %add3A_437, %mul3A_41 : vector<72x128xf32>
    %sub3A_439 = arith.subf %add3A_438, %mul3A_433 : vector<72x128xf32>
    %div3A_440 = arith.divf %mul3A_433, %sub3A_439 : vector<72x128xf32>
    %gt3A_441 = arith.cmpf ogt, %div3A_440, %select_n3A_416 : vector<72x128xf32>
    %jit3A_442 = arith.constant 2 : i32
    %broadcast_in_dim3A_443 = vector.broadcast %jit3A_442 : i32 to vector<72x128xi32>
    %select_n3A_444 = arith.select %gt3A_441, %broadcast_in_dim3A_443, %select_n3A_415 : vector<72x128xi1>, vector<72x128xi32>
    %select_n3A_445 = arith.select %gt3A_441, %div3A_440, %select_n3A_416 : vector<72x128xi1>, vector<72x128xf32>
    %min3A_446 = vector.broadcast %get3A_185 : f32 to vector<72x128xf32>
    %min3A_447 = arith.minimumf %min3A_446, %add3A_34 : vector<72x128xf32>
    %max3A_448 = vector.broadcast %get3A_57 : f32 to vector<72x128xf32>
    %max3A_449 = arith.maximumf %max3A_448, %sub3A : vector<72x128xf32>
    %sub3A_450 = arith.subf %min3A_447, %max3A_449 : vector<72x128xf32>
    %jit3A_451 = arith.constant 0.000000e+00 : f32
    %max3A_452 = vector.broadcast %jit3A_451 : f32 to vector<72x128xf32>
    %max3A_453 = arith.maximumf %max3A_452, %sub3A_450 : vector<72x128xf32>
    %min3A_454 = vector.broadcast %get3A_249 : f32 to vector<72x128xf32>
    %min3A_455 = arith.minimumf %min3A_454, %add3A_38 : vector<72x128xf32>
    %max3A_456 = vector.broadcast %get3A_121 : f32 to vector<72x128xf32>
    %max3A_457 = arith.maximumf %max3A_456, %sub3A_30 : vector<72x128xf32>
    %sub3A_458 = arith.subf %min3A_455, %max3A_457 : vector<72x128xf32>
    %jit3A_459 = arith.constant 0.000000e+00 : f32
    %max3A_460 = vector.broadcast %jit3A_459 : f32 to vector<72x128xf32>
    %max3A_461 = arith.maximumf %max3A_460, %sub3A_458 : vector<72x128xf32>
    %mul3A_462 = arith.mulf %max3A_453, %max3A_461 : vector<72x128xf32>
    %sub3A_463 = arith.subf %get3A_185, %get3A_57 : f32
    %sub3A_464 = arith.subf %get3A_249, %get3A_121 : f32
    %mul3A_465 = arith.mulf %sub3A_463, %sub3A_464 : f32
    %add3A_466 = vector.broadcast %mul3A_465 : f32 to vector<72x128xf32>
    %add3A_467 = arith.addf %add3A_466, %mul3A_41 : vector<72x128xf32>
    %sub3A_468 = arith.subf %add3A_467, %mul3A_462 : vector<72x128xf32>
    %div3A_469 = arith.divf %mul3A_462, %sub3A_468 : vector<72x128xf32>
    %gt3A_470 = arith.cmpf ogt, %div3A_469, %select_n3A_445 : vector<72x128xf32>
    %jit3A_471 = arith.constant 3 : i32
    %broadcast_in_dim3A_472 = vector.broadcast %jit3A_471 : i32 to vector<72x128xi32>
    %select_n3A_473 = arith.select %gt3A_470, %broadcast_in_dim3A_472, %select_n3A_444 : vector<72x128xi1>, vector<72x128xi32>
    %select_n3A_474 = arith.select %gt3A_470, %div3A_469, %select_n3A_445 : vector<72x128xi1>, vector<72x128xf32>
    %min3A_475 = vector.broadcast %get3A_189 : f32 to vector<72x128xf32>
    %min3A_476 = arith.minimumf %min3A_475, %add3A_34 : vector<72x128xf32>
    %max3A_477 = vector.broadcast %get3A_61 : f32 to vector<72x128xf32>
    %max3A_478 = arith.maximumf %max3A_477, %sub3A : vector<72x128xf32>
    %sub3A_479 = arith.subf %min3A_476, %max3A_478 : vector<72x128xf32>
    %jit3A_480 = arith.constant 0.000000e+00 : f32
    %max3A_481 = vector.broadcast %jit3A_480 : f32 to vector<72x128xf32>
    %max3A_482 = arith.maximumf %max3A_481, %sub3A_479 : vector<72x128xf32>
    %min3A_483 = vector.broadcast %get3A_253 : f32 to vector<72x128xf32>
    %min3A_484 = arith.minimumf %min3A_483, %add3A_38 : vector<72x128xf32>
    %max3A_485 = vector.broadcast %get3A_125 : f32 to vector<72x128xf32>
    %max3A_486 = arith.maximumf %max3A_485, %sub3A_30 : vector<72x128xf32>
    %sub3A_487 = arith.subf %min3A_484, %max3A_486 : vector<72x128xf32>
    %jit3A_488 = arith.constant 0.000000e+00 : f32
    %max3A_489 = vector.broadcast %jit3A_488 : f32 to vector<72x128xf32>
    %max3A_490 = arith.maximumf %max3A_489, %sub3A_487 : vector<72x128xf32>
    %mul3A_491 = arith.mulf %max3A_482, %max3A_490 : vector<72x128xf32>
    %sub3A_492 = arith.subf %get3A_189, %get3A_61 : f32
    %sub3A_493 = arith.subf %get3A_253, %get3A_125 : f32
    %mul3A_494 = arith.mulf %sub3A_492, %sub3A_493 : f32
    %add3A_495 = vector.broadcast %mul3A_494 : f32 to vector<72x128xf32>
    %add3A_496 = arith.addf %add3A_495, %mul3A_41 : vector<72x128xf32>
    %sub3A_497 = arith.subf %add3A_496, %mul3A_491 : vector<72x128xf32>
    %div3A_498 = arith.divf %mul3A_491, %sub3A_497 : vector<72x128xf32>
    %gt3A_499 = arith.cmpf ogt, %div3A_498, %select_n3A_474 : vector<72x128xf32>
    %jit3A_500 = arith.constant 4 : i32
    %broadcast_in_dim3A_501 = vector.broadcast %jit3A_500 : i32 to vector<72x128xi32>
    %select_n3A_502 = arith.select %gt3A_499, %broadcast_in_dim3A_501, %select_n3A_473 : vector<72x128xi1>, vector<72x128xi32>
    %select_n3A_503 = arith.select %gt3A_499, %div3A_498, %select_n3A_474 : vector<72x128xi1>, vector<72x128xf32>
    %min3A_504 = vector.broadcast %get3A_193 : f32 to vector<72x128xf32>
    %min3A_505 = arith.minimumf %min3A_504, %add3A_34 : vector<72x128xf32>
    %max3A_506 = vector.broadcast %get3A_65 : f32 to vector<72x128xf32>
    %max3A_507 = arith.maximumf %max3A_506, %sub3A : vector<72x128xf32>
    %sub3A_508 = arith.subf %min3A_505, %max3A_507 : vector<72x128xf32>
    %jit3A_509 = arith.constant 0.000000e+00 : f32
    %max3A_510 = vector.broadcast %jit3A_509 : f32 to vector<72x128xf32>
    %max3A_511 = arith.maximumf %max3A_510, %sub3A_508 : vector<72x128xf32>
    %min3A_512 = vector.broadcast %get3A_257 : f32 to vector<72x128xf32>
    %min3A_513 = arith.minimumf %min3A_512, %add3A_38 : vector<72x128xf32>
    %max3A_514 = vector.broadcast %get3A_129 : f32 to vector<72x128xf32>
    %max3A_515 = arith.maximumf %max3A_514, %sub3A_30 : vector<72x128xf32>
    %sub3A_516 = arith.subf %min3A_513, %max3A_515 : vector<72x128xf32>
    %jit3A_517 = arith.constant 0.000000e+00 : f32
    %max3A_518 = vector.broadcast %jit3A_517 : f32 to vector<72x128xf32>
    %max3A_519 = arith.maximumf %max3A_518, %sub3A_516 : vector<72x128xf32>
    %mul3A_520 = arith.mulf %max3A_511, %max3A_519 : vector<72x128xf32>
    %sub3A_521 = arith.subf %get3A_193, %get3A_65 : f32
    %sub3A_522 = arith.subf %get3A_257, %get3A_129 : f32
    %mul3A_523 = arith.mulf %sub3A_521, %sub3A_522 : f32
    %add3A_524 = vector.broadcast %mul3A_523 : f32 to vector<72x128xf32>
    %add3A_525 = arith.addf %add3A_524, %mul3A_41 : vector<72x128xf32>
    %sub3A_526 = arith.subf %add3A_525, %mul3A_520 : vector<72x128xf32>
    %div3A_527 = arith.divf %mul3A_520, %sub3A_526 : vector<72x128xf32>
    %gt3A_528 = arith.cmpf ogt, %div3A_527, %select_n3A_503 : vector<72x128xf32>
    %jit3A_529 = arith.constant 5 : i32
    %broadcast_in_dim3A_530 = vector.broadcast %jit3A_529 : i32 to vector<72x128xi32>
    %select_n3A_531 = arith.select %gt3A_528, %broadcast_in_dim3A_530, %select_n3A_502 : vector<72x128xi1>, vector<72x128xi32>
    %select_n3A_532 = arith.select %gt3A_528, %div3A_527, %select_n3A_503 : vector<72x128xi1>, vector<72x128xf32>
    %min3A_533 = vector.broadcast %get3A_197 : f32 to vector<72x128xf32>
    %min3A_534 = arith.minimumf %min3A_533, %add3A_34 : vector<72x128xf32>
    %max3A_535 = vector.broadcast %get3A_69 : f32 to vector<72x128xf32>
    %max3A_536 = arith.maximumf %max3A_535, %sub3A : vector<72x128xf32>
    %sub3A_537 = arith.subf %min3A_534, %max3A_536 : vector<72x128xf32>
    %jit3A_538 = arith.constant 0.000000e+00 : f32
    %max3A_539 = vector.broadcast %jit3A_538 : f32 to vector<72x128xf32>
    %max3A_540 = arith.maximumf %max3A_539, %sub3A_537 : vector<72x128xf32>
    %min3A_541 = vector.broadcast %get3A_261 : f32 to vector<72x128xf32>
    %min3A_542 = arith.minimumf %min3A_541, %add3A_38 : vector<72x128xf32>
    %max3A_543 = vector.broadcast %get3A_133 : f32 to vector<72x128xf32>
    %max3A_544 = arith.maximumf %max3A_543, %sub3A_30 : vector<72x128xf32>
    %sub3A_545 = arith.subf %min3A_542, %max3A_544 : vector<72x128xf32>
    %jit3A_546 = arith.constant 0.000000e+00 : f32
    %max3A_547 = vector.broadcast %jit3A_546 : f32 to vector<72x128xf32>
    %max3A_548 = arith.maximumf %max3A_547, %sub3A_545 : vector<72x128xf32>
    %mul3A_549 = arith.mulf %max3A_540, %max3A_548 : vector<72x128xf32>
    %sub3A_550 = arith.subf %get3A_197, %get3A_69 : f32
    %sub3A_551 = arith.subf %get3A_261, %get3A_133 : f32
    %mul3A_552 = arith.mulf %sub3A_550, %sub3A_551 : f32
    %add3A_553 = vector.broadcast %mul3A_552 : f32 to vector<72x128xf32>
    %add3A_554 = arith.addf %add3A_553, %mul3A_41 : vector<72x128xf32>
    %sub3A_555 = arith.subf %add3A_554, %mul3A_549 : vector<72x128xf32>
    %div3A_556 = arith.divf %mul3A_549, %sub3A_555 : vector<72x128xf32>
    %gt3A_557 = arith.cmpf ogt, %div3A_556, %select_n3A_532 : vector<72x128xf32>
    %jit3A_558 = arith.constant 6 : i32
    %broadcast_in_dim3A_559 = vector.broadcast %jit3A_558 : i32 to vector<72x128xi32>
    %select_n3A_560 = arith.select %gt3A_557, %broadcast_in_dim3A_559, %select_n3A_531 : vector<72x128xi1>, vector<72x128xi32>
    %select_n3A_561 = arith.select %gt3A_557, %div3A_556, %select_n3A_532 : vector<72x128xi1>, vector<72x128xf32>
    %min3A_562 = vector.broadcast %get3A_201 : f32 to vector<72x128xf32>
    %min3A_563 = arith.minimumf %min3A_562, %add3A_34 : vector<72x128xf32>
    %max3A_564 = vector.broadcast %get3A_73 : f32 to vector<72x128xf32>
    %max3A_565 = arith.maximumf %max3A_564, %sub3A : vector<72x128xf32>
    %sub3A_566 = arith.subf %min3A_563, %max3A_565 : vector<72x128xf32>
    %jit3A_567 = arith.constant 0.000000e+00 : f32
    %max3A_568 = vector.broadcast %jit3A_567 : f32 to vector<72x128xf32>
    %max3A_569 = arith.maximumf %max3A_568, %sub3A_566 : vector<72x128xf32>
    %min3A_570 = vector.broadcast %get3A_265 : f32 to vector<72x128xf32>
    %min3A_571 = arith.minimumf %min3A_570, %add3A_38 : vector<72x128xf32>
    %max3A_572 = vector.broadcast %get3A_137 : f32 to vector<72x128xf32>
    %max3A_573 = arith.maximumf %max3A_572, %sub3A_30 : vector<72x128xf32>
    %sub3A_574 = arith.subf %min3A_571, %max3A_573 : vector<72x128xf32>
    %jit3A_575 = arith.constant 0.000000e+00 : f32
    %max3A_576 = vector.broadcast %jit3A_575 : f32 to vector<72x128xf32>
    %max3A_577 = arith.maximumf %max3A_576, %sub3A_574 : vector<72x128xf32>
    %mul3A_578 = arith.mulf %max3A_569, %max3A_577 : vector<72x128xf32>
    %sub3A_579 = arith.subf %get3A_201, %get3A_73 : f32
    %sub3A_580 = arith.subf %get3A_265, %get3A_137 : f32
    %mul3A_581 = arith.mulf %sub3A_579, %sub3A_580 : f32
    %add3A_582 = vector.broadcast %mul3A_581 : f32 to vector<72x128xf32>
    %add3A_583 = arith.addf %add3A_582, %mul3A_41 : vector<72x128xf32>
    %sub3A_584 = arith.subf %add3A_583, %mul3A_578 : vector<72x128xf32>
    %div3A_585 = arith.divf %mul3A_578, %sub3A_584 : vector<72x128xf32>
    %gt3A_586 = arith.cmpf ogt, %div3A_585, %select_n3A_561 : vector<72x128xf32>
    %jit3A_587 = arith.constant 7 : i32
    %broadcast_in_dim3A_588 = vector.broadcast %jit3A_587 : i32 to vector<72x128xi32>
    %select_n3A_589 = arith.select %gt3A_586, %broadcast_in_dim3A_588, %select_n3A_560 : vector<72x128xi1>, vector<72x128xi32>
    %select_n3A_590 = arith.select %gt3A_586, %div3A_585, %select_n3A_561 : vector<72x128xi1>, vector<72x128xf32>
    %min3A_591 = vector.broadcast %get3A_205 : f32 to vector<72x128xf32>
    %min3A_592 = arith.minimumf %min3A_591, %add3A_34 : vector<72x128xf32>
    %max3A_593 = vector.broadcast %get3A_77 : f32 to vector<72x128xf32>
    %max3A_594 = arith.maximumf %max3A_593, %sub3A : vector<72x128xf32>
    %sub3A_595 = arith.subf %min3A_592, %max3A_594 : vector<72x128xf32>
    %jit3A_596 = arith.constant 0.000000e+00 : f32
    %max3A_597 = vector.broadcast %jit3A_596 : f32 to vector<72x128xf32>
    %max3A_598 = arith.maximumf %max3A_597, %sub3A_595 : vector<72x128xf32>
    %min3A_599 = vector.broadcast %get3A_269 : f32 to vector<72x128xf32>
    %min3A_600 = arith.minimumf %min3A_599, %add3A_38 : vector<72x128xf32>
    %max3A_601 = vector.broadcast %get3A_141 : f32 to vector<72x128xf32>
    %max3A_602 = arith.maximumf %max3A_601, %sub3A_30 : vector<72x128xf32>
    %sub3A_603 = arith.subf %min3A_600, %max3A_602 : vector<72x128xf32>
    %jit3A_604 = arith.constant 0.000000e+00 : f32
    %max3A_605 = vector.broadcast %jit3A_604 : f32 to vector<72x128xf32>
    %max3A_606 = arith.maximumf %max3A_605, %sub3A_603 : vector<72x128xf32>
    %mul3A_607 = arith.mulf %max3A_598, %max3A_606 : vector<72x128xf32>
    %sub3A_608 = arith.subf %get3A_205, %get3A_77 : f32
    %sub3A_609 = arith.subf %get3A_269, %get3A_141 : f32
    %mul3A_610 = arith.mulf %sub3A_608, %sub3A_609 : f32
    %add3A_611 = vector.broadcast %mul3A_610 : f32 to vector<72x128xf32>
    %add3A_612 = arith.addf %add3A_611, %mul3A_41 : vector<72x128xf32>
    %sub3A_613 = arith.subf %add3A_612, %mul3A_607 : vector<72x128xf32>
    %div3A_614 = arith.divf %mul3A_607, %sub3A_613 : vector<72x128xf32>
    %gt3A_615 = arith.cmpf ogt, %div3A_614, %select_n3A_590 : vector<72x128xf32>
    %jit3A_616 = arith.constant 8 : i32
    %broadcast_in_dim3A_617 = vector.broadcast %jit3A_616 : i32 to vector<72x128xi32>
    %select_n3A_618 = arith.select %gt3A_615, %broadcast_in_dim3A_617, %select_n3A_589 : vector<72x128xi1>, vector<72x128xi32>
    %select_n3A_619 = arith.select %gt3A_615, %div3A_614, %select_n3A_590 : vector<72x128xi1>, vector<72x128xf32>
    %min3A_620 = vector.broadcast %get3A_209 : f32 to vector<72x128xf32>
    %min3A_621 = arith.minimumf %min3A_620, %add3A_34 : vector<72x128xf32>
    %max3A_622 = vector.broadcast %get3A_81 : f32 to vector<72x128xf32>
    %max3A_623 = arith.maximumf %max3A_622, %sub3A : vector<72x128xf32>
    %sub3A_624 = arith.subf %min3A_621, %max3A_623 : vector<72x128xf32>
    %jit3A_625 = arith.constant 0.000000e+00 : f32
    %max3A_626 = vector.broadcast %jit3A_625 : f32 to vector<72x128xf32>
    %max3A_627 = arith.maximumf %max3A_626, %sub3A_624 : vector<72x128xf32>
    %min3A_628 = vector.broadcast %get3A_273 : f32 to vector<72x128xf32>
    %min3A_629 = arith.minimumf %min3A_628, %add3A_38 : vector<72x128xf32>
    %max3A_630 = vector.broadcast %get3A_145 : f32 to vector<72x128xf32>
    %max3A_631 = arith.maximumf %max3A_630, %sub3A_30 : vector<72x128xf32>
    %sub3A_632 = arith.subf %min3A_629, %max3A_631 : vector<72x128xf32>
    %jit3A_633 = arith.constant 0.000000e+00 : f32
    %max3A_634 = vector.broadcast %jit3A_633 : f32 to vector<72x128xf32>
    %max3A_635 = arith.maximumf %max3A_634, %sub3A_632 : vector<72x128xf32>
    %mul3A_636 = arith.mulf %max3A_627, %max3A_635 : vector<72x128xf32>
    %sub3A_637 = arith.subf %get3A_209, %get3A_81 : f32
    %sub3A_638 = arith.subf %get3A_273, %get3A_145 : f32
    %mul3A_639 = arith.mulf %sub3A_637, %sub3A_638 : f32
    %add3A_640 = vector.broadcast %mul3A_639 : f32 to vector<72x128xf32>
    %add3A_641 = arith.addf %add3A_640, %mul3A_41 : vector<72x128xf32>
    %sub3A_642 = arith.subf %add3A_641, %mul3A_636 : vector<72x128xf32>
    %div3A_643 = arith.divf %mul3A_636, %sub3A_642 : vector<72x128xf32>
    %gt3A_644 = arith.cmpf ogt, %div3A_643, %select_n3A_619 : vector<72x128xf32>
    %jit3A_645 = arith.constant 9 : i32
    %broadcast_in_dim3A_646 = vector.broadcast %jit3A_645 : i32 to vector<72x128xi32>
    %select_n3A_647 = arith.select %gt3A_644, %broadcast_in_dim3A_646, %select_n3A_618 : vector<72x128xi1>, vector<72x128xi32>
    %select_n3A_648 = arith.select %gt3A_644, %div3A_643, %select_n3A_619 : vector<72x128xi1>, vector<72x128xf32>
    %min3A_649 = vector.broadcast %get3A_213 : f32 to vector<72x128xf32>
    %min3A_650 = arith.minimumf %min3A_649, %add3A_34 : vector<72x128xf32>
    %max3A_651 = vector.broadcast %get3A_85 : f32 to vector<72x128xf32>
    %max3A_652 = arith.maximumf %max3A_651, %sub3A : vector<72x128xf32>
    %sub3A_653 = arith.subf %min3A_650, %max3A_652 : vector<72x128xf32>
    %jit3A_654 = arith.constant 0.000000e+00 : f32
    %max3A_655 = vector.broadcast %jit3A_654 : f32 to vector<72x128xf32>
    %max3A_656 = arith.maximumf %max3A_655, %sub3A_653 : vector<72x128xf32>
    %min3A_657 = vector.broadcast %get3A_277 : f32 to vector<72x128xf32>
    %min3A_658 = arith.minimumf %min3A_657, %add3A_38 : vector<72x128xf32>
    %max3A_659 = vector.broadcast %get3A_149 : f32 to vector<72x128xf32>
    %max3A_660 = arith.maximumf %max3A_659, %sub3A_30 : vector<72x128xf32>
    %sub3A_661 = arith.subf %min3A_658, %max3A_660 : vector<72x128xf32>
    %jit3A_662 = arith.constant 0.000000e+00 : f32
    %max3A_663 = vector.broadcast %jit3A_662 : f32 to vector<72x128xf32>
    %max3A_664 = arith.maximumf %max3A_663, %sub3A_661 : vector<72x128xf32>
    %mul3A_665 = arith.mulf %max3A_656, %max3A_664 : vector<72x128xf32>
    %sub3A_666 = arith.subf %get3A_213, %get3A_85 : f32
    %sub3A_667 = arith.subf %get3A_277, %get3A_149 : f32
    %mul3A_668 = arith.mulf %sub3A_666, %sub3A_667 : f32
    %add3A_669 = vector.broadcast %mul3A_668 : f32 to vector<72x128xf32>
    %add3A_670 = arith.addf %add3A_669, %mul3A_41 : vector<72x128xf32>
    %sub3A_671 = arith.subf %add3A_670, %mul3A_665 : vector<72x128xf32>
    %div3A_672 = arith.divf %mul3A_665, %sub3A_671 : vector<72x128xf32>
    %gt3A_673 = arith.cmpf ogt, %div3A_672, %select_n3A_648 : vector<72x128xf32>
    %jit3A_674 = arith.constant 10 : i32
    %broadcast_in_dim3A_675 = vector.broadcast %jit3A_674 : i32 to vector<72x128xi32>
    %select_n3A_676 = arith.select %gt3A_673, %broadcast_in_dim3A_675, %select_n3A_647 : vector<72x128xi1>, vector<72x128xi32>
    %select_n3A_677 = arith.select %gt3A_673, %div3A_672, %select_n3A_648 : vector<72x128xi1>, vector<72x128xf32>
    %min3A_678 = vector.broadcast %get3A_217 : f32 to vector<72x128xf32>
    %min3A_679 = arith.minimumf %min3A_678, %add3A_34 : vector<72x128xf32>
    %max3A_680 = vector.broadcast %get3A_89 : f32 to vector<72x128xf32>
    %max3A_681 = arith.maximumf %max3A_680, %sub3A : vector<72x128xf32>
    %sub3A_682 = arith.subf %min3A_679, %max3A_681 : vector<72x128xf32>
    %jit3A_683 = arith.constant 0.000000e+00 : f32
    %max3A_684 = vector.broadcast %jit3A_683 : f32 to vector<72x128xf32>
    %max3A_685 = arith.maximumf %max3A_684, %sub3A_682 : vector<72x128xf32>
    %min3A_686 = vector.broadcast %get3A_281 : f32 to vector<72x128xf32>
    %min3A_687 = arith.minimumf %min3A_686, %add3A_38 : vector<72x128xf32>
    %max3A_688 = vector.broadcast %get3A_153 : f32 to vector<72x128xf32>
    %max3A_689 = arith.maximumf %max3A_688, %sub3A_30 : vector<72x128xf32>
    %sub3A_690 = arith.subf %min3A_687, %max3A_689 : vector<72x128xf32>
    %jit3A_691 = arith.constant 0.000000e+00 : f32
    %max3A_692 = vector.broadcast %jit3A_691 : f32 to vector<72x128xf32>
    %max3A_693 = arith.maximumf %max3A_692, %sub3A_690 : vector<72x128xf32>
    %mul3A_694 = arith.mulf %max3A_685, %max3A_693 : vector<72x128xf32>
    %sub3A_695 = arith.subf %get3A_217, %get3A_89 : f32
    %sub3A_696 = arith.subf %get3A_281, %get3A_153 : f32
    %mul3A_697 = arith.mulf %sub3A_695, %sub3A_696 : f32
    %add3A_698 = vector.broadcast %mul3A_697 : f32 to vector<72x128xf32>
    %add3A_699 = arith.addf %add3A_698, %mul3A_41 : vector<72x128xf32>
    %sub3A_700 = arith.subf %add3A_699, %mul3A_694 : vector<72x128xf32>
    %div3A_701 = arith.divf %mul3A_694, %sub3A_700 : vector<72x128xf32>
    %gt3A_702 = arith.cmpf ogt, %div3A_701, %select_n3A_677 : vector<72x128xf32>
    %jit3A_703 = arith.constant 11 : i32
    %broadcast_in_dim3A_704 = vector.broadcast %jit3A_703 : i32 to vector<72x128xi32>
    %select_n3A_705 = arith.select %gt3A_702, %broadcast_in_dim3A_704, %select_n3A_676 : vector<72x128xi1>, vector<72x128xi32>
    %select_n3A_706 = arith.select %gt3A_702, %div3A_701, %select_n3A_677 : vector<72x128xi1>, vector<72x128xf32>
    %min3A_707 = vector.broadcast %get3A_221 : f32 to vector<72x128xf32>
    %min3A_708 = arith.minimumf %min3A_707, %add3A_34 : vector<72x128xf32>
    %max3A_709 = vector.broadcast %get3A_93 : f32 to vector<72x128xf32>
    %max3A_710 = arith.maximumf %max3A_709, %sub3A : vector<72x128xf32>
    %sub3A_711 = arith.subf %min3A_708, %max3A_710 : vector<72x128xf32>
    %jit3A_712 = arith.constant 0.000000e+00 : f32
    %max3A_713 = vector.broadcast %jit3A_712 : f32 to vector<72x128xf32>
    %max3A_714 = arith.maximumf %max3A_713, %sub3A_711 : vector<72x128xf32>
    %min3A_715 = vector.broadcast %get3A_285 : f32 to vector<72x128xf32>
    %min3A_716 = arith.minimumf %min3A_715, %add3A_38 : vector<72x128xf32>
    %max3A_717 = vector.broadcast %get3A_157 : f32 to vector<72x128xf32>
    %max3A_718 = arith.maximumf %max3A_717, %sub3A_30 : vector<72x128xf32>
    %sub3A_719 = arith.subf %min3A_716, %max3A_718 : vector<72x128xf32>
    %jit3A_720 = arith.constant 0.000000e+00 : f32
    %max3A_721 = vector.broadcast %jit3A_720 : f32 to vector<72x128xf32>
    %max3A_722 = arith.maximumf %max3A_721, %sub3A_719 : vector<72x128xf32>
    %mul3A_723 = arith.mulf %max3A_714, %max3A_722 : vector<72x128xf32>
    %sub3A_724 = arith.subf %get3A_221, %get3A_93 : f32
    %sub3A_725 = arith.subf %get3A_285, %get3A_157 : f32
    %mul3A_726 = arith.mulf %sub3A_724, %sub3A_725 : f32
    %add3A_727 = vector.broadcast %mul3A_726 : f32 to vector<72x128xf32>
    %add3A_728 = arith.addf %add3A_727, %mul3A_41 : vector<72x128xf32>
    %sub3A_729 = arith.subf %add3A_728, %mul3A_723 : vector<72x128xf32>
    %div3A_730 = arith.divf %mul3A_723, %sub3A_729 : vector<72x128xf32>
    %gt3A_731 = arith.cmpf ogt, %div3A_730, %select_n3A_706 : vector<72x128xf32>
    %jit3A_732 = arith.constant 12 : i32
    %broadcast_in_dim3A_733 = vector.broadcast %jit3A_732 : i32 to vector<72x128xi32>
    %select_n3A_734 = arith.select %gt3A_731, %broadcast_in_dim3A_733, %select_n3A_705 : vector<72x128xi1>, vector<72x128xi32>
    %select_n3A_735 = arith.select %gt3A_731, %div3A_730, %select_n3A_706 : vector<72x128xi1>, vector<72x128xf32>
    %min3A_736 = vector.broadcast %get3A_225 : f32 to vector<72x128xf32>
    %min3A_737 = arith.minimumf %min3A_736, %add3A_34 : vector<72x128xf32>
    %max3A_738 = vector.broadcast %get3A_97 : f32 to vector<72x128xf32>
    %max3A_739 = arith.maximumf %max3A_738, %sub3A : vector<72x128xf32>
    %sub3A_740 = arith.subf %min3A_737, %max3A_739 : vector<72x128xf32>
    %jit3A_741 = arith.constant 0.000000e+00 : f32
    %max3A_742 = vector.broadcast %jit3A_741 : f32 to vector<72x128xf32>
    %max3A_743 = arith.maximumf %max3A_742, %sub3A_740 : vector<72x128xf32>
    %min3A_744 = vector.broadcast %get3A_289 : f32 to vector<72x128xf32>
    %min3A_745 = arith.minimumf %min3A_744, %add3A_38 : vector<72x128xf32>
    %max3A_746 = vector.broadcast %get3A_161 : f32 to vector<72x128xf32>
    %max3A_747 = arith.maximumf %max3A_746, %sub3A_30 : vector<72x128xf32>
    %sub3A_748 = arith.subf %min3A_745, %max3A_747 : vector<72x128xf32>
    %jit3A_749 = arith.constant 0.000000e+00 : f32
    %max3A_750 = vector.broadcast %jit3A_749 : f32 to vector<72x128xf32>
    %max3A_751 = arith.maximumf %max3A_750, %sub3A_748 : vector<72x128xf32>
    %mul3A_752 = arith.mulf %max3A_743, %max3A_751 : vector<72x128xf32>
    %sub3A_753 = arith.subf %get3A_225, %get3A_97 : f32
    %sub3A_754 = arith.subf %get3A_289, %get3A_161 : f32
    %mul3A_755 = arith.mulf %sub3A_753, %sub3A_754 : f32
    %add3A_756 = vector.broadcast %mul3A_755 : f32 to vector<72x128xf32>
    %add3A_757 = arith.addf %add3A_756, %mul3A_41 : vector<72x128xf32>
    %sub3A_758 = arith.subf %add3A_757, %mul3A_752 : vector<72x128xf32>
    %div3A_759 = arith.divf %mul3A_752, %sub3A_758 : vector<72x128xf32>
    %gt3A_760 = arith.cmpf ogt, %div3A_759, %select_n3A_735 : vector<72x128xf32>
    %jit3A_761 = arith.constant 13 : i32
    %broadcast_in_dim3A_762 = vector.broadcast %jit3A_761 : i32 to vector<72x128xi32>
    %select_n3A_763 = arith.select %gt3A_760, %broadcast_in_dim3A_762, %select_n3A_734 : vector<72x128xi1>, vector<72x128xi32>
    %select_n3A_764 = arith.select %gt3A_760, %div3A_759, %select_n3A_735 : vector<72x128xi1>, vector<72x128xf32>
    %min3A_765 = vector.broadcast %get3A_229 : f32 to vector<72x128xf32>
    %min3A_766 = arith.minimumf %min3A_765, %add3A_34 : vector<72x128xf32>
    %max3A_767 = vector.broadcast %get3A_101 : f32 to vector<72x128xf32>
    %max3A_768 = arith.maximumf %max3A_767, %sub3A : vector<72x128xf32>
    %sub3A_769 = arith.subf %min3A_766, %max3A_768 : vector<72x128xf32>
    %jit3A_770 = arith.constant 0.000000e+00 : f32
    %max3A_771 = vector.broadcast %jit3A_770 : f32 to vector<72x128xf32>
    %max3A_772 = arith.maximumf %max3A_771, %sub3A_769 : vector<72x128xf32>
    %min3A_773 = vector.broadcast %get3A_293 : f32 to vector<72x128xf32>
    %min3A_774 = arith.minimumf %min3A_773, %add3A_38 : vector<72x128xf32>
    %max3A_775 = vector.broadcast %get3A_165 : f32 to vector<72x128xf32>
    %max3A_776 = arith.maximumf %max3A_775, %sub3A_30 : vector<72x128xf32>
    %sub3A_777 = arith.subf %min3A_774, %max3A_776 : vector<72x128xf32>
    %jit3A_778 = arith.constant 0.000000e+00 : f32
    %max3A_779 = vector.broadcast %jit3A_778 : f32 to vector<72x128xf32>
    %max3A_780 = arith.maximumf %max3A_779, %sub3A_777 : vector<72x128xf32>
    %mul3A_781 = arith.mulf %max3A_772, %max3A_780 : vector<72x128xf32>
    %sub3A_782 = arith.subf %get3A_229, %get3A_101 : f32
    %sub3A_783 = arith.subf %get3A_293, %get3A_165 : f32
    %mul3A_784 = arith.mulf %sub3A_782, %sub3A_783 : f32
    %add3A_785 = vector.broadcast %mul3A_784 : f32 to vector<72x128xf32>
    %add3A_786 = arith.addf %add3A_785, %mul3A_41 : vector<72x128xf32>
    %sub3A_787 = arith.subf %add3A_786, %mul3A_781 : vector<72x128xf32>
    %div3A_788 = arith.divf %mul3A_781, %sub3A_787 : vector<72x128xf32>
    %gt3A_789 = arith.cmpf ogt, %div3A_788, %select_n3A_764 : vector<72x128xf32>
    %jit3A_790 = arith.constant 14 : i32
    %broadcast_in_dim3A_791 = vector.broadcast %jit3A_790 : i32 to vector<72x128xi32>
    %select_n3A_792 = arith.select %gt3A_789, %broadcast_in_dim3A_791, %select_n3A_763 : vector<72x128xi1>, vector<72x128xi32>
    %select_n3A_793 = arith.select %gt3A_789, %div3A_788, %select_n3A_764 : vector<72x128xi1>, vector<72x128xf32>
    %min3A_794 = vector.broadcast %get3A_233 : f32 to vector<72x128xf32>
    %min3A_795 = arith.minimumf %min3A_794, %add3A_34 : vector<72x128xf32>
    %max3A_796 = vector.broadcast %get3A_105 : f32 to vector<72x128xf32>
    %max3A_797 = arith.maximumf %max3A_796, %sub3A : vector<72x128xf32>
    %sub3A_798 = arith.subf %min3A_795, %max3A_797 : vector<72x128xf32>
    %jit3A_799 = arith.constant 0.000000e+00 : f32
    %max3A_800 = vector.broadcast %jit3A_799 : f32 to vector<72x128xf32>
    %max3A_801 = arith.maximumf %max3A_800, %sub3A_798 : vector<72x128xf32>
    %min3A_802 = vector.broadcast %get3A_297 : f32 to vector<72x128xf32>
    %min3A_803 = arith.minimumf %min3A_802, %add3A_38 : vector<72x128xf32>
    %max3A_804 = vector.broadcast %get3A_169 : f32 to vector<72x128xf32>
    %max3A_805 = arith.maximumf %max3A_804, %sub3A_30 : vector<72x128xf32>
    %sub3A_806 = arith.subf %min3A_803, %max3A_805 : vector<72x128xf32>
    %jit3A_807 = arith.constant 0.000000e+00 : f32
    %max3A_808 = vector.broadcast %jit3A_807 : f32 to vector<72x128xf32>
    %max3A_809 = arith.maximumf %max3A_808, %sub3A_806 : vector<72x128xf32>
    %mul3A_810 = arith.mulf %max3A_801, %max3A_809 : vector<72x128xf32>
    %sub3A_811 = arith.subf %get3A_233, %get3A_105 : f32
    %sub3A_812 = arith.subf %get3A_297, %get3A_169 : f32
    %mul3A_813 = arith.mulf %sub3A_811, %sub3A_812 : f32
    %add3A_814 = vector.broadcast %mul3A_813 : f32 to vector<72x128xf32>
    %add3A_815 = arith.addf %add3A_814, %mul3A_41 : vector<72x128xf32>
    %sub3A_816 = arith.subf %add3A_815, %mul3A_810 : vector<72x128xf32>
    %div3A_817 = arith.divf %mul3A_810, %sub3A_816 : vector<72x128xf32>
    %gt3A_818 = arith.cmpf ogt, %div3A_817, %select_n3A_793 : vector<72x128xf32>
    %jit3A_819 = arith.constant 15 : i32
    %broadcast_in_dim3A_820 = vector.broadcast %jit3A_819 : i32 to vector<72x128xi32>
    %select_n3A_821 = arith.select %gt3A_818, %broadcast_in_dim3A_820, %select_n3A_792 : vector<72x128xi1>, vector<72x128xi32>
    %select_n3A_822 = arith.select %gt3A_818, %div3A_817, %select_n3A_793 : vector<72x128xi1>, vector<72x128xf32>
    %stack3A = vector.shape_cast %div3A : vector<72x128xf32> to vector<1x72x128xf32>
    %stack3A_823 = vector.shape_cast %div3A_411 : vector<72x128xf32> to vector<1x72x128xf32>
    %stack3A_824 = vector.shape_cast %div3A_440 : vector<72x128xf32> to vector<1x72x128xf32>
    %stack3A_825 = vector.shape_cast %div3A_469 : vector<72x128xf32> to vector<1x72x128xf32>
    %stack3A_826 = vector.shape_cast %div3A_498 : vector<72x128xf32> to vector<1x72x128xf32>
    %stack3A_827 = vector.shape_cast %div3A_527 : vector<72x128xf32> to vector<1x72x128xf32>
    %stack3A_828 = vector.shape_cast %div3A_556 : vector<72x128xf32> to vector<1x72x128xf32>
    %stack3A_829 = vector.shape_cast %div3A_585 : vector<72x128xf32> to vector<1x72x128xf32>
    %stack3A_830 = vector.shape_cast %div3A_614 : vector<72x128xf32> to vector<1x72x128xf32>
    %stack3A_831 = vector.shape_cast %div3A_643 : vector<72x128xf32> to vector<1x72x128xf32>
    %stack3A_832 = vector.shape_cast %div3A_672 : vector<72x128xf32> to vector<1x72x128xf32>
    %stack3A_833 = vector.shape_cast %div3A_701 : vector<72x128xf32> to vector<1x72x128xf32>
    %stack3A_834 = vector.shape_cast %div3A_730 : vector<72x128xf32> to vector<1x72x128xf32>
    %stack3A_835 = vector.shape_cast %div3A_759 : vector<72x128xf32> to vector<1x72x128xf32>
    %stack3A_836 = vector.shape_cast %div3A_788 : vector<72x128xf32> to vector<1x72x128xf32>
    %stack3A_837 = vector.shape_cast %div3A_817 : vector<72x128xf32> to vector<1x72x128xf32>
    %stack3A_838 = tpu.concatenate %stack3A, %stack3A_823, %stack3A_824, %stack3A_825, %stack3A_826, %stack3A_827, %stack3A_828, %stack3A_829, %stack3A_830, %stack3A_831, %stack3A_832, %stack3A_833, %stack3A_834, %stack3A_835, %stack3A_836, %stack3A_837 in 0 : vector<1x72x128xf32>, vector<1x72x128xf32>, vector<1x72x128xf32>, vector<1x72x128xf32>, vector<1x72x128xf32>, vector<1x72x128xf32>, vector<1x72x128xf32>, vector<1x72x128xf32>, vector<1x72x128xf32>, vector<1x72x128xf32>, vector<1x72x128xf32>, vector<1x72x128xf32>, vector<1x72x128xf32>, vector<1x72x128xf32>, vector<1x72x128xf32>, vector<1x72x128xf32> -> vector<16x72x128xf32>
    %reduce_max3A = arith.constant dense<0xFF800000> : vector<16x72xf32>
    %reduce_max3A_839 = vector.multi_reduction <maximumf>, %stack3A_838, %reduce_max3A [2] : vector<16x72x128xf32> to vector<16x72xf32>
    %reduce_max3A_840 = arith.constant dense<0xFF800000> : vector<16xf32>
    %reduce_max3A_841 = vector.multi_reduction <maximumf>, %reduce_max3A_839, %reduce_max3A_840 [1] : vector<16x72xf32> to vector<16xf32>
    %broadcast_in_dim3A_842 = vector.shape_cast %reduce_max3A_841 : vector<16xf32> to vector<16x1x1xf32>
    %eq3A = vector.broadcast %broadcast_in_dim3A_842 : vector<16x1x1xf32> to vector<16x72x128xf32>
    %eq3A_843 = arith.cmpf oeq, %stack3A_838, %eq3A : vector<16x72x128xf32>
    %broadcast_in_dim3A_844 = vector.shape_cast %add3A : vector<72x128xi32> to vector<1x72x128xi32>
    %jit3A_845 = arith.constant 9216 : i32
    %broadcast_in_dim3A_846 = vector.shape_cast %broadcast_in_dim3A_844 : vector<1x72x128xi32> to vector<1x72x128xi32>
    %broadcast_in_dim3A_847 = vector.broadcast %broadcast_in_dim3A_846 : vector<1x72x128xi32> to vector<16x72x128xi32>
    %broadcast_in_dim3A_848 = vector.broadcast %jit3A_845 : i32 to vector<16x72x128xi32>
    %select_n3A_849 = arith.select %eq3A_843, %broadcast_in_dim3A_847, %broadcast_in_dim3A_848 : vector<16x72x128xi1>, vector<16x72x128xi32>
    %reduce_min3A = arith.constant dense<2147483647> : vector<16x72xi32>
    %reduce_min3A_850 = vector.multi_reduction <minsi>, %select_n3A_849, %reduce_min3A [2] : vector<16x72x128xi32> to vector<16x72xi32>
    %reduce_min3A_851 = arith.constant dense<2147483647> : vector<16xi32>
    %reduce_min3A_852 = vector.multi_reduction <minsi>, %reduce_min3A_850, %reduce_min3A_851 [1] : vector<16x72xi32> to vector<16xi32>
    %iota3A_853 = tpu.iota {dimensions = array<i32: 0>} : vector<16x72x128xi32>
    %broadcast_in_dim3A_854 = vector.shape_cast %add3A : vector<72x128xi32> to vector<1x72x128xi32>
    %broadcast_in_dim3A_855 = vector.shape_cast %reduce_min3A_852 : vector<16xi32> to vector<16x1x1xi32>
    %eq3A_856 = vector.broadcast %broadcast_in_dim3A_854 : vector<1x72x128xi32> to vector<16x72x128xi32>
    %eq3A_857 = vector.broadcast %broadcast_in_dim3A_855 : vector<16x1x1xi32> to vector<16x72x128xi32>
    %eq3A_858 = arith.cmpi eq, %eq3A_856, %eq3A_857 : vector<16x72x128xi32>
    %jit3A_859 = arith.constant -1 : i32
    %broadcast_in_dim3A_860 = vector.broadcast %jit3A_859 : i32 to vector<16x72x128xi32>
    %select_n3A_861 = arith.select %eq3A_858, %iota3A_853, %broadcast_in_dim3A_860 : vector<16x72x128xi1>, vector<16x72x128xi32>
    %reduce_max3A_862 = arith.constant dense<-2147483648> : vector<72x128xi32>
    %reduce_max3A_863 = vector.multi_reduction <maxsi>, %select_n3A_861, %reduce_max3A_862 [0] : vector<16x72x128xi32> to vector<72x128xi32>
    %ge3A = arith.constant 0 : i32
    %ge3A_864 = vector.broadcast %ge3A : i32 to vector<72x128xi32>
    %ge3A_865 = arith.cmpi sge, %reduce_max3A_863, %ge3A_864 : vector<72x128xi32>
    %jit3A_866 = arith.constant 2.000000e+00 : f32
    %broadcast_in_dim3A_867 = vector.broadcast %jit3A_866 : f32 to vector<72x128xf32>
    %select_n3A_868 = arith.select %ge3A_865, %broadcast_in_dim3A_867, %select_n3A_822 : vector<72x128xi1>, vector<72x128xf32>
    %select_n3A_869 = arith.select %ge3A_865, %reduce_max3A_863, %select_n3A_821 : vector<72x128xi1>, vector<72x128xi32>
    %broadcast_in_dim3A_870 = arith.constant 0.000000e+00 : f32
    %broadcast_in_dim3A_871 = vector.broadcast %broadcast_in_dim3A_870 : f32 to vector<72x128xf32>
    %broadcast_in_dim3A_872 = arith.constant 0.000000e+00 : f32
    %broadcast_in_dim3A_873 = vector.broadcast %broadcast_in_dim3A_872 : f32 to vector<72x128xf32>
    %broadcast_in_dim3A_874 = arith.constant 0.000000e+00 : f32
    %broadcast_in_dim3A_875 = vector.broadcast %broadcast_in_dim3A_874 : f32 to vector<72x128xf32>
    %broadcast_in_dim3A_876 = arith.constant 0.000000e+00 : f32
    %broadcast_in_dim3A_877 = vector.broadcast %broadcast_in_dim3A_876 : f32 to vector<72x128xf32>
    %broadcast_in_dim3A_878 = arith.constant 0.000000e+00 : f32
    %broadcast_in_dim3A_879 = vector.broadcast %broadcast_in_dim3A_878 : f32 to vector<72x128xf32>
    %eq3A_880 = arith.constant 0 : i32
    %eq3A_881 = vector.broadcast %eq3A_880 : i32 to vector<72x128xi32>
    %eq3A_882 = arith.cmpi eq, %select_n3A_869, %eq3A_881 : vector<72x128xi32>
    %broadcast_in_dim3A_883 = vector.broadcast %get3A_45 : f32 to vector<72x128xf32>
    %select_n3A_884 = arith.select %eq3A_882, %broadcast_in_dim3A_883, %broadcast_in_dim3A_871 : vector<72x128xi1>, vector<72x128xf32>
    %broadcast_in_dim3A_885 = vector.broadcast %get3A_109 : f32 to vector<72x128xf32>
    %select_n3A_886 = arith.select %eq3A_882, %broadcast_in_dim3A_885, %broadcast_in_dim3A_873 : vector<72x128xi1>, vector<72x128xf32>
    %broadcast_in_dim3A_887 = vector.broadcast %get3A_173 : f32 to vector<72x128xf32>
    %select_n3A_888 = arith.select %eq3A_882, %broadcast_in_dim3A_887, %broadcast_in_dim3A_875 : vector<72x128xi1>, vector<72x128xf32>
    %broadcast_in_dim3A_889 = vector.broadcast %get3A_237 : f32 to vector<72x128xf32>
    %select_n3A_890 = arith.select %eq3A_882, %broadcast_in_dim3A_889, %broadcast_in_dim3A_877 : vector<72x128xi1>, vector<72x128xf32>
    %broadcast_in_dim3A_891 = vector.broadcast %get3A_301 : f32 to vector<72x128xf32>
    %select_n3A_892 = arith.select %eq3A_882, %broadcast_in_dim3A_891, %broadcast_in_dim3A_879 : vector<72x128xi1>, vector<72x128xf32>
    %eq3A_893 = arith.constant 1 : i32
    %eq3A_894 = vector.broadcast %eq3A_893 : i32 to vector<72x128xi32>
    %eq3A_895 = arith.cmpi eq, %select_n3A_869, %eq3A_894 : vector<72x128xi32>
    %broadcast_in_dim3A_896 = vector.broadcast %get3A_49 : f32 to vector<72x128xf32>
    %select_n3A_897 = arith.select %eq3A_895, %broadcast_in_dim3A_896, %select_n3A_884 : vector<72x128xi1>, vector<72x128xf32>
    %broadcast_in_dim3A_898 = vector.broadcast %get3A_113 : f32 to vector<72x128xf32>
    %select_n3A_899 = arith.select %eq3A_895, %broadcast_in_dim3A_898, %select_n3A_886 : vector<72x128xi1>, vector<72x128xf32>
    %broadcast_in_dim3A_900 = vector.broadcast %get3A_177 : f32 to vector<72x128xf32>
    %select_n3A_901 = arith.select %eq3A_895, %broadcast_in_dim3A_900, %select_n3A_888 : vector<72x128xi1>, vector<72x128xf32>
    %broadcast_in_dim3A_902 = vector.broadcast %get3A_241 : f32 to vector<72x128xf32>
    %select_n3A_903 = arith.select %eq3A_895, %broadcast_in_dim3A_902, %select_n3A_890 : vector<72x128xi1>, vector<72x128xf32>
    %broadcast_in_dim3A_904 = vector.broadcast %get3A_305 : f32 to vector<72x128xf32>
    %select_n3A_905 = arith.select %eq3A_895, %broadcast_in_dim3A_904, %select_n3A_892 : vector<72x128xi1>, vector<72x128xf32>
    %eq3A_906 = arith.constant 2 : i32
    %eq3A_907 = vector.broadcast %eq3A_906 : i32 to vector<72x128xi32>
    %eq3A_908 = arith.cmpi eq, %select_n3A_869, %eq3A_907 : vector<72x128xi32>
    %broadcast_in_dim3A_909 = vector.broadcast %get3A_53 : f32 to vector<72x128xf32>
    %select_n3A_910 = arith.select %eq3A_908, %broadcast_in_dim3A_909, %select_n3A_897 : vector<72x128xi1>, vector<72x128xf32>
    %broadcast_in_dim3A_911 = vector.broadcast %get3A_117 : f32 to vector<72x128xf32>
    %select_n3A_912 = arith.select %eq3A_908, %broadcast_in_dim3A_911, %select_n3A_899 : vector<72x128xi1>, vector<72x128xf32>
    %broadcast_in_dim3A_913 = vector.broadcast %get3A_181 : f32 to vector<72x128xf32>
    %select_n3A_914 = arith.select %eq3A_908, %broadcast_in_dim3A_913, %select_n3A_901 : vector<72x128xi1>, vector<72x128xf32>
    %broadcast_in_dim3A_915 = vector.broadcast %get3A_245 : f32 to vector<72x128xf32>
    %select_n3A_916 = arith.select %eq3A_908, %broadcast_in_dim3A_915, %select_n3A_903 : vector<72x128xi1>, vector<72x128xf32>
    %broadcast_in_dim3A_917 = vector.broadcast %get3A_309 : f32 to vector<72x128xf32>
    %select_n3A_918 = arith.select %eq3A_908, %broadcast_in_dim3A_917, %select_n3A_905 : vector<72x128xi1>, vector<72x128xf32>
    %eq3A_919 = arith.constant 3 : i32
    %eq3A_920 = vector.broadcast %eq3A_919 : i32 to vector<72x128xi32>
    %eq3A_921 = arith.cmpi eq, %select_n3A_869, %eq3A_920 : vector<72x128xi32>
    %broadcast_in_dim3A_922 = vector.broadcast %get3A_57 : f32 to vector<72x128xf32>
    %select_n3A_923 = arith.select %eq3A_921, %broadcast_in_dim3A_922, %select_n3A_910 : vector<72x128xi1>, vector<72x128xf32>
    %broadcast_in_dim3A_924 = vector.broadcast %get3A_121 : f32 to vector<72x128xf32>
    %select_n3A_925 = arith.select %eq3A_921, %broadcast_in_dim3A_924, %select_n3A_912 : vector<72x128xi1>, vector<72x128xf32>
    %broadcast_in_dim3A_926 = vector.broadcast %get3A_185 : f32 to vector<72x128xf32>
    %select_n3A_927 = arith.select %eq3A_921, %broadcast_in_dim3A_926, %select_n3A_914 : vector<72x128xi1>, vector<72x128xf32>
    %broadcast_in_dim3A_928 = vector.broadcast %get3A_249 : f32 to vector<72x128xf32>
    %select_n3A_929 = arith.select %eq3A_921, %broadcast_in_dim3A_928, %select_n3A_916 : vector<72x128xi1>, vector<72x128xf32>
    %broadcast_in_dim3A_930 = vector.broadcast %get3A_313 : f32 to vector<72x128xf32>
    %select_n3A_931 = arith.select %eq3A_921, %broadcast_in_dim3A_930, %select_n3A_918 : vector<72x128xi1>, vector<72x128xf32>
    %eq3A_932 = arith.constant 4 : i32
    %eq3A_933 = vector.broadcast %eq3A_932 : i32 to vector<72x128xi32>
    %eq3A_934 = arith.cmpi eq, %select_n3A_869, %eq3A_933 : vector<72x128xi32>
    %broadcast_in_dim3A_935 = vector.broadcast %get3A_61 : f32 to vector<72x128xf32>
    %select_n3A_936 = arith.select %eq3A_934, %broadcast_in_dim3A_935, %select_n3A_923 : vector<72x128xi1>, vector<72x128xf32>
    %broadcast_in_dim3A_937 = vector.broadcast %get3A_125 : f32 to vector<72x128xf32>
    %select_n3A_938 = arith.select %eq3A_934, %broadcast_in_dim3A_937, %select_n3A_925 : vector<72x128xi1>, vector<72x128xf32>
    %broadcast_in_dim3A_939 = vector.broadcast %get3A_189 : f32 to vector<72x128xf32>
    %select_n3A_940 = arith.select %eq3A_934, %broadcast_in_dim3A_939, %select_n3A_927 : vector<72x128xi1>, vector<72x128xf32>
    %broadcast_in_dim3A_941 = vector.broadcast %get3A_253 : f32 to vector<72x128xf32>
    %select_n3A_942 = arith.select %eq3A_934, %broadcast_in_dim3A_941, %select_n3A_929 : vector<72x128xi1>, vector<72x128xf32>
    %broadcast_in_dim3A_943 = vector.broadcast %get3A_317 : f32 to vector<72x128xf32>
    %select_n3A_944 = arith.select %eq3A_934, %broadcast_in_dim3A_943, %select_n3A_931 : vector<72x128xi1>, vector<72x128xf32>
    %eq3A_945 = arith.constant 5 : i32
    %eq3A_946 = vector.broadcast %eq3A_945 : i32 to vector<72x128xi32>
    %eq3A_947 = arith.cmpi eq, %select_n3A_869, %eq3A_946 : vector<72x128xi32>
    %broadcast_in_dim3A_948 = vector.broadcast %get3A_65 : f32 to vector<72x128xf32>
    %select_n3A_949 = arith.select %eq3A_947, %broadcast_in_dim3A_948, %select_n3A_936 : vector<72x128xi1>, vector<72x128xf32>
    %broadcast_in_dim3A_950 = vector.broadcast %get3A_129 : f32 to vector<72x128xf32>
    %select_n3A_951 = arith.select %eq3A_947, %broadcast_in_dim3A_950, %select_n3A_938 : vector<72x128xi1>, vector<72x128xf32>
    %broadcast_in_dim3A_952 = vector.broadcast %get3A_193 : f32 to vector<72x128xf32>
    %select_n3A_953 = arith.select %eq3A_947, %broadcast_in_dim3A_952, %select_n3A_940 : vector<72x128xi1>, vector<72x128xf32>
    %broadcast_in_dim3A_954 = vector.broadcast %get3A_257 : f32 to vector<72x128xf32>
    %select_n3A_955 = arith.select %eq3A_947, %broadcast_in_dim3A_954, %select_n3A_942 : vector<72x128xi1>, vector<72x128xf32>
    %broadcast_in_dim3A_956 = vector.broadcast %get3A_321 : f32 to vector<72x128xf32>
    %select_n3A_957 = arith.select %eq3A_947, %broadcast_in_dim3A_956, %select_n3A_944 : vector<72x128xi1>, vector<72x128xf32>
    %eq3A_958 = arith.constant 6 : i32
    %eq3A_959 = vector.broadcast %eq3A_958 : i32 to vector<72x128xi32>
    %eq3A_960 = arith.cmpi eq, %select_n3A_869, %eq3A_959 : vector<72x128xi32>
    %broadcast_in_dim3A_961 = vector.broadcast %get3A_69 : f32 to vector<72x128xf32>
    %select_n3A_962 = arith.select %eq3A_960, %broadcast_in_dim3A_961, %select_n3A_949 : vector<72x128xi1>, vector<72x128xf32>
    %broadcast_in_dim3A_963 = vector.broadcast %get3A_133 : f32 to vector<72x128xf32>
    %select_n3A_964 = arith.select %eq3A_960, %broadcast_in_dim3A_963, %select_n3A_951 : vector<72x128xi1>, vector<72x128xf32>
    %broadcast_in_dim3A_965 = vector.broadcast %get3A_197 : f32 to vector<72x128xf32>
    %select_n3A_966 = arith.select %eq3A_960, %broadcast_in_dim3A_965, %select_n3A_953 : vector<72x128xi1>, vector<72x128xf32>
    %broadcast_in_dim3A_967 = vector.broadcast %get3A_261 : f32 to vector<72x128xf32>
    %select_n3A_968 = arith.select %eq3A_960, %broadcast_in_dim3A_967, %select_n3A_955 : vector<72x128xi1>, vector<72x128xf32>
    %broadcast_in_dim3A_969 = vector.broadcast %get3A_325 : f32 to vector<72x128xf32>
    %select_n3A_970 = arith.select %eq3A_960, %broadcast_in_dim3A_969, %select_n3A_957 : vector<72x128xi1>, vector<72x128xf32>
    %eq3A_971 = arith.constant 7 : i32
    %eq3A_972 = vector.broadcast %eq3A_971 : i32 to vector<72x128xi32>
    %eq3A_973 = arith.cmpi eq, %select_n3A_869, %eq3A_972 : vector<72x128xi32>
    %broadcast_in_dim3A_974 = vector.broadcast %get3A_73 : f32 to vector<72x128xf32>
    %select_n3A_975 = arith.select %eq3A_973, %broadcast_in_dim3A_974, %select_n3A_962 : vector<72x128xi1>, vector<72x128xf32>
    %broadcast_in_dim3A_976 = vector.broadcast %get3A_137 : f32 to vector<72x128xf32>
    %select_n3A_977 = arith.select %eq3A_973, %broadcast_in_dim3A_976, %select_n3A_964 : vector<72x128xi1>, vector<72x128xf32>
    %broadcast_in_dim3A_978 = vector.broadcast %get3A_201 : f32 to vector<72x128xf32>
    %select_n3A_979 = arith.select %eq3A_973, %broadcast_in_dim3A_978, %select_n3A_966 : vector<72x128xi1>, vector<72x128xf32>
    %broadcast_in_dim3A_980 = vector.broadcast %get3A_265 : f32 to vector<72x128xf32>
    %select_n3A_981 = arith.select %eq3A_973, %broadcast_in_dim3A_980, %select_n3A_968 : vector<72x128xi1>, vector<72x128xf32>
    %broadcast_in_dim3A_982 = vector.broadcast %get3A_329 : f32 to vector<72x128xf32>
    %select_n3A_983 = arith.select %eq3A_973, %broadcast_in_dim3A_982, %select_n3A_970 : vector<72x128xi1>, vector<72x128xf32>
    %eq3A_984 = arith.constant 8 : i32
    %eq3A_985 = vector.broadcast %eq3A_984 : i32 to vector<72x128xi32>
    %eq3A_986 = arith.cmpi eq, %select_n3A_869, %eq3A_985 : vector<72x128xi32>
    %broadcast_in_dim3A_987 = vector.broadcast %get3A_77 : f32 to vector<72x128xf32>
    %select_n3A_988 = arith.select %eq3A_986, %broadcast_in_dim3A_987, %select_n3A_975 : vector<72x128xi1>, vector<72x128xf32>
    %broadcast_in_dim3A_989 = vector.broadcast %get3A_141 : f32 to vector<72x128xf32>
    %select_n3A_990 = arith.select %eq3A_986, %broadcast_in_dim3A_989, %select_n3A_977 : vector<72x128xi1>, vector<72x128xf32>
    %broadcast_in_dim3A_991 = vector.broadcast %get3A_205 : f32 to vector<72x128xf32>
    %select_n3A_992 = arith.select %eq3A_986, %broadcast_in_dim3A_991, %select_n3A_979 : vector<72x128xi1>, vector<72x128xf32>
    %broadcast_in_dim3A_993 = vector.broadcast %get3A_269 : f32 to vector<72x128xf32>
    %select_n3A_994 = arith.select %eq3A_986, %broadcast_in_dim3A_993, %select_n3A_981 : vector<72x128xi1>, vector<72x128xf32>
    %broadcast_in_dim3A_995 = vector.broadcast %get3A_333 : f32 to vector<72x128xf32>
    %select_n3A_996 = arith.select %eq3A_986, %broadcast_in_dim3A_995, %select_n3A_983 : vector<72x128xi1>, vector<72x128xf32>
    %eq3A_997 = arith.constant 9 : i32
    %eq3A_998 = vector.broadcast %eq3A_997 : i32 to vector<72x128xi32>
    %eq3A_999 = arith.cmpi eq, %select_n3A_869, %eq3A_998 : vector<72x128xi32>
    %broadcast_in_dim3A_1000 = vector.broadcast %get3A_81 : f32 to vector<72x128xf32>
    %select_n3A_1001 = arith.select %eq3A_999, %broadcast_in_dim3A_1000, %select_n3A_988 : vector<72x128xi1>, vector<72x128xf32>
    %broadcast_in_dim3A_1002 = vector.broadcast %get3A_145 : f32 to vector<72x128xf32>
    %select_n3A_1003 = arith.select %eq3A_999, %broadcast_in_dim3A_1002, %select_n3A_990 : vector<72x128xi1>, vector<72x128xf32>
    %broadcast_in_dim3A_1004 = vector.broadcast %get3A_209 : f32 to vector<72x128xf32>
    %select_n3A_1005 = arith.select %eq3A_999, %broadcast_in_dim3A_1004, %select_n3A_992 : vector<72x128xi1>, vector<72x128xf32>
    %broadcast_in_dim3A_1006 = vector.broadcast %get3A_273 : f32 to vector<72x128xf32>
    %select_n3A_1007 = arith.select %eq3A_999, %broadcast_in_dim3A_1006, %select_n3A_994 : vector<72x128xi1>, vector<72x128xf32>
    %broadcast_in_dim3A_1008 = vector.broadcast %get3A_337 : f32 to vector<72x128xf32>
    %select_n3A_1009 = arith.select %eq3A_999, %broadcast_in_dim3A_1008, %select_n3A_996 : vector<72x128xi1>, vector<72x128xf32>
    %eq3A_1010 = arith.constant 10 : i32
    %eq3A_1011 = vector.broadcast %eq3A_1010 : i32 to vector<72x128xi32>
    %eq3A_1012 = arith.cmpi eq, %select_n3A_869, %eq3A_1011 : vector<72x128xi32>
    %broadcast_in_dim3A_1013 = vector.broadcast %get3A_85 : f32 to vector<72x128xf32>
    %select_n3A_1014 = arith.select %eq3A_1012, %broadcast_in_dim3A_1013, %select_n3A_1001 : vector<72x128xi1>, vector<72x128xf32>
    %broadcast_in_dim3A_1015 = vector.broadcast %get3A_149 : f32 to vector<72x128xf32>
    %select_n3A_1016 = arith.select %eq3A_1012, %broadcast_in_dim3A_1015, %select_n3A_1003 : vector<72x128xi1>, vector<72x128xf32>
    %broadcast_in_dim3A_1017 = vector.broadcast %get3A_213 : f32 to vector<72x128xf32>
    %select_n3A_1018 = arith.select %eq3A_1012, %broadcast_in_dim3A_1017, %select_n3A_1005 : vector<72x128xi1>, vector<72x128xf32>
    %broadcast_in_dim3A_1019 = vector.broadcast %get3A_277 : f32 to vector<72x128xf32>
    %select_n3A_1020 = arith.select %eq3A_1012, %broadcast_in_dim3A_1019, %select_n3A_1007 : vector<72x128xi1>, vector<72x128xf32>
    %broadcast_in_dim3A_1021 = vector.broadcast %get3A_341 : f32 to vector<72x128xf32>
    %select_n3A_1022 = arith.select %eq3A_1012, %broadcast_in_dim3A_1021, %select_n3A_1009 : vector<72x128xi1>, vector<72x128xf32>
    %eq3A_1023 = arith.constant 11 : i32
    %eq3A_1024 = vector.broadcast %eq3A_1023 : i32 to vector<72x128xi32>
    %eq3A_1025 = arith.cmpi eq, %select_n3A_869, %eq3A_1024 : vector<72x128xi32>
    %broadcast_in_dim3A_1026 = vector.broadcast %get3A_89 : f32 to vector<72x128xf32>
    %select_n3A_1027 = arith.select %eq3A_1025, %broadcast_in_dim3A_1026, %select_n3A_1014 : vector<72x128xi1>, vector<72x128xf32>
    %broadcast_in_dim3A_1028 = vector.broadcast %get3A_153 : f32 to vector<72x128xf32>
    %select_n3A_1029 = arith.select %eq3A_1025, %broadcast_in_dim3A_1028, %select_n3A_1016 : vector<72x128xi1>, vector<72x128xf32>
    %broadcast_in_dim3A_1030 = vector.broadcast %get3A_217 : f32 to vector<72x128xf32>
    %select_n3A_1031 = arith.select %eq3A_1025, %broadcast_in_dim3A_1030, %select_n3A_1018 : vector<72x128xi1>, vector<72x128xf32>
    %broadcast_in_dim3A_1032 = vector.broadcast %get3A_281 : f32 to vector<72x128xf32>
    %select_n3A_1033 = arith.select %eq3A_1025, %broadcast_in_dim3A_1032, %select_n3A_1020 : vector<72x128xi1>, vector<72x128xf32>
    %broadcast_in_dim3A_1034 = vector.broadcast %get3A_345 : f32 to vector<72x128xf32>
    %select_n3A_1035 = arith.select %eq3A_1025, %broadcast_in_dim3A_1034, %select_n3A_1022 : vector<72x128xi1>, vector<72x128xf32>
    %eq3A_1036 = arith.constant 12 : i32
    %eq3A_1037 = vector.broadcast %eq3A_1036 : i32 to vector<72x128xi32>
    %eq3A_1038 = arith.cmpi eq, %select_n3A_869, %eq3A_1037 : vector<72x128xi32>
    %broadcast_in_dim3A_1039 = vector.broadcast %get3A_93 : f32 to vector<72x128xf32>
    %select_n3A_1040 = arith.select %eq3A_1038, %broadcast_in_dim3A_1039, %select_n3A_1027 : vector<72x128xi1>, vector<72x128xf32>
    %broadcast_in_dim3A_1041 = vector.broadcast %get3A_157 : f32 to vector<72x128xf32>
    %select_n3A_1042 = arith.select %eq3A_1038, %broadcast_in_dim3A_1041, %select_n3A_1029 : vector<72x128xi1>, vector<72x128xf32>
    %broadcast_in_dim3A_1043 = vector.broadcast %get3A_221 : f32 to vector<72x128xf32>
    %select_n3A_1044 = arith.select %eq3A_1038, %broadcast_in_dim3A_1043, %select_n3A_1031 : vector<72x128xi1>, vector<72x128xf32>
    %broadcast_in_dim3A_1045 = vector.broadcast %get3A_285 : f32 to vector<72x128xf32>
    %select_n3A_1046 = arith.select %eq3A_1038, %broadcast_in_dim3A_1045, %select_n3A_1033 : vector<72x128xi1>, vector<72x128xf32>
    %broadcast_in_dim3A_1047 = vector.broadcast %get3A_349 : f32 to vector<72x128xf32>
    %select_n3A_1048 = arith.select %eq3A_1038, %broadcast_in_dim3A_1047, %select_n3A_1035 : vector<72x128xi1>, vector<72x128xf32>
    %eq3A_1049 = arith.constant 13 : i32
    %eq3A_1050 = vector.broadcast %eq3A_1049 : i32 to vector<72x128xi32>
    %eq3A_1051 = arith.cmpi eq, %select_n3A_869, %eq3A_1050 : vector<72x128xi32>
    %broadcast_in_dim3A_1052 = vector.broadcast %get3A_97 : f32 to vector<72x128xf32>
    %select_n3A_1053 = arith.select %eq3A_1051, %broadcast_in_dim3A_1052, %select_n3A_1040 : vector<72x128xi1>, vector<72x128xf32>
    %broadcast_in_dim3A_1054 = vector.broadcast %get3A_161 : f32 to vector<72x128xf32>
    %select_n3A_1055 = arith.select %eq3A_1051, %broadcast_in_dim3A_1054, %select_n3A_1042 : vector<72x128xi1>, vector<72x128xf32>
    %broadcast_in_dim3A_1056 = vector.broadcast %get3A_225 : f32 to vector<72x128xf32>
    %select_n3A_1057 = arith.select %eq3A_1051, %broadcast_in_dim3A_1056, %select_n3A_1044 : vector<72x128xi1>, vector<72x128xf32>
    %broadcast_in_dim3A_1058 = vector.broadcast %get3A_289 : f32 to vector<72x128xf32>
    %select_n3A_1059 = arith.select %eq3A_1051, %broadcast_in_dim3A_1058, %select_n3A_1046 : vector<72x128xi1>, vector<72x128xf32>
    %broadcast_in_dim3A_1060 = vector.broadcast %get3A_353 : f32 to vector<72x128xf32>
    %select_n3A_1061 = arith.select %eq3A_1051, %broadcast_in_dim3A_1060, %select_n3A_1048 : vector<72x128xi1>, vector<72x128xf32>
    %eq3A_1062 = arith.constant 14 : i32
    %eq3A_1063 = vector.broadcast %eq3A_1062 : i32 to vector<72x128xi32>
    %eq3A_1064 = arith.cmpi eq, %select_n3A_869, %eq3A_1063 : vector<72x128xi32>
    %broadcast_in_dim3A_1065 = vector.broadcast %get3A_101 : f32 to vector<72x128xf32>
    %select_n3A_1066 = arith.select %eq3A_1064, %broadcast_in_dim3A_1065, %select_n3A_1053 : vector<72x128xi1>, vector<72x128xf32>
    %broadcast_in_dim3A_1067 = vector.broadcast %get3A_165 : f32 to vector<72x128xf32>
    %select_n3A_1068 = arith.select %eq3A_1064, %broadcast_in_dim3A_1067, %select_n3A_1055 : vector<72x128xi1>, vector<72x128xf32>
    %broadcast_in_dim3A_1069 = vector.broadcast %get3A_229 : f32 to vector<72x128xf32>
    %select_n3A_1070 = arith.select %eq3A_1064, %broadcast_in_dim3A_1069, %select_n3A_1057 : vector<72x128xi1>, vector<72x128xf32>
    %broadcast_in_dim3A_1071 = vector.broadcast %get3A_293 : f32 to vector<72x128xf32>
    %select_n3A_1072 = arith.select %eq3A_1064, %broadcast_in_dim3A_1071, %select_n3A_1059 : vector<72x128xi1>, vector<72x128xf32>
    %broadcast_in_dim3A_1073 = vector.broadcast %get3A_357 : f32 to vector<72x128xf32>
    %select_n3A_1074 = arith.select %eq3A_1064, %broadcast_in_dim3A_1073, %select_n3A_1061 : vector<72x128xi1>, vector<72x128xf32>
    %eq3A_1075 = arith.constant 15 : i32
    %eq3A_1076 = vector.broadcast %eq3A_1075 : i32 to vector<72x128xi32>
    %eq3A_1077 = arith.cmpi eq, %select_n3A_869, %eq3A_1076 : vector<72x128xi32>
    %broadcast_in_dim3A_1078 = vector.broadcast %get3A_105 : f32 to vector<72x128xf32>
    %select_n3A_1079 = arith.select %eq3A_1077, %broadcast_in_dim3A_1078, %select_n3A_1066 : vector<72x128xi1>, vector<72x128xf32>
    %broadcast_in_dim3A_1080 = vector.broadcast %get3A_169 : f32 to vector<72x128xf32>
    %select_n3A_1081 = arith.select %eq3A_1077, %broadcast_in_dim3A_1080, %select_n3A_1068 : vector<72x128xi1>, vector<72x128xf32>
    %broadcast_in_dim3A_1082 = vector.broadcast %get3A_233 : f32 to vector<72x128xf32>
    %select_n3A_1083 = arith.select %eq3A_1077, %broadcast_in_dim3A_1082, %select_n3A_1070 : vector<72x128xi1>, vector<72x128xf32>
    %broadcast_in_dim3A_1084 = vector.broadcast %get3A_297 : f32 to vector<72x128xf32>
    %select_n3A_1085 = arith.select %eq3A_1077, %broadcast_in_dim3A_1084, %select_n3A_1072 : vector<72x128xi1>, vector<72x128xf32>
    %broadcast_in_dim3A_1086 = vector.broadcast %get3A_361 : f32 to vector<72x128xf32>
    %select_n3A_1087 = arith.select %eq3A_1077, %broadcast_in_dim3A_1086, %select_n3A_1074 : vector<72x128xi1>, vector<72x128xf32>
    %lt3A_1088 = arith.constant 5.000000e-01 : f32
    %lt3A_1089 = vector.broadcast %lt3A_1088 : f32 to vector<72x128xf32>
    %lt3A_1090 = arith.cmpf olt, %select_n3A_868, %lt3A_1089 : vector<72x128xf32>
    %convert_element_type3A = arith.fptosi %select_n3A_1087 : vector<72x128xf32> to vector<72x128xi32>
    %jit3A_1091 = arith.constant 0 : i32
    %broadcast_in_dim3A_1092 = vector.broadcast %jit3A_1091 : i32 to vector<72x128xi32>
    %select_n3A_1093 = arith.select %lt3A_1090, %broadcast_in_dim3A_1092, %convert_element_type3A : vector<72x128xi1>, vector<72x128xi32>
    %gt3A_1094 = arith.constant 0 : i32
    %gt3A_1095 = vector.broadcast %gt3A_1094 : i32 to vector<72x128xi32>
    %gt3A_1096 = arith.cmpi sgt, %select_n3A_1093, %gt3A_1095 : vector<72x128xi32>
    %convert_element_type3A_1097 = arith.extui %gt3A_1096 : vector<72x128xi1> to vector<72x128xi32>
    %convert_element_type3A_1098 = arith.sitofp %convert_element_type3A_1097 : vector<72x128xi32> to vector<72x128xf32>
    %gt3A_1099 = arith.constant 0 : i32
    %gt3A_1100 = vector.broadcast %gt3A_1099 : i32 to vector<72x128xi32>
    %gt3A_1101 = arith.cmpi sgt, %select_n3A_1093, %gt3A_1100 : vector<72x128xi32>
    %convert_element_type3A_1102 = arith.extui %gt3A_1101 : vector<72x128xi1> to vector<72x128xi32>
    %reduce_sum3A = vector.shape_cast %convert_element_type3A_1102 : vector<72x128xi32> to vector<1x72x128xi32>
    %reduce_sum3A_1103 = arith.constant dense<0> : vector<1xi32>
    %reduce_sum3A_1104 = vector.multi_reduction <add>, %reduce_sum3A, %reduce_sum3A_1103 [1, 2] : vector<1x72x128xi32> to vector<1xi32>
    %reduce_sum3A_1105 = vector.shape_cast %reduce_sum3A_1104 : vector<1xi32> to vector<1x1x1xi32>
    %reduce_sum3A_1106 = vector.extract %reduce_sum3A_1105[0, 0, 0] : i32 from vector<1x1x1xi32>
    %add3A_1107 = arith.addf %select_n3A_1079, %select_n3A_1083 : vector<72x128xf32>
    %mul3A_1108 = arith.constant 5.000000e-01 : f32
    %mul3A_1109 = vector.broadcast %mul3A_1108 : f32 to vector<72x128xf32>
    %mul3A_1110 = arith.mulf %add3A_1107, %mul3A_1109 : vector<72x128xf32>
    %sub3A_1111 = arith.subf %mul3A_1110, %get3A_8 : vector<72x128xf32>
    %mul3A_1112 = arith.constant 1.000000e-01 : f32
    %mul3A_1113 = vector.broadcast %mul3A_1112 : f32 to vector<72x128xf32>
    %mul3A_1114 = arith.mulf %mul3A_1113, %get3A_18 : vector<72x128xf32>
    %div3A_1115 = arith.divf %sub3A_1111, %mul3A_1114 : vector<72x128xf32>
    %add3A_1116 = arith.addf %select_n3A_1081, %select_n3A_1085 : vector<72x128xf32>
    %mul3A_1117 = arith.constant 5.000000e-01 : f32
    %mul3A_1118 = vector.broadcast %mul3A_1117 : f32 to vector<72x128xf32>
    %mul3A_1119 = arith.mulf %add3A_1116, %mul3A_1118 : vector<72x128xf32>
    %sub3A_1120 = arith.subf %mul3A_1119, %get3A_13 : vector<72x128xf32>
    %mul3A_1121 = arith.constant 1.000000e-01 : f32
    %mul3A_1122 = vector.broadcast %mul3A_1121 : f32 to vector<72x128xf32>
    %mul3A_1123 = arith.mulf %mul3A_1122, %get3A_23 : vector<72x128xf32>
    %div3A_1124 = arith.divf %sub3A_1120, %mul3A_1123 : vector<72x128xf32>
    %sub3A_1125 = arith.subf %select_n3A_1083, %select_n3A_1079 : vector<72x128xf32>
    %div3A_1126 = arith.divf %sub3A_1125, %get3A_18 : vector<72x128xf32>
    %log3A = math.log %div3A_1126 : vector<72x128xf32>
    %mul3A_1127 = arith.constant 5.000000e+00 : f32
    %mul3A_1128 = vector.broadcast %mul3A_1127 : f32 to vector<72x128xf32>
    %mul3A_1129 = arith.mulf %log3A, %mul3A_1128 : vector<72x128xf32>
    %sub3A_1130 = arith.subf %select_n3A_1085, %select_n3A_1081 : vector<72x128xf32>
    %div3A_1131 = arith.divf %sub3A_1130, %get3A_23 : vector<72x128xf32>
    %log3A_1132 = math.log %div3A_1131 : vector<72x128xf32>
    %mul3A_1133 = arith.constant 5.000000e+00 : f32
    %mul3A_1134 = vector.broadcast %mul3A_1133 : f32 to vector<72x128xf32>
    %mul3A_1135 = arith.mulf %log3A_1132, %mul3A_1134 : vector<72x128xf32>
    %get3A_1136 = arith.constant 0 : index
    %get3A_1137 = arith.constant 0 : index
    %get3A_1138 = arith.constant 0 : index
    %get3A_1139 = arith.constant 0 : index
    %get3A_1140 = vector.load %arg3[%get3A_1136, %get3A_1137, %get3A_1138, %get3A_1139] : memref<1x4x72x128xf32, #tpu.memory_space<vmem>>, vector<1x1x72x128xf32>
    %get3A_1141 = vector.shape_cast %get3A_1140 : vector<1x1x72x128xf32> to vector<72x128xf32>
    %sub3A_1142 = arith.subf %get3A_1141, %div3A_1115 : vector<72x128xf32>
    %abs3A = math.absf %sub3A_1142 : vector<72x128xf32>
    %lt3A_1143 = arith.constant 1.000000e+00 : f32
    %lt3A_1144 = vector.broadcast %lt3A_1143 : f32 to vector<72x128xf32>
    %lt3A_1145 = arith.cmpf olt, %abs3A, %lt3A_1144 : vector<72x128xf32>
    %mul3A_1146 = arith.constant 5.000000e-01 : f32
    %mul3A_1147 = vector.broadcast %mul3A_1146 : f32 to vector<72x128xf32>
    %mul3A_1148 = arith.mulf %mul3A_1147, %sub3A_1142 : vector<72x128xf32>
    %mul3A_1149 = arith.mulf %mul3A_1148, %sub3A_1142 : vector<72x128xf32>
    %sub3A_1150 = arith.constant 5.000000e-01 : f32
    %sub3A_1151 = vector.broadcast %sub3A_1150 : f32 to vector<72x128xf32>
    %sub3A_1152 = arith.subf %abs3A, %sub3A_1151 : vector<72x128xf32>
    %select_n3A_1153 = arith.select %lt3A_1145, %mul3A_1149, %sub3A_1152 : vector<72x128xi1>, vector<72x128xf32>
    %get3A_1154 = arith.constant 0 : index
    %get3A_1155 = arith.constant 1 : index
    %get3A_1156 = arith.constant 0 : index
    %get3A_1157 = arith.constant 0 : index
    %get3A_1158 = vector.load %arg3[%get3A_1154, %get3A_1155, %get3A_1156, %get3A_1157] : memref<1x4x72x128xf32, #tpu.memory_space<vmem>>, vector<1x1x72x128xf32>
    %get3A_1159 = vector.shape_cast %get3A_1158 : vector<1x1x72x128xf32> to vector<72x128xf32>
    %sub3A_1160 = arith.subf %get3A_1159, %div3A_1124 : vector<72x128xf32>
    %abs3A_1161 = math.absf %sub3A_1160 : vector<72x128xf32>
    %lt3A_1162 = arith.constant 1.000000e+00 : f32
    %lt3A_1163 = vector.broadcast %lt3A_1162 : f32 to vector<72x128xf32>
    %lt3A_1164 = arith.cmpf olt, %abs3A_1161, %lt3A_1163 : vector<72x128xf32>
    %mul3A_1165 = arith.constant 5.000000e-01 : f32
    %mul3A_1166 = vector.broadcast %mul3A_1165 : f32 to vector<72x128xf32>
    %mul3A_1167 = arith.mulf %mul3A_1166, %sub3A_1160 : vector<72x128xf32>
    %mul3A_1168 = arith.mulf %mul3A_1167, %sub3A_1160 : vector<72x128xf32>
    %sub3A_1169 = arith.constant 5.000000e-01 : f32
    %sub3A_1170 = vector.broadcast %sub3A_1169 : f32 to vector<72x128xf32>
    %sub3A_1171 = arith.subf %abs3A_1161, %sub3A_1170 : vector<72x128xf32>
    %select_n3A_1172 = arith.select %lt3A_1164, %mul3A_1168, %sub3A_1171 : vector<72x128xi1>, vector<72x128xf32>
    %add3A_1173 = arith.addf %select_n3A_1153, %select_n3A_1172 : vector<72x128xf32>
    %get3A_1174 = arith.constant 0 : index
    %get3A_1175 = arith.constant 2 : index
    %get3A_1176 = arith.constant 0 : index
    %get3A_1177 = arith.constant 0 : index
    %get3A_1178 = vector.load %arg3[%get3A_1174, %get3A_1175, %get3A_1176, %get3A_1177] : memref<1x4x72x128xf32, #tpu.memory_space<vmem>>, vector<1x1x72x128xf32>
    %get3A_1179 = vector.shape_cast %get3A_1178 : vector<1x1x72x128xf32> to vector<72x128xf32>
    %sub3A_1180 = arith.subf %get3A_1179, %mul3A_1129 : vector<72x128xf32>
    %abs3A_1181 = math.absf %sub3A_1180 : vector<72x128xf32>
    %lt3A_1182 = arith.constant 1.000000e+00 : f32
    %lt3A_1183 = vector.broadcast %lt3A_1182 : f32 to vector<72x128xf32>
    %lt3A_1184 = arith.cmpf olt, %abs3A_1181, %lt3A_1183 : vector<72x128xf32>
    %mul3A_1185 = arith.constant 5.000000e-01 : f32
    %mul3A_1186 = vector.broadcast %mul3A_1185 : f32 to vector<72x128xf32>
    %mul3A_1187 = arith.mulf %mul3A_1186, %sub3A_1180 : vector<72x128xf32>
    %mul3A_1188 = arith.mulf %mul3A_1187, %sub3A_1180 : vector<72x128xf32>
    %sub3A_1189 = arith.constant 5.000000e-01 : f32
    %sub3A_1190 = vector.broadcast %sub3A_1189 : f32 to vector<72x128xf32>
    %sub3A_1191 = arith.subf %abs3A_1181, %sub3A_1190 : vector<72x128xf32>
    %select_n3A_1192 = arith.select %lt3A_1184, %mul3A_1188, %sub3A_1191 : vector<72x128xi1>, vector<72x128xf32>
    %add3A_1193 = arith.addf %add3A_1173, %select_n3A_1192 : vector<72x128xf32>
    %get3A_1194 = arith.constant 0 : index
    %get3A_1195 = arith.constant 3 : index
    %get3A_1196 = arith.constant 0 : index
    %get3A_1197 = arith.constant 0 : index
    %get3A_1198 = vector.load %arg3[%get3A_1194, %get3A_1195, %get3A_1196, %get3A_1197] : memref<1x4x72x128xf32, #tpu.memory_space<vmem>>, vector<1x1x72x128xf32>
    %get3A_1199 = vector.shape_cast %get3A_1198 : vector<1x1x72x128xf32> to vector<72x128xf32>
    %sub3A_1200 = arith.subf %get3A_1199, %mul3A_1135 : vector<72x128xf32>
    %abs3A_1201 = math.absf %sub3A_1200 : vector<72x128xf32>
    %lt3A_1202 = arith.constant 1.000000e+00 : f32
    %lt3A_1203 = vector.broadcast %lt3A_1202 : f32 to vector<72x128xf32>
    %lt3A_1204 = arith.cmpf olt, %abs3A_1201, %lt3A_1203 : vector<72x128xf32>
    %mul3A_1205 = arith.constant 5.000000e-01 : f32
    %mul3A_1206 = vector.broadcast %mul3A_1205 : f32 to vector<72x128xf32>
    %mul3A_1207 = arith.mulf %mul3A_1206, %sub3A_1200 : vector<72x128xf32>
    %mul3A_1208 = arith.mulf %mul3A_1207, %sub3A_1200 : vector<72x128xf32>
    %sub3A_1209 = arith.constant 5.000000e-01 : f32
    %sub3A_1210 = vector.broadcast %sub3A_1209 : f32 to vector<72x128xf32>
    %sub3A_1211 = arith.subf %abs3A_1201, %sub3A_1210 : vector<72x128xf32>
    %select_n3A_1212 = arith.select %lt3A_1204, %mul3A_1208, %sub3A_1211 : vector<72x128xi1>, vector<72x128xf32>
    %add3A_1213 = arith.addf %add3A_1193, %select_n3A_1212 : vector<72x128xf32>
    %mul3A_1214 = arith.mulf %add3A_1213, %convert_element_type3A_1098 : vector<72x128xf32>
    %reduce_sum3A_1215 = vector.shape_cast %mul3A_1214 : vector<72x128xf32> to vector<1x72x128xf32>
    %reduce_sum3A_1216 = arith.constant dense<0.000000e+00> : vector<1xf32>
    %reduce_sum3A_1217 = vector.multi_reduction <add>, %reduce_sum3A_1215, %reduce_sum3A_1216 [1, 2] : vector<1x72x128xf32> to vector<1xf32>
    %reduce_sum3A_1218 = vector.shape_cast %reduce_sum3A_1217 : vector<1xf32> to vector<1x1x1xf32>
    %reduce_sum3A_1219 = vector.extract %reduce_sum3A_1218[0, 0, 0] : f32 from vector<1x1x1xf32>
    %get3A_1220 = arith.constant 0 : index
    %get3A_1221 = arith.constant 0 : index
    %get3A_1222 = arith.constant 0 : index
    %get3A_1223 = arith.constant 0 : index
    %get3A_1224 = vector.load %arg2[%get3A_1220, %get3A_1221, %get3A_1222, %get3A_1223] : memref<1x21x72x128xf32, #tpu.memory_space<vmem>>, vector<1x1x72x128xf32>
    %get3A_1225 = vector.shape_cast %get3A_1224 : vector<1x1x72x128xf32> to vector<72x128xf32>
    %get3A_1226 = arith.constant 0 : index
    %get3A_1227 = arith.constant 1 : index
    %get3A_1228 = arith.constant 0 : index
    %get3A_1229 = arith.constant 0 : index
    %get3A_1230 = vector.load %arg2[%get3A_1226, %get3A_1227, %get3A_1228, %get3A_1229] : memref<1x21x72x128xf32, #tpu.memory_space<vmem>>, vector<1x1x72x128xf32>
    %get3A_1231 = vector.shape_cast %get3A_1230 : vector<1x1x72x128xf32> to vector<72x128xf32>
    %get3A_1232 = arith.constant 0 : index
    %get3A_1233 = arith.constant 2 : index
    %get3A_1234 = arith.constant 0 : index
    %get3A_1235 = arith.constant 0 : index
    %get3A_1236 = vector.load %arg2[%get3A_1232, %get3A_1233, %get3A_1234, %get3A_1235] : memref<1x21x72x128xf32, #tpu.memory_space<vmem>>, vector<1x1x72x128xf32>
    %get3A_1237 = vector.shape_cast %get3A_1236 : vector<1x1x72x128xf32> to vector<72x128xf32>
    %get3A_1238 = arith.constant 0 : index
    %get3A_1239 = arith.constant 3 : index
    %get3A_1240 = arith.constant 0 : index
    %get3A_1241 = arith.constant 0 : index
    %get3A_1242 = vector.load %arg2[%get3A_1238, %get3A_1239, %get3A_1240, %get3A_1241] : memref<1x21x72x128xf32, #tpu.memory_space<vmem>>, vector<1x1x72x128xf32>
    %get3A_1243 = vector.shape_cast %get3A_1242 : vector<1x1x72x128xf32> to vector<72x128xf32>
    %get3A_1244 = arith.constant 0 : index
    %get3A_1245 = arith.constant 4 : index
    %get3A_1246 = arith.constant 0 : index
    %get3A_1247 = arith.constant 0 : index
    %get3A_1248 = vector.load %arg2[%get3A_1244, %get3A_1245, %get3A_1246, %get3A_1247] : memref<1x21x72x128xf32, #tpu.memory_space<vmem>>, vector<1x1x72x128xf32>
    %get3A_1249 = vector.shape_cast %get3A_1248 : vector<1x1x72x128xf32> to vector<72x128xf32>
    %get3A_1250 = arith.constant 0 : index
    %get3A_1251 = arith.constant 5 : index
    %get3A_1252 = arith.constant 0 : index
    %get3A_1253 = arith.constant 0 : index
    %get3A_1254 = vector.load %arg2[%get3A_1250, %get3A_1251, %get3A_1252, %get3A_1253] : memref<1x21x72x128xf32, #tpu.memory_space<vmem>>, vector<1x1x72x128xf32>
    %get3A_1255 = vector.shape_cast %get3A_1254 : vector<1x1x72x128xf32> to vector<72x128xf32>
    %get3A_1256 = arith.constant 0 : index
    %get3A_1257 = arith.constant 6 : index
    %get3A_1258 = arith.constant 0 : index
    %get3A_1259 = arith.constant 0 : index
    %get3A_1260 = vector.load %arg2[%get3A_1256, %get3A_1257, %get3A_1258, %get3A_1259] : memref<1x21x72x128xf32, #tpu.memory_space<vmem>>, vector<1x1x72x128xf32>
    %get3A_1261 = vector.shape_cast %get3A_1260 : vector<1x1x72x128xf32> to vector<72x128xf32>
    %get3A_1262 = arith.constant 0 : index
    %get3A_1263 = arith.constant 7 : index
    %get3A_1264 = arith.constant 0 : index
    %get3A_1265 = arith.constant 0 : index
    %get3A_1266 = vector.load %arg2[%get3A_1262, %get3A_1263, %get3A_1264, %get3A_1265] : memref<1x21x72x128xf32, #tpu.memory_space<vmem>>, vector<1x1x72x128xf32>
    %get3A_1267 = vector.shape_cast %get3A_1266 : vector<1x1x72x128xf32> to vector<72x128xf32>
    %get3A_1268 = arith.constant 0 : index
    %get3A_1269 = arith.constant 8 : index
    %get3A_1270 = arith.constant 0 : index
    %get3A_1271 = arith.constant 0 : index
    %get3A_1272 = vector.load %arg2[%get3A_1268, %get3A_1269, %get3A_1270, %get3A_1271] : memref<1x21x72x128xf32, #tpu.memory_space<vmem>>, vector<1x1x72x128xf32>
    %get3A_1273 = vector.shape_cast %get3A_1272 : vector<1x1x72x128xf32> to vector<72x128xf32>
    %get3A_1274 = arith.constant 0 : index
    %get3A_1275 = arith.constant 9 : index
    %get3A_1276 = arith.constant 0 : index
    %get3A_1277 = arith.constant 0 : index
    %get3A_1278 = vector.load %arg2[%get3A_1274, %get3A_1275, %get3A_1276, %get3A_1277] : memref<1x21x72x128xf32, #tpu.memory_space<vmem>>, vector<1x1x72x128xf32>
    %get3A_1279 = vector.shape_cast %get3A_1278 : vector<1x1x72x128xf32> to vector<72x128xf32>
    %get3A_1280 = arith.constant 0 : index
    %get3A_1281 = arith.constant 10 : index
    %get3A_1282 = arith.constant 0 : index
    %get3A_1283 = arith.constant 0 : index
    %get3A_1284 = vector.load %arg2[%get3A_1280, %get3A_1281, %get3A_1282, %get3A_1283] : memref<1x21x72x128xf32, #tpu.memory_space<vmem>>, vector<1x1x72x128xf32>
    %get3A_1285 = vector.shape_cast %get3A_1284 : vector<1x1x72x128xf32> to vector<72x128xf32>
    %get3A_1286 = arith.constant 0 : index
    %get3A_1287 = arith.constant 11 : index
    %get3A_1288 = arith.constant 0 : index
    %get3A_1289 = arith.constant 0 : index
    %get3A_1290 = vector.load %arg2[%get3A_1286, %get3A_1287, %get3A_1288, %get3A_1289] : memref<1x21x72x128xf32, #tpu.memory_space<vmem>>, vector<1x1x72x128xf32>
    %get3A_1291 = vector.shape_cast %get3A_1290 : vector<1x1x72x128xf32> to vector<72x128xf32>
    %get3A_1292 = arith.constant 0 : index
    %get3A_1293 = arith.constant 12 : index
    %get3A_1294 = arith.constant 0 : index
    %get3A_1295 = arith.constant 0 : index
    %get3A_1296 = vector.load %arg2[%get3A_1292, %get3A_1293, %get3A_1294, %get3A_1295] : memref<1x21x72x128xf32, #tpu.memory_space<vmem>>, vector<1x1x72x128xf32>
    %get3A_1297 = vector.shape_cast %get3A_1296 : vector<1x1x72x128xf32> to vector<72x128xf32>
    %get3A_1298 = arith.constant 0 : index
    %get3A_1299 = arith.constant 13 : index
    %get3A_1300 = arith.constant 0 : index
    %get3A_1301 = arith.constant 0 : index
    %get3A_1302 = vector.load %arg2[%get3A_1298, %get3A_1299, %get3A_1300, %get3A_1301] : memref<1x21x72x128xf32, #tpu.memory_space<vmem>>, vector<1x1x72x128xf32>
    %get3A_1303 = vector.shape_cast %get3A_1302 : vector<1x1x72x128xf32> to vector<72x128xf32>
    %get3A_1304 = arith.constant 0 : index
    %get3A_1305 = arith.constant 14 : index
    %get3A_1306 = arith.constant 0 : index
    %get3A_1307 = arith.constant 0 : index
    %get3A_1308 = vector.load %arg2[%get3A_1304, %get3A_1305, %get3A_1306, %get3A_1307] : memref<1x21x72x128xf32, #tpu.memory_space<vmem>>, vector<1x1x72x128xf32>
    %get3A_1309 = vector.shape_cast %get3A_1308 : vector<1x1x72x128xf32> to vector<72x128xf32>
    %get3A_1310 = arith.constant 0 : index
    %get3A_1311 = arith.constant 15 : index
    %get3A_1312 = arith.constant 0 : index
    %get3A_1313 = arith.constant 0 : index
    %get3A_1314 = vector.load %arg2[%get3A_1310, %get3A_1311, %get3A_1312, %get3A_1313] : memref<1x21x72x128xf32, #tpu.memory_space<vmem>>, vector<1x1x72x128xf32>
    %get3A_1315 = vector.shape_cast %get3A_1314 : vector<1x1x72x128xf32> to vector<72x128xf32>
    %get3A_1316 = arith.constant 0 : index
    %get3A_1317 = arith.constant 16 : index
    %get3A_1318 = arith.constant 0 : index
    %get3A_1319 = arith.constant 0 : index
    %get3A_1320 = vector.load %arg2[%get3A_1316, %get3A_1317, %get3A_1318, %get3A_1319] : memref<1x21x72x128xf32, #tpu.memory_space<vmem>>, vector<1x1x72x128xf32>
    %get3A_1321 = vector.shape_cast %get3A_1320 : vector<1x1x72x128xf32> to vector<72x128xf32>
    %get3A_1322 = arith.constant 0 : index
    %get3A_1323 = arith.constant 17 : index
    %get3A_1324 = arith.constant 0 : index
    %get3A_1325 = arith.constant 0 : index
    %get3A_1326 = vector.load %arg2[%get3A_1322, %get3A_1323, %get3A_1324, %get3A_1325] : memref<1x21x72x128xf32, #tpu.memory_space<vmem>>, vector<1x1x72x128xf32>
    %get3A_1327 = vector.shape_cast %get3A_1326 : vector<1x1x72x128xf32> to vector<72x128xf32>
    %get3A_1328 = arith.constant 0 : index
    %get3A_1329 = arith.constant 18 : index
    %get3A_1330 = arith.constant 0 : index
    %get3A_1331 = arith.constant 0 : index
    %get3A_1332 = vector.load %arg2[%get3A_1328, %get3A_1329, %get3A_1330, %get3A_1331] : memref<1x21x72x128xf32, #tpu.memory_space<vmem>>, vector<1x1x72x128xf32>
    %get3A_1333 = vector.shape_cast %get3A_1332 : vector<1x1x72x128xf32> to vector<72x128xf32>
    %get3A_1334 = arith.constant 0 : index
    %get3A_1335 = arith.constant 19 : index
    %get3A_1336 = arith.constant 0 : index
    %get3A_1337 = arith.constant 0 : index
    %get3A_1338 = vector.load %arg2[%get3A_1334, %get3A_1335, %get3A_1336, %get3A_1337] : memref<1x21x72x128xf32, #tpu.memory_space<vmem>>, vector<1x1x72x128xf32>
    %get3A_1339 = vector.shape_cast %get3A_1338 : vector<1x1x72x128xf32> to vector<72x128xf32>
    %get3A_1340 = arith.constant 0 : index
    %get3A_1341 = arith.constant 20 : index
    %get3A_1342 = arith.constant 0 : index
    %get3A_1343 = arith.constant 0 : index
    %get3A_1344 = vector.load %arg2[%get3A_1340, %get3A_1341, %get3A_1342, %get3A_1343] : memref<1x21x72x128xf32, #tpu.memory_space<vmem>>, vector<1x1x72x128xf32>
    %get3A_1345 = vector.shape_cast %get3A_1344 : vector<1x1x72x128xf32> to vector<72x128xf32>
    %max3A_1346 = arith.maximumf %get3A_1225, %get3A_1231 : vector<72x128xf32>
    %max3A_1347 = arith.maximumf %max3A_1346, %get3A_1237 : vector<72x128xf32>
    %max3A_1348 = arith.maximumf %max3A_1347, %get3A_1243 : vector<72x128xf32>
    %max3A_1349 = arith.maximumf %max3A_1348, %get3A_1249 : vector<72x128xf32>
    %max3A_1350 = arith.maximumf %max3A_1349, %get3A_1255 : vector<72x128xf32>
    %max3A_1351 = arith.maximumf %max3A_1350, %get3A_1261 : vector<72x128xf32>
    %max3A_1352 = arith.maximumf %max3A_1351, %get3A_1267 : vector<72x128xf32>
    %max3A_1353 = arith.maximumf %max3A_1352, %get3A_1273 : vector<72x128xf32>
    %max3A_1354 = arith.maximumf %max3A_1353, %get3A_1279 : vector<72x128xf32>
    %max3A_1355 = arith.maximumf %max3A_1354, %get3A_1285 : vector<72x128xf32>
    %max3A_1356 = arith.maximumf %max3A_1355, %get3A_1291 : vector<72x128xf32>
    %max3A_1357 = arith.maximumf %max3A_1356, %get3A_1297 : vector<72x128xf32>
    %max3A_1358 = arith.maximumf %max3A_1357, %get3A_1303 : vector<72x128xf32>
    %max3A_1359 = arith.maximumf %max3A_1358, %get3A_1309 : vector<72x128xf32>
    %max3A_1360 = arith.maximumf %max3A_1359, %get3A_1315 : vector<72x128xf32>
    %max3A_1361 = arith.maximumf %max3A_1360, %get3A_1321 : vector<72x128xf32>
    %max3A_1362 = arith.maximumf %max3A_1361, %get3A_1327 : vector<72x128xf32>
    %max3A_1363 = arith.maximumf %max3A_1362, %get3A_1333 : vector<72x128xf32>
    %max3A_1364 = arith.maximumf %max3A_1363, %get3A_1339 : vector<72x128xf32>
    %max3A_1365 = arith.maximumf %max3A_1364, %get3A_1345 : vector<72x128xf32>
    %broadcast_in_dim3A_1366 = arith.constant 0.000000e+00 : f32
    %broadcast_in_dim3A_1367 = vector.broadcast %broadcast_in_dim3A_1366 : f32 to vector<72x128xf32>
    %sub3A_1368 = arith.subf %get3A_1225, %max3A_1365 : vector<72x128xf32>
    %exp3A = math.exp %sub3A_1368 : vector<72x128xf32>
    %add3A_1369 = arith.addf %broadcast_in_dim3A_1367, %exp3A : vector<72x128xf32>
    %sub3A_1370 = arith.subf %get3A_1231, %max3A_1365 : vector<72x128xf32>
    %exp3A_1371 = math.exp %sub3A_1370 : vector<72x128xf32>
    %add3A_1372 = arith.addf %add3A_1369, %exp3A_1371 : vector<72x128xf32>
    %sub3A_1373 = arith.subf %get3A_1237, %max3A_1365 : vector<72x128xf32>
    %exp3A_1374 = math.exp %sub3A_1373 : vector<72x128xf32>
    %add3A_1375 = arith.addf %add3A_1372, %exp3A_1374 : vector<72x128xf32>
    %sub3A_1376 = arith.subf %get3A_1243, %max3A_1365 : vector<72x128xf32>
    %exp3A_1377 = math.exp %sub3A_1376 : vector<72x128xf32>
    %add3A_1378 = arith.addf %add3A_1375, %exp3A_1377 : vector<72x128xf32>
    %sub3A_1379 = arith.subf %get3A_1249, %max3A_1365 : vector<72x128xf32>
    %exp3A_1380 = math.exp %sub3A_1379 : vector<72x128xf32>
    %add3A_1381 = arith.addf %add3A_1378, %exp3A_1380 : vector<72x128xf32>
    %sub3A_1382 = arith.subf %get3A_1255, %max3A_1365 : vector<72x128xf32>
    %exp3A_1383 = math.exp %sub3A_1382 : vector<72x128xf32>
    %add3A_1384 = arith.addf %add3A_1381, %exp3A_1383 : vector<72x128xf32>
    %sub3A_1385 = arith.subf %get3A_1261, %max3A_1365 : vector<72x128xf32>
    %exp3A_1386 = math.exp %sub3A_1385 : vector<72x128xf32>
    %add3A_1387 = arith.addf %add3A_1384, %exp3A_1386 : vector<72x128xf32>
    %sub3A_1388 = arith.subf %get3A_1267, %max3A_1365 : vector<72x128xf32>
    %exp3A_1389 = math.exp %sub3A_1388 : vector<72x128xf32>
    %add3A_1390 = arith.addf %add3A_1387, %exp3A_1389 : vector<72x128xf32>
    %sub3A_1391 = arith.subf %get3A_1273, %max3A_1365 : vector<72x128xf32>
    %exp3A_1392 = math.exp %sub3A_1391 : vector<72x128xf32>
    %add3A_1393 = arith.addf %add3A_1390, %exp3A_1392 : vector<72x128xf32>
    %sub3A_1394 = arith.subf %get3A_1279, %max3A_1365 : vector<72x128xf32>
    %exp3A_1395 = math.exp %sub3A_1394 : vector<72x128xf32>
    %add3A_1396 = arith.addf %add3A_1393, %exp3A_1395 : vector<72x128xf32>
    %sub3A_1397 = arith.subf %get3A_1285, %max3A_1365 : vector<72x128xf32>
    %exp3A_1398 = math.exp %sub3A_1397 : vector<72x128xf32>
    %add3A_1399 = arith.addf %add3A_1396, %exp3A_1398 : vector<72x128xf32>
    %sub3A_1400 = arith.subf %get3A_1291, %max3A_1365 : vector<72x128xf32>
    %exp3A_1401 = math.exp %sub3A_1400 : vector<72x128xf32>
    %add3A_1402 = arith.addf %add3A_1399, %exp3A_1401 : vector<72x128xf32>
    %sub3A_1403 = arith.subf %get3A_1297, %max3A_1365 : vector<72x128xf32>
    %exp3A_1404 = math.exp %sub3A_1403 : vector<72x128xf32>
    %add3A_1405 = arith.addf %add3A_1402, %exp3A_1404 : vector<72x128xf32>
    %sub3A_1406 = arith.subf %get3A_1303, %max3A_1365 : vector<72x128xf32>
    %exp3A_1407 = math.exp %sub3A_1406 : vector<72x128xf32>
    %add3A_1408 = arith.addf %add3A_1405, %exp3A_1407 : vector<72x128xf32>
    %sub3A_1409 = arith.subf %get3A_1309, %max3A_1365 : vector<72x128xf32>
    %exp3A_1410 = math.exp %sub3A_1409 : vector<72x128xf32>
    %add3A_1411 = arith.addf %add3A_1408, %exp3A_1410 : vector<72x128xf32>
    %sub3A_1412 = arith.subf %get3A_1315, %max3A_1365 : vector<72x128xf32>
    %exp3A_1413 = math.exp %sub3A_1412 : vector<72x128xf32>
    %add3A_1414 = arith.addf %add3A_1411, %exp3A_1413 : vector<72x128xf32>
    %sub3A_1415 = arith.subf %get3A_1321, %max3A_1365 : vector<72x128xf32>
    %exp3A_1416 = math.exp %sub3A_1415 : vector<72x128xf32>
    %add3A_1417 = arith.addf %add3A_1414, %exp3A_1416 : vector<72x128xf32>
    %sub3A_1418 = arith.subf %get3A_1327, %max3A_1365 : vector<72x128xf32>
    %exp3A_1419 = math.exp %sub3A_1418 : vector<72x128xf32>
    %add3A_1420 = arith.addf %add3A_1417, %exp3A_1419 : vector<72x128xf32>
    %sub3A_1421 = arith.subf %get3A_1333, %max3A_1365 : vector<72x128xf32>
    %exp3A_1422 = math.exp %sub3A_1421 : vector<72x128xf32>
    %add3A_1423 = arith.addf %add3A_1420, %exp3A_1422 : vector<72x128xf32>
    %sub3A_1424 = arith.subf %get3A_1339, %max3A_1365 : vector<72x128xf32>
    %exp3A_1425 = math.exp %sub3A_1424 : vector<72x128xf32>
    %add3A_1426 = arith.addf %add3A_1423, %exp3A_1425 : vector<72x128xf32>
    %sub3A_1427 = arith.subf %get3A_1345, %max3A_1365 : vector<72x128xf32>
    %exp3A_1428 = math.exp %sub3A_1427 : vector<72x128xf32>
    %add3A_1429 = arith.addf %add3A_1426, %exp3A_1428 : vector<72x128xf32>
    %log3A_1430 = math.log %add3A_1429 : vector<72x128xf32>
    %add3A_1431 = arith.addf %log3A_1430, %max3A_1365 : vector<72x128xf32>
    %eq3A_1432 = arith.constant 1 : i32
    %eq3A_1433 = vector.broadcast %eq3A_1432 : i32 to vector<72x128xi32>
    %eq3A_1434 = arith.cmpi eq, %select_n3A_1093, %eq3A_1433 : vector<72x128xi32>
    %select_n3A_1435 = arith.select %eq3A_1434, %get3A_1231, %get3A_1225 : vector<72x128xi1>, vector<72x128xf32>
    %eq3A_1436 = arith.constant 2 : i32
    %eq3A_1437 = vector.broadcast %eq3A_1436 : i32 to vector<72x128xi32>
    %eq3A_1438 = arith.cmpi eq, %select_n3A_1093, %eq3A_1437 : vector<72x128xi32>
    %select_n3A_1439 = arith.select %eq3A_1438, %get3A_1237, %select_n3A_1435 : vector<72x128xi1>, vector<72x128xf32>
    %eq3A_1440 = arith.constant 3 : i32
    %eq3A_1441 = vector.broadcast %eq3A_1440 : i32 to vector<72x128xi32>
    %eq3A_1442 = arith.cmpi eq, %select_n3A_1093, %eq3A_1441 : vector<72x128xi32>
    %select_n3A_1443 = arith.select %eq3A_1442, %get3A_1243, %select_n3A_1439 : vector<72x128xi1>, vector<72x128xf32>
    %eq3A_1444 = arith.constant 4 : i32
    %eq3A_1445 = vector.broadcast %eq3A_1444 : i32 to vector<72x128xi32>
    %eq3A_1446 = arith.cmpi eq, %select_n3A_1093, %eq3A_1445 : vector<72x128xi32>
    %select_n3A_1447 = arith.select %eq3A_1446, %get3A_1249, %select_n3A_1443 : vector<72x128xi1>, vector<72x128xf32>
    %eq3A_1448 = arith.constant 5 : i32
    %eq3A_1449 = vector.broadcast %eq3A_1448 : i32 to vector<72x128xi32>
    %eq3A_1450 = arith.cmpi eq, %select_n3A_1093, %eq3A_1449 : vector<72x128xi32>
    %select_n3A_1451 = arith.select %eq3A_1450, %get3A_1255, %select_n3A_1447 : vector<72x128xi1>, vector<72x128xf32>
    %eq3A_1452 = arith.constant 6 : i32
    %eq3A_1453 = vector.broadcast %eq3A_1452 : i32 to vector<72x128xi32>
    %eq3A_1454 = arith.cmpi eq, %select_n3A_1093, %eq3A_1453 : vector<72x128xi32>
    %select_n3A_1455 = arith.select %eq3A_1454, %get3A_1261, %select_n3A_1451 : vector<72x128xi1>, vector<72x128xf32>
    %eq3A_1456 = arith.constant 7 : i32
    %eq3A_1457 = vector.broadcast %eq3A_1456 : i32 to vector<72x128xi32>
    %eq3A_1458 = arith.cmpi eq, %select_n3A_1093, %eq3A_1457 : vector<72x128xi32>
    %select_n3A_1459 = arith.select %eq3A_1458, %get3A_1267, %select_n3A_1455 : vector<72x128xi1>, vector<72x128xf32>
    %eq3A_1460 = arith.constant 8 : i32
    %eq3A_1461 = vector.broadcast %eq3A_1460 : i32 to vector<72x128xi32>
    %eq3A_1462 = arith.cmpi eq, %select_n3A_1093, %eq3A_1461 : vector<72x128xi32>
    %select_n3A_1463 = arith.select %eq3A_1462, %get3A_1273, %select_n3A_1459 : vector<72x128xi1>, vector<72x128xf32>
    %eq3A_1464 = arith.constant 9 : i32
    %eq3A_1465 = vector.broadcast %eq3A_1464 : i32 to vector<72x128xi32>
    %eq3A_1466 = arith.cmpi eq, %select_n3A_1093, %eq3A_1465 : vector<72x128xi32>
    %select_n3A_1467 = arith.select %eq3A_1466, %get3A_1279, %select_n3A_1463 : vector<72x128xi1>, vector<72x128xf32>
    %eq3A_1468 = arith.constant 10 : i32
    %eq3A_1469 = vector.broadcast %eq3A_1468 : i32 to vector<72x128xi32>
    %eq3A_1470 = arith.cmpi eq, %select_n3A_1093, %eq3A_1469 : vector<72x128xi32>
    %select_n3A_1471 = arith.select %eq3A_1470, %get3A_1285, %select_n3A_1467 : vector<72x128xi1>, vector<72x128xf32>
    %eq3A_1472 = arith.constant 11 : i32
    %eq3A_1473 = vector.broadcast %eq3A_1472 : i32 to vector<72x128xi32>
    %eq3A_1474 = arith.cmpi eq, %select_n3A_1093, %eq3A_1473 : vector<72x128xi32>
    %select_n3A_1475 = arith.select %eq3A_1474, %get3A_1291, %select_n3A_1471 : vector<72x128xi1>, vector<72x128xf32>
    %eq3A_1476 = arith.constant 12 : i32
    %eq3A_1477 = vector.broadcast %eq3A_1476 : i32 to vector<72x128xi32>
    %eq3A_1478 = arith.cmpi eq, %select_n3A_1093, %eq3A_1477 : vector<72x128xi32>
    %select_n3A_1479 = arith.select %eq3A_1478, %get3A_1297, %select_n3A_1475 : vector<72x128xi1>, vector<72x128xf32>
    %eq3A_1480 = arith.constant 13 : i32
    %eq3A_1481 = vector.broadcast %eq3A_1480 : i32 to vector<72x128xi32>
    %eq3A_1482 = arith.cmpi eq, %select_n3A_1093, %eq3A_1481 : vector<72x128xi32>
    %select_n3A_1483 = arith.select %eq3A_1482, %get3A_1303, %select_n3A_1479 : vector<72x128xi1>, vector<72x128xf32>
    %eq3A_1484 = arith.constant 14 : i32
    %eq3A_1485 = vector.broadcast %eq3A_1484 : i32 to vector<72x128xi32>
    %eq3A_1486 = arith.cmpi eq, %select_n3A_1093, %eq3A_1485 : vector<72x128xi32>
    %select_n3A_1487 = arith.select %eq3A_1486, %get3A_1309, %select_n3A_1483 : vector<72x128xi1>, vector<72x128xf32>
    %eq3A_1488 = arith.constant 15 : i32
    %eq3A_1489 = vector.broadcast %eq3A_1488 : i32 to vector<72x128xi32>
    %eq3A_1490 = arith.cmpi eq, %select_n3A_1093, %eq3A_1489 : vector<72x128xi32>
    %select_n3A_1491 = arith.select %eq3A_1490, %get3A_1315, %select_n3A_1487 : vector<72x128xi1>, vector<72x128xf32>
    %eq3A_1492 = arith.constant 16 : i32
    %eq3A_1493 = vector.broadcast %eq3A_1492 : i32 to vector<72x128xi32>
    %eq3A_1494 = arith.cmpi eq, %select_n3A_1093, %eq3A_1493 : vector<72x128xi32>
    %select_n3A_1495 = arith.select %eq3A_1494, %get3A_1321, %select_n3A_1491 : vector<72x128xi1>, vector<72x128xf32>
    %eq3A_1496 = arith.constant 17 : i32
    %eq3A_1497 = vector.broadcast %eq3A_1496 : i32 to vector<72x128xi32>
    %eq3A_1498 = arith.cmpi eq, %select_n3A_1093, %eq3A_1497 : vector<72x128xi32>
    %select_n3A_1499 = arith.select %eq3A_1498, %get3A_1327, %select_n3A_1495 : vector<72x128xi1>, vector<72x128xf32>
    %eq3A_1500 = arith.constant 18 : i32
    %eq3A_1501 = vector.broadcast %eq3A_1500 : i32 to vector<72x128xi32>
    %eq3A_1502 = arith.cmpi eq, %select_n3A_1093, %eq3A_1501 : vector<72x128xi32>
    %select_n3A_1503 = arith.select %eq3A_1502, %get3A_1333, %select_n3A_1499 : vector<72x128xi1>, vector<72x128xf32>
    %eq3A_1504 = arith.constant 19 : i32
    %eq3A_1505 = vector.broadcast %eq3A_1504 : i32 to vector<72x128xi32>
    %eq3A_1506 = arith.cmpi eq, %select_n3A_1093, %eq3A_1505 : vector<72x128xi32>
    %select_n3A_1507 = arith.select %eq3A_1506, %get3A_1339, %select_n3A_1503 : vector<72x128xi1>, vector<72x128xf32>
    %eq3A_1508 = arith.constant 20 : i32
    %eq3A_1509 = vector.broadcast %eq3A_1508 : i32 to vector<72x128xi32>
    %eq3A_1510 = arith.cmpi eq, %select_n3A_1093, %eq3A_1509 : vector<72x128xi32>
    %select_n3A_1511 = arith.select %eq3A_1510, %get3A_1345, %select_n3A_1507 : vector<72x128xi1>, vector<72x128xf32>
    %sub3A_1512 = arith.subf %add3A_1431, %select_n3A_1511 : vector<72x128xf32>
    %mul3A_1513 = arith.mulf %sub3A_1512, %convert_element_type3A_1098 : vector<72x128xf32>
    %reduce_sum3A_1514 = vector.shape_cast %mul3A_1513 : vector<72x128xf32> to vector<1x72x128xf32>
    %reduce_sum3A_1515 = arith.constant dense<0.000000e+00> : vector<1xf32>
    %reduce_sum3A_1516 = vector.multi_reduction <add>, %reduce_sum3A_1514, %reduce_sum3A_1515 [1, 2] : vector<1x72x128xf32> to vector<1xf32>
    %reduce_sum3A_1517 = vector.shape_cast %reduce_sum3A_1516 : vector<1xf32> to vector<1x1x1xf32>
    %reduce_sum3A_1518 = vector.extract %reduce_sum3A_1517[0, 0, 0] : f32 from vector<1x1x1xf32>
    %jit3A_1519 = arith.constant 0.000000e+00 : f32
    %broadcast_in_dim3A_1520 = vector.broadcast %jit3A_1519 : f32 to vector<72x128xf32>
    %select_n3A_1521 = arith.select %gt3A_1096, %broadcast_in_dim3A_1520, %sub3A_1512 : vector<72x128xi1>, vector<72x128xf32>
    %jit3A_1522 = arith.constant 0xFF800000 : f32
    %broadcast_in_dim3A_1523 = vector.broadcast %jit3A_1522 : f32 to vector<72x128xf32>
    %select_n3A_1524 = arith.select %lt3A_4, %select_n3A_1521, %broadcast_in_dim3A_1523 : vector<72x128xi1>, vector<72x128xf32>
    %mul3A_1525 = arith.constant 3 : i32
    %mul3A_1526 = arith.muli %mul3A_1525, %reduce_sum3A_1106 : i32
    %min3A_1527 = arith.constant 8731 : i32
    %min3A_1528 = arith.minsi %mul3A_1526, %min3A_1527 : i32
    %bitcast_convert_type3A = tpu.bitcast %select_n3A_1524 : vector<72x128xf32> -> vector<72x128xi32>
    %ge3A_1529 = arith.constant 0 : i32
    %ge3A_1530 = vector.broadcast %ge3A_1529 : i32 to vector<72x128xi32>
    %ge3A_1531 = arith.cmpi sge, %bitcast_convert_type3A, %ge3A_1530 : vector<72x128xi32>
    %xor3A = arith.constant 2147483647 : i32
    %xor3A_1532 = vector.broadcast %xor3A : i32 to vector<72x128xi32>
    %xor3A_1533 = arith.xori %bitcast_convert_type3A, %xor3A_1532 : vector<72x128xi32>
    %select_n3A_1534 = arith.select %ge3A_1531, %bitcast_convert_type3A, %xor3A_1533 : vector<72x128xi1>, vector<72x128xi32>
    %swap3A = arith.constant 0 : index
    %swap3A_1535 = arith.constant 0 : index
    %swap3A_1536 = arith.constant 0 : index
    %swap3A_1537 = vector.load %arg8[%swap3A, %swap3A_1535, %swap3A_1536] : memref<1x72x128xi32, #tpu.memory_space<vmem>>, vector<1x72x128xi32>
    %swap3A_1538 = vector.shape_cast %swap3A_1537 : vector<1x72x128xi32> to vector<72x128xi32>
    %swap3A_1539 = vector.shape_cast %select_n3A_1534 : vector<72x128xi32> to vector<1x72x128xi32>
    tpu.vector_store %arg8[%swap3A, %swap3A_1535, %swap3A_1536], %swap3A_1539 {strides = array<i32>} : memref<1x72x128xi32, #tpu.memory_space<vmem>>, vector<1x72x128xi32>,
    %broadcast_in_dim3A_1540 = vector.broadcast %min3A_1528 : i32 to vector<128xi32>
    %swap3A_1541 = arith.constant 0 : index
    %swap3A_1542 = arith.constant 0 : index
    %swap3A_1543 = arith.constant 0 : index
    %swap3A_1544 = vector.load %arg9[%swap3A_1541, %swap3A_1542, %swap3A_1543] : memref<1x1x128xi32, #tpu.memory_space<vmem>>, vector<1x1x128xi32>
    %swap3A_1545 = vector.shape_cast %swap3A_1544 : vector<1x1x128xi32> to vector<128xi32>
    %swap3A_1546 = vector.shape_cast %broadcast_in_dim3A_1540 : vector<128xi32> to vector<1x1x128xi32>
    tpu.vector_store %arg9[%swap3A_1541, %swap3A_1542, %swap3A_1543], %swap3A_1546 {strides = array<i32>} : memref<1x1x128xi32, #tpu.memory_space<vmem>>, vector<1x1x128xi32>,
    %eq3A_1547 = arith.constant 0 : i32
    %eq3A_1548 = arith.cmpi eq, %arg0, %eq3A_1547 : i32
    %convert_element_type3A_1549 = arith.extui %eq3A_1548 : i1 to i32
    %cond3A = arith.constant 0 : i32
    %cond3A_1550 = arith.cmpi ne, %convert_element_type3A_1549, %cond3A : i32
    scf.if %cond3A_1550 {
      %swap3A_1573 = arith.constant 0.000000e+00 : f32
      %swap3A_1574 = arith.constant 0 : index
      %swap3A_1575 = arith.constant 0 : index
      %swap3A_1576 = memref.load %arg5[%swap3A_1574, %swap3A_1575] : memref<1x1xf32, #tpu.memory_space<smem>>
      memref.store %swap3A_1573, %arg5[%swap3A_1574, %swap3A_1575] : memref<1x1xf32, #tpu.memory_space<smem>>
      %swap3A_1577 = arith.constant 0.000000e+00 : f32
      %swap3A_1578 = arith.constant 0 : index
      %swap3A_1579 = arith.constant 0 : index
      %swap3A_1580 = memref.load %arg6[%swap3A_1578, %swap3A_1579] : memref<1x1xf32, #tpu.memory_space<smem>>
      memref.store %swap3A_1577, %arg6[%swap3A_1578, %swap3A_1579] : memref<1x1xf32, #tpu.memory_space<smem>>
      %swap3A_1581 = arith.constant 0.000000e+00 : f32
      %swap3A_1582 = arith.constant 0 : index
      %swap3A_1583 = arith.constant 0 : index
      %swap3A_1584 = memref.load %arg7[%swap3A_1582, %swap3A_1583] : memref<1x1xf32, #tpu.memory_space<smem>>
      memref.store %swap3A_1581, %arg7[%swap3A_1582, %swap3A_1583] : memref<1x1xf32, #tpu.memory_space<smem>>
    } else {
    }
    %get3A_1551 = arith.constant 0 : index
    %get3A_1552 = arith.constant 0 : index
    %get3A_1553 = memref.load %arg5[%get3A_1551, %get3A_1552] : memref<1x1xf32, #tpu.memory_space<smem>>
    %add3A_1554 = arith.addf %get3A_1553, %reduce_sum3A_1219 : f32
    %swap3A_1555 = arith.constant 0 : index
    %swap3A_1556 = arith.constant 0 : index
    %swap3A_1557 = memref.load %arg5[%swap3A_1555, %swap3A_1556] : memref<1x1xf32, #tpu.memory_space<smem>>
    memref.store %add3A_1554, %arg5[%swap3A_1555, %swap3A_1556] : memref<1x1xf32, #tpu.memory_space<smem>>
    %get3A_1558 = arith.constant 0 : index
    %get3A_1559 = arith.constant 0 : index
    %get3A_1560 = memref.load %arg6[%get3A_1558, %get3A_1559] : memref<1x1xf32, #tpu.memory_space<smem>>
    %add3A_1561 = arith.addf %get3A_1560, %reduce_sum3A_1518 : f32
    %swap3A_1562 = arith.constant 0 : index
    %swap3A_1563 = arith.constant 0 : index
    %swap3A_1564 = memref.load %arg6[%swap3A_1562, %swap3A_1563] : memref<1x1xf32, #tpu.memory_space<smem>>
    memref.store %add3A_1561, %arg6[%swap3A_1562, %swap3A_1563] : memref<1x1xf32, #tpu.memory_space<smem>>
    %get3A_1565 = arith.constant 0 : index
    %get3A_1566 = arith.constant 0 : index
    %get3A_1567 = memref.load %arg7[%get3A_1565, %get3A_1566] : memref<1x1xf32, #tpu.memory_space<smem>>
    %convert_element_type3A_1568 = arith.sitofp %reduce_sum3A_1106 : i32 to f32
    %add3A_1569 = arith.addf %get3A_1567, %convert_element_type3A_1568 : f32
    %swap3A_1570 = arith.constant 0 : index
    %swap3A_1571 = arith.constant 0 : index
    %swap3A_1572 = memref.load %arg7[%swap3A_1570, %swap3A_1571] : memref<1x1xf32, #tpu.memory_space<smem>>
    memref.store %add3A_1569, %arg7[%swap3A_1570, %swap3A_1571] : memref<1x1xf32, #tpu.memory_space<smem>>
    return
  }
  func.func @transform_0(%arg0: i32) -> (i32, i32, i32) {
    %c0_i32 = arith.constant 0 : i32
    %c0_i32_0 = arith.constant 0 : i32
    %c0_i32_1 = arith.constant 0 : i32
    return %arg0, %c0_i32, %c0_i32_0 : i32, i32, i32
  }
  func.func @transform_1(%arg0: i32) -> (i32, i32, i32, i32) {
    %c0_i32 = arith.constant 0 : i32
    %c0_i32_0 = arith.constant 0 : i32
    %c0_i32_1 = arith.constant 0 : i32
    %c0_i32_2 = arith.constant 0 : i32
    return %arg0, %c0_i32, %c0_i32_0, %c0_i32_1 : i32, i32, i32, i32
  }
  func.func @transform_2(%arg0: i32) -> (i32, i32, i32, i32) {
    %c0_i32 = arith.constant 0 : i32
    %c0_i32_0 = arith.constant 0 : i32
    %c0_i32_1 = arith.constant 0 : i32
    %c0_i32_2 = arith.constant 0 : i32
    return %arg0, %c0_i32, %c0_i32_0, %c0_i32_1 : i32, i32, i32, i32
  }
  func.func @transform_3(%arg0: i32) -> (i32, i32, i32) {
    %c0_i32 = arith.constant 0 : i32
    %c0_i32_0 = arith.constant 0 : i32
    %c0_i32_1 = arith.constant 0 : i32
    %c0_i32_2 = arith.constant 0 : i32
    return %c0_i32, %c0_i32_0, %c0_i32_1 : i32, i32, i32
  }
  func.func @transform_4(%arg0: i32) -> (i32, i32) {
    %c0_i32 = arith.constant 0 : i32
    %c0_i32_0 = arith.constant 0 : i32
    %c0_i32_1 = arith.constant 0 : i32
    return %c0_i32, %c0_i32_0 : i32, i32
  }
  func.func @transform_5(%arg0: i32) -> (i32, i32) {
    %c0_i32 = arith.constant 0 : i32
    %c0_i32_0 = arith.constant 0 : i32
    %c0_i32_1 = arith.constant 0 : i32
    return %c0_i32, %c0_i32_0 : i32, i32
  }
  func.func @transform_6(%arg0: i32) -> (i32, i32) {
    %c0_i32 = arith.constant 0 : i32
    %c0_i32_0 = arith.constant 0 : i32
    %c0_i32_1 = arith.constant 0 : i32
    return %c0_i32, %c0_i32_0 : i32, i32
  }
  func.func @transform_7(%arg0: i32) -> (i32, i32, i32) {
    %c0_i32 = arith.constant 0 : i32
    %c0_i32_0 = arith.constant 0 : i32
    %c0_i32_1 = arith.constant 0 : i32
    return %arg0, %c0_i32, %c0_i32_0 : i32, i32, i32
  }
  func.func @transform_8(%arg0: i32) -> (i32, i32, i32) {
    %c0_i32 = arith.constant 0 : i32
    %c0_i32_0 = arith.constant 0 : i32
    %c0_i32_1 = arith.constant 0 : i32
    return %arg0, %c0_i32, %c0_i32_0 : i32, i32, i32
  }
}

</mosaic_0001>

<sc_bundles>
// kernel: kernel.4.cloned.1.call-start
scs
__scs_entry_jumppad:
0x0: {  	(pc) =	sbr.rel $0x88, $3  }
0x1: {  	(tag) =	ssettag $0x0;
	lr =	simm.s32 $0x1  }
0x2: {  	[smem:$0x3F9D] =	sst lr;
	_ =	strace $0xD0000000  }
0x3: {  	_ = 	snop  }
0x4: {  	_ = 	snop  }
0x5: {  	_ = 	snop  }
0x6: {  	_ = 	snop  }
0x7: {  	_ = 	snop  }
__scs_overlays_trampoline_lowered:
0x8: {  	[smem:$0x3FAC] =	sst s0  }
0x9: {  	[smem:$0x3FAD] =	sst s1  }
0xa: {  	[smem:$0x3FAE] =	sst s2  }
0xb: {  	[smem:$0x3FAF] =	sst s3  }
0xc: {  	[smem:$0x3FB0] =	sst s4  }
0xd: {  	[smem:$0x3FB1] =	sst s5  }
0xe: {  	[smem:$0x3FB2] =	sst s6  }
0xf: {  	[smem:$0x3FB3] =	sst s7  }
0x10: {  	[smem:$0x3FB4] =	sst s8  }
0x11: {  	[smem:$0x3FB5] =	sst s9;
	s0 =	simm.s32 @!p0 $0x0  }
0x12: {  	s1 =	sld [smem:$0x3F9B];
	s0 =	simm.s32 @p0 $0x1  }
0x13: {  	[smem:$0x3FB6] =	sst s0;
	s0 =	simm.s32 @!p1 $0x0  }
0x14: {  	s2 =	sld [smem:$0x3F9A];
	s0 =	simm.s32 @p1 $0x1  }
0x15: {  	[smem:$0x3FB7] =	sst s0;
	s0 =	simm.s32 @!p2 $0x0  }
0x16: {  	s3 =	sld [smem:$0x3FDB];
	s0 =	simm.s32 @p2 $0x1  }
0x17: {  	s4 =	simm.s32 $0x1BF5;
	[smem:$0x3FB9] =	sst s0  }
0x18: {  	s0 =	sld [smem:$0x3F9C];
	_ =	swait.ge [sflag:s4], $0x0  }
0x19: {  	s7 =	sld [smem:$0x3F9D]  }
0x1a: {  	s8 =	sadd.s32 $0xFFFFE003, lr  }
0x1b: {  	s9 =	sadd.s32 $0xFFFFFEF7, lr;
	s5 =	simm.s32 $0xFFFFFFFF;
	p2 =	slt.u32 s8, $0xFFFFF086  }
0x1c: {  	p1 =	slt.u32 s9, $0xF7A;
	s5 =	simm.s32 @!p2 $0x0  }
0x1d: {  	s5 =	simm.s32 @p1 $0x1;
	p0 =	seq.s32 s7, s2  }
0x1e: {  	s7 =	smul.u32 @!p0 $0xF7A, s2;
	p2 =	seq.s32 @!p0 s5, $0x0  }
0x1f: {  	s9 =	smul.u32 $0xF7A, s1;
	s8 =	simm.s32 @!p0 $0x1BF5;
	p2 =	por !p2, p0  }
0x20: {  	[sflag:s8] =	ssyncset.s32 @!p0 $0xFFFFF086;
	s6 =	sadd.s32 @!p0 s3, s7;
	s7 =	simm.s32 @!p0 $0x108  }
0x21: {  	s3 =	sadd.s32 s3, s9;
	s6 =	sadd.s32 @!p0 $0x88, s6;
	s7 =	simm.s32 @p2 $0x1082  }
0x22: {  	[simem:s7], [sflag:s8] =	dma.local @!p0 [hbm:s6], $0xF7A  }
0x23: {  	s9 =	sor.u32 $0xD0000000, s2;
	s6 =	simm.s32 $0x108;
	_ =	swait.ge @!p0 [sflag:s8], $0x0  }
0x24: {  	s3 =	sadd.s32 $0x88, s3;
	s6 =	simm.s32 @!p1 $0x1082;
	[sflag:s4] =	ssyncset.s32 $0xFFFFF086  }
0x25: {  	[simem:s6], [sflag:s4] =	dma.local [hbm:s3], $0xF7A  }
0x26: {  	[smem:$0x3F9D] =	sst s1;
	(tag) =	ssettag s2;
	_ =	strace s9  }
0x27: {  	s1 =	sld [smem:$0x3FAD]  }
0x28: {  	s2 =	sld [smem:$0x3FAE]  }
0x29: {  	s4 =	sld [smem:$0x3FB0]  }
0x2a: {  	p0 =	seq.s32 s5, $0x0;
	s5 =	sld [smem:$0x3FB1]  }
0x2b: {  	s6 =	sld [smem:$0x3FB2]  }
0x2c: {  	s7 =	sld [smem:$0x3FB3]  }
0x2d: {  	s3 =	simm.s32 $0x108;
	s8 =	sld [smem:$0x3FB4]  }
0x2e: {  	s3 =	simm.s32 @!p0 $0x1082;
	s9 =	sld [smem:$0x3FB5]  }
0x2f: {  	lr =	sadd.s32 s0, s3;
	s0 =	sld [smem:$0x3FAC]  }
0x30: {  	s3 =	sld [smem:$0x3FAF]  }
0x31: {  	[smem:$0x3FB8] =	sst s10  }
0x32: {  	s10 =	sld [smem:$0x3FB6];
	_ =	sdelay $0x3  }
0x33: {  	p0 =	seq.s32 s10, $0x1;
	s10 =	sld [smem:$0x3FB8];
	_ =	sdelay $0x3  }
0x34: {  	[smem:$0x3FB8] =	sst s10  }
0x35: {  	s10 =	sld [smem:$0x3FB7];
	_ =	sdelay $0x3  }
0x36: {  	p1 =	seq.s32 s10, $0x1;
	s10 =	sld [smem:$0x3FB8];
	_ =	sdelay $0x3  }
0x37: {  	[smem:$0x3FB8] =	sst s10  }
0x38: {  	s10 =	sld [smem:$0x3FB9]  }
0x39: {  	_ = 	snop;
	(pc) =	sbr.ind lr, $3  }
0x3a: {  	_ = 	snop  }
0x3b: {  	_ = 	snop  }
0x3c: {  	p2 =	seq.s32 s10, $0x1;
	s10 =	sld [smem:$0x3FB8]  }
0x3d: {  	_ =	shalt  }
0x3e: {  	_ =	shalt  }
0x3f: {  	_ =	shalt  }
0x40: {  	_ =	shalt  }
0x41: {  	_ =	shalt  }
0x42: {  	_ =	shalt  }
0x43: {  	_ =	shalt  }
0x44: {  	_ =	shalt  }
0x45: {  	_ =	shalt  }
0x46: {  	_ =	shalt  }
0x47: {  	_ =	shalt  }
0x48: {  	_ =	shalt  }
0x49: {  	_ =	shalt  }
0x4a: {  	_ =	shalt  }
0x4b: {  	_ =	shalt  }
0x4c: {  	_ =	shalt  }
0x4d: {  	_ =	shalt  }
0x4e: {  	_ =	shalt  }
0x4f: {  	_ =	shalt  }
0x50: {  	_ =	shalt  }
0x51: {  	_ =	shalt  }
0x52: {  	_ =	shalt  }
0x53: {  	_ =	shalt  }
0x54: {  	_ =	shalt  }
0x55: {  	_ =	shalt  }
0x56: {  	_ =	shalt  }
0x57: {  	_ =	shalt  }
0x58: {  	_ =	shalt  }
0x59: {  	_ =	shalt  }
0x5a: {  	_ =	shalt  }
0x5b: {  	_ =	shalt  }
0x5c: {  	_ =	shalt  }
0x5d: {  	_ =	shalt  }
0x5e: {  	_ =	shalt  }
0x5f: {  	_ =	shalt  }
0x60: {  	_ =	shalt  }
0x61: {  	_ =	shalt  }
0x62: {  	_ =	shalt  }
0x63: {  	_ =	shalt  }
0x64: {  	_ =	shalt  }
0x65: {  	_ =	shalt  }
0x66: {  	_ =	shalt  }
0x67: {  	_ =	shalt  }
0x68: {  	_ =	shalt  }
0x69: {  	_ =	shalt  }
0x6a: {  	_ =	shalt  }
0x6b: {  	_ =	shalt  }
0x6c: {  	_ =	shalt  }
0x6d: {  	_ =	shalt  }
0x6e: {  	_ =	shalt  }
0x6f: {  	_ =	shalt  }
0x70: {  	_ =	shalt  }
0x71: {  	_ =	shalt  }
0x72: {  	_ =	shalt  }
0x73: {  	_ =	shalt  }
0x74: {  	_ =	shalt  }
0x75: {  	_ =	shalt  }
0x76: {  	_ =	shalt  }
0x77: {  	_ =	shalt  }
0x78: {  	_ =	shalt  }
0x79: {  	_ =	shalt  }
0x7a: {  	_ =	shalt  }
0x7b: {  	_ =	shalt  }
0x7c: {  	_ =	shalt  }
0x7d: {  	_ =	shalt  }
0x7e: {  	_ =	shalt  }
0x7f: {  	_ =	shalt  }
0x80: {  	_ =	shalt  }
0x81: {  	_ =	shalt  }
0x82: {  	_ =	shalt  }
0x83: {  	_ =	shalt  }
0x84: {  	_ =	shalt  }
0x85: {  	_ =	shalt  }
0x86: {  	_ =	shalt  }
0x87: {  	_ =	shalt  }
.Lfunc_end0:
.L_simem_size_0:
called_computation_lowered:
.L_overlay_start_0:
0x88: {  	s2 =	sld [smem:$0x3FD9]  }
0x89: {  	s3 =	sld [smem:$0x3FFE];
	_ =	sdelay $0x1  }
0x8a: {  	s1 =	srdreg.scid  }
0x8b: {  	s0 =	sand.u32 $0x1, s1  }
0x8c: {  	s16 =	sshll.u32 s0, $0xA;
	s2 =	sadd.s32 s3, s2  }
0x8d: {  	s2 =	sadd.s32 s2, s16  }
0x8e: {  	[smem:$0x3FC4] =	sst s2  }
0x8f: {  	_ = 	snop  }
0x90: {  	(tm) =	ssettm $0x1  }
0x91: {  	s17 =	sld [smem:$0x3FFB];
	_ =	sdelay $0x3  }
0x92: {  	_ =	strace s17  }
0x93: {  	s2 =	sld [smem:$0x3FFC];
	_ =	sdelay $0x3  }
0x94: {  	_ =	strace s2  }
0x95: {  	s2 =	sld [smem:$0x3FFD];
	_ =	sdelay $0x3  }
0x96: {  	_ =	strace s2  }
0x97: {  	_ =	strace $0x8FFFFFFF  }
0x98: {  	s18 =	sld [smem:$0x3FDB];
	_ =	sdelay $0x1  }
0x99: {  	s19 =	simm.s32 $_scs_section_size  }
0x9a: {  	s4 =	simm.s32 $_size__tile_overlayer_lowered;
	s5 =	simm.s32 $_tile_overlayer_lowered  }
0x9b: {  	s22 =	simm.s32 $0x1BFF;
	s21 =	sshll.u32 s5, $0x1;
	s2 =	sadd.s32 s19, s18  }
0x9c: {  	s6 =	simm.s32 $0x0;
	s20 =	sshll.u32 s4, $0x1;
	s4 =	sadd.s32 s21, s2  }
0x9d: {  	[timem:s6], [sflag:s22] =	dma.local [hbm:s4], s20  }
0x9e: {  	_ =	swait.ge [sflag:s22], s20  }
0x9f: {  	s3 =	ssub.s32 $0x0, s20;
	[sflag:s22] =	ssyncset.done $0x0  }
0xa0: {  	[sflag:s22] =	ssyncadd.s32 s3;
	_ =	sdelay $0x1  }
0xa1: {  	s23 =	simm.s32 $0x1B8B  }
0xa2: {  	_ =	swait.ge [sflag:s23], $0x1  }
0xa3: {  	[sflag:s23] =	ssyncset.done $0x0  }
0xa4: {  	s25 =	simm.s32 $0x1B8E;
	s24 =	sld [smem:$0x3FFE];
	[sflag:s23] =	ssyncadd.s32 $0xFFFFFFFF  }
0xa5: {  	s26 =	simm.s32 $execute0_lowered;
	[smem:$0x3FD2] =	sst s25  }
0xa6: {  	s4 =	sshll.u32 s26, $0x1;
	_ =	strace $0x80000046;
	[dreg:$0x1] =	wrdreg $0xFFFFFFFF  }
0xa7: {  	s28 =	simm.s32 $_size_execute0_lowered;
	s2 =	sadd.s32 s2, s4;
	[dreg:$0x0] =	wrdreg $0x0  }
0xa8: {  	s4 =	sshll.u32 s28, $0x1;
	[dreg:$0x2] =	wrdreg s2  }
0xa9: {  	[dreg:$0x3] =	wrdreg s4  }
0xaa: {  	[dreg:$0x4] =	wrdreg $0xC0  }
0xab: {  	_ =	task [dreg:s6], $0x5FFFF  }
0xac: {  	[dreg:$0x1] =	wrdreg $0xFFFFFFFF  }
0xad: {  	[dreg:$0x0] =	wrdreg $0x60  }
0xae: {  	[dreg:$0x2] =	wrdreg s24  }
0xaf: {  	[dreg:$0x3] =	wrdreg $0x9  }
0xb0: {  	_ =	task.clear_ibuf [dreg:s6], $0x4FFFF;
	_ =	strace $0x90000046  }
0xb1: {  	s29 =	simm.s32 $0x9;
	_ =	strace $0x80000048  }
0xb2: {  	_ =	swait.ge [sflag:s29], $0x1  }
0xb3: {  	[sflag:s29] =	ssyncadd.s32 $0xFFFFFFFF  }
0xb4: {  	_ =	strace $0x90000048  }
0xb5: {  	_ =	sfence  }
0xb6: {  	s30 =	sld [smem:$0x0];
	_ =	sdelay $0x2  }
0xb7: {  	s31 =	sshll.u32 s1, $0xD;
	s1 =	sshrl.u32 s1, $0x2  }
0xb8: {  	s3 =	sand.u32 $0x4000, s31;
	s1 =	sadd.s32 s1, s30  }
0xb9: {  	s0 =	sor.u32 s3, s0;
	s1 =	sshll.u32 s1, $0x11  }
0xba: {  	s0 =	sor.u32 s1, s0  }
0xbb: {  	s0 =	sadd.s32 $0x8F2B, s0  }
0xbc: {  	[sflag:s0] =	ssyncadd.remote.s32 $0x1  }
0xbd: {  	_ =	sfence.sel $0xFFFF  }
0xbe: {  	[dreg:$0x0] =	wrdreg $0xFFFFFFFF;
	(pc) =	sbr.abs _section_cstart, $3  }
0xbf: {  	[dreg:$0x1] =	wrdreg $0xFFFFFFFF  }
0xc0: {  	_ =	task.clear_ibuf [dreg:s6], $0x2FFFF;
	_ =	strace $0x9FFFFFFF  }
0xc1: {  	(tm) =	ssettm $0x7FFFFFFF  }
tec
execute0_lowered:
.L_overlay_start_1:
0x0: {  	(tag) =	ssettag $0x1  }
0x1: {  	v0 =	vimm.s32 $0xFEDCBA98;
	s3 =	rddreg [dreg:$0x0];
	v1 =	vimm.s32 $0x76543210  }
0x2: {  	s0 =	simm.s32 $0x0;
	s2 =	srdreg.scid;
	s1 =	stileid.u32;
	v3 =	vimm.s32 $0xBA987654;
	v4 =	vimm.s32 $0x10FEDCBA;
	v5 =	vimm.s32 $0x98765432  }
0x3: {  	v6 =	vimm.s32 $0xFEDCBA9;
	v7 =	vimm.s32 $0x87654321;
	s9 =	simm.s32 $0x1;
	s10 =	simm.s32 $0x2400;
	s11 =	simm.s32 $0x2480;
	v0 =	vunpack.c.l.s4.s8 v0  }
0x4: {  	s12 =	simm.s32 $0x0;
	[smem:$0x7FF] =	sst s0;
	v1 =	vunpack.c.l.s4.s8 v1;
	s4 =	sand.u32 $0x1, s2;
	v3 =	vunpack.c.l.s4.s8 v3;
	v4 =	vunpack.c.l.s4.s8 v4  }
0x5: {  	s5 =	sshrl.u32 s1, $0x2;
	s30 =	sshll.u32 s1, $0x8;
	s2 =	rddreg [dreg:$0x1];
	v5 =	vunpack.c.l.s4.s8 v5;
	v2 =	vunpack.c.0.s8.s32 v0;
	v0 =	vimm.s32 $0x3210FEDC  }
0x6: {  	v6 =	vunpack.c.l.s4.s8 v6;
	v7 =	vunpack.c.l.s4.s8 v7;
	s6 =	smul.u32 $0x12000, s5;
	s7 =	sshll.u32 s4, $0x7;
	s8 =	sand.u32 $0x300, s30;
	v0 =	vunpack.c.l.s4.s8 v0  }
0x7: {  	_ =	strace $0x80000047;
	s5 =	sshll.u32 s5, $0xA;
	s7 =	sor.u32 s7, s8;
	v3 =	vunpack.c.0.s8.s32 v3;
	v4 =	vunpack.c.0.s8.s32 v4;
	v5 =	vunpack.c.0.s8.s32 v5  }
0x8: {  	s4 =	ssub.s32 $0x2, s4;
	v6 =	vunpack.c.0.s8.s32 v6;
	v7 =	vunpack.c.0.s8.s32 v7;
	s6 =	sor.u32 s6, s7;
	s5 =	sor.u32 s5, s7;
	v0 =	vunpack.c.0.s8.s32 v0  }
0x9: {  	s31 =	sshrl.u32 s4, $0x1;
	v8 =	vunpack.c.0.s8.s32 v1;
	s6 =	sshrl.u32 s6, $0x3;
	s5 =	sshrl.u32 s5, $0x3;
	v1 =	vcombine.low v5, v4  }
0xa: {  	s8 =	simm.s32 $0x400;
	v9 =	vand.u32 $0xF, v2;
	v2 =	vcombine.low v7, v6;
	s6 =	sadd.s32 s6, s3;
	s5 =	sadd.s32 s5, s3;
	v0 =	vcombine.low v3, v0  }
0xb: {  	s7 =	ssub.s32 s4, s31;
	v4 =	vcombine.low v9, v8;
	s3 =	sadd.s32 $0x1400, s6;
	s4 =	sadd.s32 $0x1200, s5;
	v6 =	vand.u32 $0xF, v1  }
0xc: {  	s5 =	sadd.s32 $0xA400, s5;
	s6 =	smax.u32 s7, $0x1;
	s7 =	simm.s32 $0x80;
	v7 =	vand.u32 $0xF, v2;
	v3 =	vimm.s32 $0x0;
	v5 =	vand.u32 $0xF, v0  }
.LBB2_1:
0xd: {  	[tilespmem:s0], [sflag:$0x1] =	stream.strided.gather [hbm4b:s3+s7], $0x2400, s8, s7, $0x38;
	[tilespmem:$0x2500] =	vst v63  }
0xe: {  	_ =	swait.ge [sflag:s9], $0x2400  }
0xf: {  	[sflag:s9] =	ssyncset.done $0x0  }
0x10: {  	[sflag:s9] =	ssyncadd.s32 $0xFFFFDC00  }
0x11: {  	[tilespmem:s10], [sflag:$0x1] =	stream.linear.gather [hbm4b:s4+s0], $0x80, $0x38;
	[tilespmem:$0x2500] =	vst v63  }
0x12: {  	_ =	swait.ge [sflag:s9], $0x80  }
0x13: {  	[sflag:s9] =	ssyncset.done $0x0  }
0x14: {  	[sflag:s9] =	ssyncadd.s32 $0xFFFFFF80  }
0x15: {  	v9 =	vimm.s32 $0x80000000;
	v10 =	vimm.s32 $0x7FFFFFFF;
	s13 =	simm.s32 $0x0;
	v8 =	vld [tilespmem:$0x2400]  }
.LBB2_2:
0x16: {  	s15 =	simm.s32 $0x40  }
0x17: {  	v13 =	vld [tilespmem:s15+$0xFFFFFFC0]  }
0x18: {  	v15 =	vld [tilespmem:s15+$0xFFFFFFD0]  }
0x19: {  	v11 =	vxor.u32 v10, v9;
	v16 =	vld [tilespmem:s15+$0xFFFFFFE0]  }
0x1a: {  	v12 =	vand.u32 v10, v9;
	v11 =	vshra.s32 v11, $0x1;
	v14 =	vld [tilespmem:s15+$0xFFFFFFF0]  }
0x1b: {  	v11 =	vadd.s32 v11, v12;
	v12 =	vld [tilespmem:s15+$0x0]  }
0x1c: {  	vm0 =	vgt.s32 v13, v11;
	v13 =	vld [tilespmem:s15+$0x10]  }
0x1d: {  	v17 =	vimm.s32 $0x0;
	v18 =	vsel vm0, $0x1, v3;
	vm0 =	vgt.s32 v15, v11;
	v15 =	vld [tilespmem:s15+$0x20]  }
0x1e: {  	s14 =	simm.s32 $0x0;
	v17 =	vadd.s32 v18, v17;
	v18 =	vsel vm0, $0x1, v3;
	vm0 =	vgt.s32 v16, v11;
	v16 =	vld [tilespmem:s15+$0x30];
	s15 =	simm.s32 $0xC0  }
.LBB2_3:
0x1f: {  	v19 =	vld [tilespmem:s15+$0xFFFFFFC0];
	s14 =	sadd.s32 $0x8, s14;
	v17 =	vadd.s32 v18, v17;
	v18 =	vsel vm0, $0x1, v3;
	vm0 =	vgt.s32 v14, v11  }
0x20: {  	v20 =	vld [tilespmem:s15+$0xFFFFFFD0];
	p0 =	slt.u32 s14, $0x238;
	v14 =	vadd.s32 v18, v17;
	v17 =	vsel vm0, $0x1, v3;
	vm0 =	vgt.s32 v12, v11  }
0x21: {  	v21 =	vld [tilespmem:s15+$0xFFFFFFE0];
	v12 =	vadd.s32 v17, v14;
	v17 =	vsel vm0, $0x1, v3;
	vm0 =	vgt.s32 v13, v11  }
.Ltmp0:
0x22: {  	v14 =	vld [tilespmem:s15+$0xFFFFFFF0];
	v13 =	vadd.s32 v17, v12;
	v17 =	vsel vm0, $0x1, v3;
	vm0 =	vgt.s32 v15, v11;
	(pc) =	sbr.rel @p0 .LBB2_3-.Ltmp0, $4  }
0x23: {  	v12 =	vld [tilespmem:s15+$0x0];
	v15 =	vadd.s32 v17, v13;
	v17 =	vsel vm0, $0x1, v3;
	vm0 =	vgt.s32 v16, v11  }
0x24: {  	vm1 =	vgt.s32 v19, v11;
	v13 =	vld [tilespmem:s15+$0x10];
	v16 =	vadd.s32 v17, v15;
	v17 =	vsel vm0, $0x1, v3  }
0x25: {  	v18 =	vsel vm1, $0x1, v3;
	vm0 =	vgt.s32 v20, v11;
	v15 =	vld [tilespmem:s15+$0x20];
	v16 =	vadd.s32 v17, v16  }
0x26: {  	v17 =	vadd.s32 v18, v16;
	v18 =	vsel vm0, $0x1, v3;
	vm0 =	vgt.s32 v21, v11;
	v16 =	vld [tilespmem:s15+$0x30];
	s15 =	sadd.s32 $0x80, s15  }
0x27: {  	v17 =	vadd.s32 v18, v17;
	v56 =	vsel vm0, $0x1, v3;
	vm10 =	vgt.s32 v14, v11  }
0x28: {  	v57 =	vadd.s32 v56, v17;
	v58 =	vsel vm10, $0x1, v3;
	vm11 =	vgt.s32 v12, v11  }
0x29: {  	v59 =	vadd.s32 v58, v57;
	v60 =	vsel vm11, $0x1, v3;
	vm12 =	vgt.s32 v13, v11  }
0x2a: {  	v12 =	vadd.s32 v60, v59;
	v13 =	vsel vm12, $0x1, v3;
	vm13 =	vgt.s32 v15, v11  }
0x2b: {  	v12 =	vadd.s32 v13, v12;
	v61 =	vsel vm13, $0x1, v3;
	vm14 =	vgt.s32 v16, v11  }
0x2c: {  	v12 =	vadd.s32 v61, v12;
	v62 =	vsel vm14, $0x1, v3  }
0x2d: {  	v12 =	vadd.s32 v62, v12  }
0x2e: {  	v13 =	vperm.xlane v12, v4;
	_ =	sdelay $0x1  }
0x2f: {  	v12 =	vadd.s32 v12, v13  }
0x30: {  	v13 =	vperm.xlane v12, v0;
	_ =	sdelay $0x1  }
0x31: {  	v12 =	vadd.s32 v13, v12  }
0x32: {  	v13 =	vperm.xlane v12, v1;
	_ =	sdelay $0x1  }
0x33: {  	s13 =	sadd.s32 $0x1, s13;
	v12 =	vadd.s32 v13, v12  }
0x34: {  	p0 =	sne.s32 s13, $0x20;
	v13 =	vperm.xlane v12, v2  }
.Ltmp1:
0x35: {  	_ = 	snop;
	(pc) =	sbr.rel @p0 .LBB2_2-.Ltmp1, $4  }
0x36: {  	v12 =	vadd.s32 v13, v12  }
0x37: {  	vm2 =	vlt.s32 v9, v10;
	vm15 =	vlt.s32 v12, v8;
	vm1 =	vge.s32 v12, v8  }
0x38: {  	v63 =	vadd.s32 $0x1, v11;
	vm1 =	vmand vm2, vm1;
	vm0 =	vmand vm2, vm15  }
0x39: {  	v9 =	vsel vm1, v63, v9;
	v10 =	vsel vm0, v11, v10  }
0x3a: {  	s13 =	simm.s32 $0x40  }
0x3b: {  	v11 =	vld [tilespmem:s13+$0x30]  }
0x3c: {  	v15 =	vld [tilespmem:s13+$0x20]  }
0x3d: {  	v17 =	vld [tilespmem:s13+$0x10]  }
0x3e: {  	v18 =	vld [tilespmem:s13+$0x0]  }
0x3f: {  	v19 =	vimm.s32 $0x0;
	v20 =	vimm.f32 $0.0e+00;
	v21 =	vld [tilespmem:s13+$0xFFFFFFF0]  }
0x40: {  	v22 =	vimm.f32 $-Inf;
	v23 =	vld [tilespmem:s13+$0xFFFFFFE0];
	v16 =	vxor.u32 $0x7FFFFFFF, v11;
	vm0 =	vgt.s32 v11, v9  }
0x41: {  	v24 =	vld [tilespmem:s13+$0xFFFFFFD0];
	v25 =	vxor.u32 $0x7FFFFFFF, v15;
	vm1 =	vgt.s32 v15, v9;
	vm8 =	vlt.s32 v11, $0x0  }
0x42: {  	v26 =	vld [tilespmem:s13+$0xFFFFFFC0];
	v27 =	vxor.u32 $0x7FFFFFFF, v17;
	vm2 =	vgt.s32 v17, v9;
	vm9 =	vlt.s32 v15, $0x0  }
0x43: {  	v28 =	vxor.u32 $0x7FFFFFFF, v18;
	vm3 =	vgt.s32 v18, v9;
	vm10 =	vlt.s32 v17, $0x0  }
0x44: {  	v29 =	vxor.u32 $0x7FFFFFFF, v21;
	vm4 =	vgt.s32 v21, v9;
	vm5 =	vlt.s32 v18, $0x0  }
0x45: {  	v30 =	vxor.u32 $0x7FFFFFFF, v23;
	vm6 =	vgt.s32 v23, v9;
	vm7 =	vlt.s32 v21, $0x0  }
0x46: {  	v31 =	vxor.u32 $0x7FFFFFFF, v24;
	vm11 =	vgt.s32 v24, v9;
	vm12 =	vlt.s32 v23, $0x0  }
0x47: {  	v32 =	vxor.u32 $0x7FFFFFFF, v26;
	vm13 =	vgt.s32 v26, v9;
	vm14 =	vlt.s32 v24, $0x0  }
0x48: {  	vm15 =	vlt.s32 v26, $0x0;
	v12 =	vsel vm1, $0x1, v3;
	v10 =	vsel vm0, $0x1, v3  }
0x49: {  	v14 =	vsel vm3, $0x1, v3;
	v13 =	vsel vm2, $0x1, v3;
	v11 =	vsel vm8, v16, v11  }
0x4a: {  	v26 =	vsel vm15, v32, v26;
	v16 =	vsel vm4, $0x1, v3;
	v15 =	vsel vm9, v25, v15  }
0x4b: {  	v59 =	vsel vm6, $0x1, v3;
	v58 =	vnsel vm13, $0x0, v26;
	v26 =	vmax.f32 v22, v26  }
0x4c: {  	v24 =	vsel vm14, v31, v24;
	v20 =	vadd.f32 v58, v20;
	v22 =	vsel vm13, v22, v26  }
0x4d: {  	v61 =	vsel vm10, v27, v17;
	v60 =	vnsel vm11, $0x0, v24;
	v24 =	vmax.f32 v22, v24  }
0x4e: {  	v17 =	vadd.f32 v60, v20;
	v20 =	vsel vm11, v22, v24;
	v22 =	vsel vm12, v30, v23  }
0x4f: {  	v21 =	vsel vm7, v29, v21;
	v62 =	vnsel vm6, $0x0, v22;
	v22 =	vmax.f32 v20, v22  }
0x50: {  	v18 =	vsel vm5, v28, v18;
	v17 =	vadd.f32 v62, v17;
	v20 =	vsel vm6, v20, v22  }
0x51: {  	v63 =	vnsel vm4, $0x0, v21;
	v23 =	vsel vm11, $0x1, v3;
	v21 =	vmax.f32 v20, v21  }
0x52: {  	v22 =	vsel vm13, $0x1, v3;
	v17 =	vadd.f32 v63, v17;
	v20 =	vsel vm4, v20, v21  }
0x53: {  	v19 =	vadd.s32 v22, v19;
	v21 =	vnsel vm3, $0x0, v18;
	v22 =	vmax.f32 v20, v18  }
0x54: {  	v19 =	vadd.s32 v23, v19;
	v18 =	vadd.f32 v21, v17;
	v17 =	vsel vm3, v20, v22  }
0x55: {  	s14 =	simm.s32 $0xC0;
	s13 =	simm.s32 $0x0;
	v20 =	vadd.s32 v59, v19;
	v21 =	vnsel vm2, $0x0, v61;
	v19 =	vmax.f32 v17, v61  }
.LBB2_6:
0x56: {  	v22 =	vld [tilespmem:s14+$0x30];
	v16 =	vadd.s32 v16, v20;
	v18 =	vadd.f32 v21, v18;
	v17 =	vsel vm2, v17, v19  }
0x57: {  	v19 =	vld [tilespmem:s14+$0x20];
	v14 =	vadd.s32 v14, v16;
	v16 =	vnsel vm1, $0x0, v15;
	v15 =	vmax.f32 v17, v15  }
0x58: {  	v20 =	vld [tilespmem:s14+$0x10];
	v13 =	vadd.s32 v13, v14;
	v14 =	vadd.f32 v16, v18;
	v15 =	vsel vm1, v17, v15  }
0x59: {  	v17 =	vld [tilespmem:s14+$0x0];
	v12 =	vadd.s32 v12, v13;
	v13 =	vnsel vm0, $0x0, v11;
	v11 =	vmax.f32 v15, v11  }
0x5a: {  	v18 =	vld [tilespmem:s14+$0xFFFFFFF0];
	v21 =	vadd.s32 v10, v12;
	v23 =	vadd.f32 v13, v14;
	v24 =	vsel vm0, v15, v11  }
0x5b: {  	v25 =	vld [tilespmem:s14+$0xFFFFFFE0];
	v11 =	vxor.u32 $0x7FFFFFFF, v22;
	vm0 =	vgt.s32 v22, v9  }
0x5c: {  	vm11 =	vlt.s32 v22, $0x0;
	v26 =	vld [tilespmem:s14+$0xFFFFFFD0];
	v15 =	vxor.u32 $0x7FFFFFFF, v19;
	vm1 =	vgt.s32 v19, v9  }
0x5d: {  	vm12 =	vlt.s32 v19, $0x0;
	v16 =	vld [tilespmem:s14+$0xFFFFFFC0];
	v27 =	vxor.u32 $0x7FFFFFFF, v20;
	vm2 =	vgt.s32 v20, v9  }
0x5e: {  	vm8 =	vlt.s32 v20, $0x0;
	v28 =	vxor.u32 $0x7FFFFFFF, v17;
	vm3 =	vgt.s32 v17, v9  }
0x5f: {  	s13 =	sadd.s32 $0x8, s13;
	vm5 =	vlt.s32 v17, $0x0;
	v29 =	vxor.u32 $0x7FFFFFFF, v18;
	vm4 =	vgt.s32 v18, v9  }
0x60: {  	p0 =	slt.u32 s13, $0x238;
	vm7 =	vlt.s32 v18, $0x0;
	v30 =	vxor.u32 $0x7FFFFFFF, v25;
	vm6 =	vgt.s32 v25, v9  }
0x61: {  	vm13 =	vlt.s32 v25, $0x0;
	v31 =	vxor.u32 $0x7FFFFFFF, v26;
	vm10 =	vgt.s32 v26, v9  }
0x62: {  	vm14 =	vlt.s32 v26, $0x0;
	v32 =	vxor.u32 $0x7FFFFFFF, v16;
	vm9 =	vgt.s32 v16, v9  }
0x63: {  	v10 =	vsel vm0, $0x1, v3;
	v12 =	vsel vm1, $0x1, v3;
	vm15 =	vlt.s32 v16, $0x0  }
0x64: {  	v11 =	vsel vm11, v11, v22;
	v13 =	vsel vm2, $0x1, v3;
	v14 =	vsel vm3, $0x1, v3  }
0x65: {  	v15 =	vsel vm12, v15, v19;
	v22 =	vsel vm15, v32, v16;
	v16 =	vsel vm4, $0x1, v3  }
0x66: {  	v32 =	vsel vm6, $0x1, v3;
	v19 =	vnsel vm9, $0x0, v22;
	v22 =	vmax.f32 v24, v22  }
0x67: {  	v19 =	vadd.f32 v19, v23;
	v22 =	vsel vm9, v24, v22;
	v23 =	vsel vm14, v31, v26  }
0x68: {  	v26 =	vsel vm8, v27, v20;
	v24 =	vnsel vm10, $0x0, v23;
	v23 =	vmax.f32 v22, v23  }
0x69: {  	v19 =	vadd.f32 v24, v19;
	v20 =	vsel vm10, v22, v23;
	v22 =	vsel vm13, v30, v25  }
0x6a: {  	v23 =	vsel vm10, $0x1, v3;
	v24 =	vnsel vm6, $0x0, v22;
	v22 =	vmax.f32 v20, v22  }
0x6b: {  	v18 =	vsel vm7, v29, v18;
	v19 =	vadd.f32 v24, v19;
	v20 =	vsel vm6, v20, v22  }
.Ltmp2:
0x6c: {  	v22 =	vsel vm9, $0x1, v3;
	v24 =	vnsel vm4, $0x0, v18;
	v18 =	vmax.f32 v20, v18;
	(pc) =	sbr.rel @p0 .LBB2_6-.Ltmp2, $4  }
0x6d: {  	v17 =	vsel vm5, v28, v17;
	v19 =	vadd.f32 v24, v19;
	v20 =	vsel vm4, v20, v18  }
0x6e: {  	v18 =	vadd.s32 v22, v21;
	v21 =	vnsel vm3, $0x0, v17;
	v17 =	vmax.f32 v20, v17  }
0x6f: {  	v22 =	vadd.s32 v23, v18;
	v18 =	vadd.f32 v21, v19;
	v17 =	vsel vm3, v20, v17  }
0x70: {  	s14 =	sadd.s32 $0x80, s14;
	v20 =	vadd.s32 v32, v22;
	v21 =	vnsel vm2, $0x0, v26;
	v19 =	vmax.f32 v17, v26  }
0x71: {  	v9 =	vadd.s32 v16, v20;
	v47 =	vadd.f32 v21, v18  }
0x72: {  	v48 =	vnsel vm1, $0x0, v15;
	v9 =	vadd.s32 v14, v9  }
0x73: {  	v50 =	vsel vm2, v17, v19;
	v9 =	vadd.s32 v13, v9;
	v49 =	vadd.f32 v48, v47  }
0x74: {  	v51 =	vnsel vm0, $0x0, v11;
	v52 =	vmax.f32 v50, v15;
	v9 =	vadd.s32 v12, v9  }
0x75: {  	v9 =	vadd.s32 v10, v9;
	v13 =	vadd.f32 v51, v49;
	v10 =	vsel vm1, v50, v52  }
0x76: {  	v53 =	vperm.xlane v9, v4;
	v54 =	vmax.f32 v10, v11  }
0x77: {  	v55 =	vperm.xlane v13, v4;
	v10 =	vsel vm0, v10, v54  }
0x78: {  	v9 =	vadd.s32 v9, v53;
	v57 =	vperm.xlane v10, v4  }
0x79: {  	v56 =	vperm.xlane v9, v5;
	v12 =	vadd.f32 v55, v13  }
0x7a: {  	v10 =	vmax.f32 v10, v57  }
0x7b: {  	v9 =	vadd.s32 v56, v9;
	v58 =	vperm.xlane v12, v5;
	v13 =	vperm.xlane v10, v5  }
0x7c: {  	v11 =	vperm.xlane v9, v6  }
0x7d: {  	v59 =	vadd.f32 v58, v12;
	v10 =	vmax.f32 v10, v13  }
0x7e: {  	v9 =	vadd.s32 v11, v9;
	v62 =	vperm.xlane v10, v6  }
0x7f: {  	v60 =	vperm.xlane v9, v7;
	v61 =	vperm.xlane v59, v6;
	_ =	sdelay $0x1  }
0x80: {  	v10 =	vmax.f32 v10, v62;
	v11 =	vadd.f32 v61, v59;
	v9 =	vadd.s32 v9, v60  }
0x81: {  	v63 =	vperm.xlane v10, v7;
	v9 =	vsub.s32 v8, v9  }
0x82: {  	v13 =	vperm.xlane v11, v7;
	v9 =	vcvt.s32.f32 v9  }
0x83: {  	v10 =	vmax.f32 v10, v63  }
0x84: {  	v11 =	vadd.f32 v13, v11;
	v9 =	vmul.f32 v9, v10;
	_ =	sdelay $0x1  }
0x85: {  	v9 =	vadd.f32 v9, v11  }
0x86: {  	vm15 =	vgt.s32 v8, $0x0;
	s12 =	sadd.s32 $0x1, s12  }
0x87: {  	p0 =	sne.s32 s12, s6;
	v8 =	vnsel vm15, $0x0, v9  }
.Ltmp3:
0x88: {  	[tilespmem:$0x2480] =	vst v8;
	(pc) =	sbr.rel @p0 .LBB2_1-.Ltmp3, $4  }
0x89: {  	[hbm4b:s5+s0] =	stream.linear.scatter [tilespmem:s11], [sflag:$0x1], $0x80, $0x38;
	[tilespmem:$0x2500] =	vst v63  }
0x8a: {  	_ =	swait.ge [sflag:s9], $0x80  }
0x8b: {  	[sflag:s9] =	ssyncset.done $0x0  }
0x8c: {  	[sflag:s9] =	ssyncadd.s32 $0xFFFFFF80  }
0x8d: {  	_ =	sfence.sel $0x180000  }
0x8e: {  	[bflag:$0x0] =	sbarrier.arrive $0xFFFF  }
0x8f: {  	p0 =	sne.s32 s1, $0x0;
	_ =	strace $0x90000047  }
0x90: {  	s0 =	sadd.s32 @!p0 $0x100000, s2;
	[bflag:$0x2] =	sbarrier.arrive $0xFFFF  }
0x91: {  	[sflag:s0] =	ssyncadd.tile.s32 @!p0 $0x1;
	_ =	shalt  }
.Lfunc_end2:
_tile_overlayer_lowered:
.L_overlay_start_2:
0x92: {  	(tag) =	ssettag $0x2  }
0x93: {  	s0 =	rddreg [dreg:$0x0];
	s2 =	stileid.u32  }
0x94: {  	s1 =	rddreg [dreg:$0x1];
	p0 =	sne.s32 s2, $0x0  }
0x95: {  	s3 =	rddreg [dreg:$0x2];
	[bflag:$0x3] =	sbarrier.arrive $0xFFFF;
	s2 =	simm.s32 @!p0 $0x1C01  }
0x96: {  	[timem:s3], [sflag:s2] =	dma.local @!p0 [hbm:s0], s1  }
0x97: {  	s0 =	simm.s32 @!p0 $0x1  }
0x98: {  	_ =	swait.ge @!p0 [sflag:s0], s1  }
0x99: {  	s1 =	ssub.s32 @!p0 $0x0, s1;
	[sflag:s0] =	ssyncset.done @!p0 $0x0  }
0x9a: {  	[sflag:s0] =	ssyncadd.s32 @!p0 s1  }
0x9b: {  	[bflag:$0x3] =	sbarrier.arrive $0xFFFF  }
0x9c: {  	_ =	shalt  }

</sc_bundles>
